<compile_context>
chip_gen: v7x
topology: tpu7x:2x2x1
jax: 0.10.2.dev20260603
libtpu: 0.0.44.dev20260713+nightly
codegen_flags: <defaults>
</compile_context>

<pallas_src>
import functools

import jax
import jax.numpy as jnp
from jax import lax
from jax.experimental import pallas as pl
from jax.experimental.pallas import tpu as pltpu
from jax.experimental.pallas import tpu_sc as plsc

_B = 16384
_D = 64
_NSEM = 5
_NC = 2
_NS = 16
_NW = _NC * _NS
_BPW = _B // _NW
_CHUNK = 128
_NCHUNK = _BPW // _CHUNK
_NIDX = _CHUNK * _NSEM


def _sc_body(data_hbm, w2s_hbm, ivec_hbm, svec_hbm, out_hbm,
             idx_v, idx5_v, sval_v, wv_v, sem_v, outb_v,
             sem_w, sem_s):
    wid = lax.axis_index("s") * _NC + lax.axis_index("c")
    base = wid * _BPW
    pltpu.sync_copy(data_hbm.at[pl.ds(base, _BPW)], idx_v)

    lanes = lax.iota(jnp.int32, 16)
    for c in range(_NCHUNK):
        idx_c = idx_v.at[pl.ds(c * _CHUNK, _CHUNK)]
        cp_w = pltpu.async_copy(ivec_hbm.at[idx_c], wv_v, sem_w)

        for g in range(_CHUNK // 16):
            v5 = idx_v[pl.ds(c * _CHUNK + g * 16, 16)] * _NSEM
            for j in range(_NSEM):
                idx5_v[pl.ds(j * _CHUNK + g * 16, 16)] = v5 + j

        cp_s = pltpu.async_copy(w2s_hbm.at[idx5_v], sval_v, sem_s)
        cp_s.wait()
        cp_g = pltpu.async_copy(svec_hbm.at[sval_v], sem_v, sem_s)
        cp_g.wait()
        cp_w.wait()

        def item(i, carry):
            ss = []
            sq = None
            for q in range(_D // 16):
                sl = pl.ds(q * 16, 16)
                acc = sem_v[i, sl]
                for j in range(1, _NSEM):
                    acc = acc + sem_v[j * _CHUNK + i, sl]
                ss.append(acc)
                sq = acc * acc if sq is None else sq + acc * acc
            total = jnp.maximum(jnp.sum(sq), jnp.float32(1e-24))
            ti = lax.bitcast_convert_type(total, jnp.int32)
            yi = jnp.int32(0x5F3759DF) - lax.shift_right_arithmetic(ti, 1)
            y = lax.bitcast_convert_type(yi, jnp.float32)
            for _ in range(3):
                y = y * (jnp.float32(1.5) - jnp.float32(0.5) * total * y * y)
            half_y = jnp.float32(0.5) * y
            for q in range(_D // 16):
                sl = pl.ds(q * 16, 16)
                outb_v[i, sl] = jnp.float32(0.5) * wv_v[i, sl] + half_y * ss[q]
            return carry

        lax.fori_loop(0, _CHUNK, item, 0)
        pltpu.sync_copy(outb_v, out_hbm.at[pl.ds(base + c * _CHUNK, _CHUNK)])


def kernel(data, widx2sidxs, ivectors, svectors):
    data = data.astype(jnp.int32)
    w2s_flat = widx2sidxs.astype(jnp.int32).reshape(-1)
    mesh = plsc.VectorSubcoreMesh(core_axis_name="c", subcore_axis_name="s")
    f = functools.partial(
        pl.kernel,
        out_type=jax.ShapeDtypeStruct((_B, _D), jnp.float32),
        mesh=mesh,
        compiler_params=pltpu.CompilerParams(use_tc_tiling_on_sc=False,
                                             needs_layout_passes=False),
        scratch_types=[
            pltpu.VMEM((_BPW,), jnp.int32),
            pltpu.VMEM((_NIDX,), jnp.int32),
            pltpu.VMEM((_NIDX,), jnp.int32),
            pltpu.VMEM((_CHUNK, _D), jnp.float32),
            pltpu.VMEM((_NIDX, _D), jnp.float32),
            pltpu.VMEM((_CHUNK, _D), jnp.float32),
            pltpu.SemaphoreType.DMA,
            pltpu.SemaphoreType.DMA,
        ],
    )(_sc_body)
    return f(data, w2s_flat, ivectors, svectors)

# --- scband reference (transcript-rebuilt; emitter-appended) ---
"""Pipeline reference for scband-word2-vec-76596446757296 (READ-ONLY COPY).

The authoritative reference and input builder live on the scoring server;
editing this copy changes nothing except your own understanding.
"""

import jax, jax.numpy as jnp
import numpy as np

VOCAB = 1000000
SEMEMES = 2000
EMBED = 64
NSEM = 5
BATCH = 16384
ALPHA = 0.5

def setup_inputs(seed: int = 0) -> dict:
    key = jax.random.key(seed)
    k1, k2, k3, k4 = jax.random.split(key, 4)
    data = jax.random.randint(k1, (BATCH,), 0, VOCAB)
    widx2sidxs = jax.random.randint(k2, (VOCAB, NSEM), 0, SEMEMES)
    ivectors = jax.random.normal(k3, (VOCAB, EMBED), dtype=jnp.float32) * 0.1
    svectors = jax.random.uniform(k4, (SEMEMES, EMBED), minval=-0.5 / EMBED, maxval=0.5 / EMBED, dtype=jnp.float32)
    return {"data": data, "widx2sidxs": widx2sidxs, "ivectors": ivectors, "svectors": svectors}

def reference(data, widx2sidxs, ivectors, svectors):
    # s = self.widx2sidxs[v]
    s = jnp.take(widx2sidxs, data, axis=0)            # [B, NSEM]
    # wordvec = self.ivectors(v)
    wordvec = jnp.take(ivectors, data, axis=0)        # [B, D]
    # sememevec = F.normalize(self.svectors(s).sum(1), dim=1, p=2)
    sem = jnp.take(svectors, s, axis=0)               # [B, NSEM, D]
    ssum = jnp.sum(sem, axis=1)                       # [B, D]
    norm = jnp.sqrt(jnp.sum(ssum * ssum, axis=1, keepdims=True))
    sememevec = ssum / jnp.maximum(norm, 1e-12)       # torch F.normalize eps=1e-12
    return ALPHA * wordvec + (1.0 - ALPHA) * sememevec

if __name__ == "__main__":
    import jax
    _d = setup_inputs()
    print(jax.jit(kernel)(*tuple(_d.values())))

</pallas_src>

<mosaic_0001>
#map = affine_map<(d0, d1) -> (0)>
#map1 = affine_map<(d0, d1) -> (0, 0)>
module attributes {stable_mosaic.version = 14 : i64} {
  func.func @_sc_body(%arg0: i32, %arg1: i32, %arg2: memref<16384xi32, #tpu.memory_space<hbm>>, %arg3: memref<5000000xi32, #tpu.memory_space<hbm>>, %arg4: memref<1000000x64xf32, #tpu.memory_space<hbm>>, %arg5: memref<2000x64xf32, #tpu.memory_space<hbm>>, %arg6: memref<16384x64xf32, #tpu.memory_space<hbm>>, %arg7: memref<512xi32, #tpu.memory_space<vmem>>, %arg8: memref<640xi32, #tpu.memory_space<vmem>>, %arg9: memref<640xi32, #tpu.memory_space<vmem>>, %arg10: memref<128x64xf32, #tpu.memory_space<vmem>>, %arg11: memref<640x64xf32, #tpu.memory_space<vmem>>, %arg12: memref<128x64xf32, #tpu.memory_space<vmem>>, %arg13: memref<!tpu.dma_semaphore, #tpu.memory_space<semaphore_mem>>, %arg14: memref<!tpu.dma_semaphore, #tpu.memory_space<semaphore_mem>>) attributes {dimension_semantics = [#tpu.dimension_semantics<core_parallel>, #tpu.dimension_semantics<subcore_parallel>], iteration_bounds = array<i64: 2, 16>, scalar_prefetch = 0 : i64, scratch_operands = 8 : i64, tpu.core_type = #tpu.core_type<sc_vector_subcore>, window_params = [{transform_indices = #map}, {transform_indices = #map}, {transform_indices = #map1}, {transform_indices = #map1}, {transform_indices = #map1}]} {
    %mul3A = arith.constant 2 : i32
    %mul3A_0 = arith.muli %arg1, %mul3A : i32
    %add3A = arith.addi %mul3A_0, %arg0 : i32
    %mul3A_1 = arith.constant 512 : i32
    %mul3A_2 = arith.muli %add3A, %mul3A_1 : i32
    "tpu.region"() ({
      %run_scoped3A = tpu.sem_alloc : memref<!tpu.dma_semaphore, #tpu.memory_space<semaphore_mem>>
      %dma_start3A_1070 = tpu.memref_slice %arg2[%mul3A_2] : memref<16384xi32, #tpu.memory_space<hbm>> -> memref<512xi32, #tpu.memory_space<hbm>>
      %dma_start3A_1071 = tpu.memref_slice %arg2[%mul3A_2] : memref<16384xi32, #tpu.memory_space<hbm>> -> memref<512xi32, #tpu.memory_space<hbm>>
      tpu.enqueue_dma source(%dma_start3A_1071 : memref<512xi32, #tpu.memory_space<hbm>>) target(%arg7 : memref<512xi32, #tpu.memory_space<vmem>>) target_semaphore(%run_scoped3A : memref<!tpu.dma_semaphore, #tpu.memory_space<semaphore_mem>>)
      %dma_wait3A_1072 = tpu.memref_slice %arg2[%mul3A_2] : memref<16384xi32, #tpu.memory_space<hbm>> -> memref<512xi32, #tpu.memory_space<hbm>>
      %dma_wait3A_1073 = tpu.memref_slice %arg2[%mul3A_2] : memref<16384xi32, #tpu.memory_space<hbm>> -> memref<512xi32, #tpu.memory_space<hbm>>
      tpu.wait_dma2 semaphore(%run_scoped3A : memref<!tpu.dma_semaphore, #tpu.memory_space<semaphore_mem>>) src(%dma_wait3A_1073 : memref<512xi32, #tpu.memory_space<hbm>>) dst(%arg7 : memref<512xi32, #tpu.memory_space<vmem>>)
      tpu.yield
    }) : () -> ()
    %iota3A = tpu.iota {dimensions = array<i32: 0>} : vector<16xi32>
    %dma_start3A = arith.constant 0 : i32
    %dma_start3A_3 = tpu.memref_slice %arg7[%dma_start3A] : memref<512xi32, #tpu.memory_space<vmem>> -> memref<128xi32, #tpu.memory_space<vmem>>
    %dma_start3A_4 = arith.constant 0 : i32
    %dma_start3A_5 = arith.constant 0 : i32
    %dma_start3A_6 = tpu.memref_slice %arg4[%dma_start3A_4, %dma_start3A_5] : memref<1000000x64xf32, #tpu.memory_space<hbm>> -> memref<1000000x64xf32, #tpu.memory_space<hbm>>
    tpu.enqueue_indirect_dma source(%dma_start3A_6 : memref<1000000x64xf32, #tpu.memory_space<hbm>>) target(%arg10 : memref<128x64xf32, #tpu.memory_space<vmem>>) offsets(%dma_start3A_3 : memref<128xi32, #tpu.memory_space<vmem>>) semaphore(%arg13 : memref<!tpu.dma_semaphore, #tpu.memory_space<semaphore_mem>>)
    %get3A = arith.constant 0 : index
    %get3A_7 = tpu.vector_load %arg7[%get3A] {strides = array<i32>} : memref<512xi32, #tpu.memory_space<vmem>>, vector<16xi32>,
    %mul3A_8 = arith.constant 5 : i32
    %mul3A_9 = vector.broadcast %mul3A_8 : i32 to vector<16xi32>
    %mul3A_10 = arith.muli %get3A_7, %mul3A_9 : vector<16xi32>
    %add3A_11 = arith.constant 0 : i32
    %add3A_12 = vector.broadcast %add3A_11 : i32 to vector<16xi32>
    %add3A_13 = arith.addi %mul3A_10, %add3A_12 : vector<16xi32>
    %swap3A = arith.constant 0 : index
    %swap3A_14 = tpu.vector_load %arg8[%swap3A] {strides = array<i32>} : memref<640xi32, #tpu.memory_space<vmem>>, vector<16xi32>,
    tpu.vector_store %arg8[%swap3A], %add3A_13 {strides = array<i32>} : memref<640xi32, #tpu.memory_space<vmem>>, vector<16xi32>,
    %add3A_15 = arith.constant 1 : i32
    %add3A_16 = vector.broadcast %add3A_15 : i32 to vector<16xi32>
    %add3A_17 = arith.addi %mul3A_10, %add3A_16 : vector<16xi32>
    %swap3A_18 = arith.constant 128 : index
    %swap3A_19 = tpu.vector_load %arg8[%swap3A_18] {strides = array<i32>} : memref<640xi32, #tpu.memory_space<vmem>>, vector<16xi32>,
    tpu.vector_store %arg8[%swap3A_18], %add3A_17 {strides = array<i32>} : memref<640xi32, #tpu.memory_space<vmem>>, vector<16xi32>,
    %add3A_20 = arith.constant 2 : i32
    %add3A_21 = vector.broadcast %add3A_20 : i32 to vector<16xi32>
    %add3A_22 = arith.addi %mul3A_10, %add3A_21 : vector<16xi32>
    %swap3A_23 = arith.constant 256 : index
    %swap3A_24 = tpu.vector_load %arg8[%swap3A_23] {strides = array<i32>} : memref<640xi32, #tpu.memory_space<vmem>>, vector<16xi32>,
    tpu.vector_store %arg8[%swap3A_23], %add3A_22 {strides = array<i32>} : memref<640xi32, #tpu.memory_space<vmem>>, vector<16xi32>,
    %add3A_25 = arith.constant 3 : i32
    %add3A_26 = vector.broadcast %add3A_25 : i32 to vector<16xi32>
    %add3A_27 = arith.addi %mul3A_10, %add3A_26 : vector<16xi32>
    %swap3A_28 = arith.constant 384 : index
    %swap3A_29 = tpu.vector_load %arg8[%swap3A_28] {strides = array<i32>} : memref<640xi32, #tpu.memory_space<vmem>>, vector<16xi32>,
    tpu.vector_store %arg8[%swap3A_28], %add3A_27 {strides = array<i32>} : memref<640xi32, #tpu.memory_space<vmem>>, vector<16xi32>,
    %add3A_30 = arith.constant 4 : i32
    %add3A_31 = vector.broadcast %add3A_30 : i32 to vector<16xi32>
    %add3A_32 = arith.addi %mul3A_10, %add3A_31 : vector<16xi32>
    %swap3A_33 = arith.constant 512 : index
    %swap3A_34 = tpu.vector_load %arg8[%swap3A_33] {strides = array<i32>} : memref<640xi32, #tpu.memory_space<vmem>>, vector<16xi32>,
    tpu.vector_store %arg8[%swap3A_33], %add3A_32 {strides = array<i32>} : memref<640xi32, #tpu.memory_space<vmem>>, vector<16xi32>,
    %get3A_35 = arith.constant 16 : index
    %get3A_36 = tpu.vector_load %arg7[%get3A_35] {strides = array<i32>} : memref<512xi32, #tpu.memory_space<vmem>>, vector<16xi32>,
    %mul3A_37 = arith.constant 5 : i32
    %mul3A_38 = vector.broadcast %mul3A_37 : i32 to vector<16xi32>
    %mul3A_39 = arith.muli %get3A_36, %mul3A_38 : vector<16xi32>
    %add3A_40 = arith.constant 0 : i32
    %add3A_41 = vector.broadcast %add3A_40 : i32 to vector<16xi32>
    %add3A_42 = arith.addi %mul3A_39, %add3A_41 : vector<16xi32>
    %swap3A_43 = arith.constant 16 : index
    %swap3A_44 = tpu.vector_load %arg8[%swap3A_43] {strides = array<i32>} : memref<640xi32, #tpu.memory_space<vmem>>, vector<16xi32>,
    tpu.vector_store %arg8[%swap3A_43], %add3A_42 {strides = array<i32>} : memref<640xi32, #tpu.memory_space<vmem>>, vector<16xi32>,
    %add3A_45 = arith.constant 1 : i32
    %add3A_46 = vector.broadcast %add3A_45 : i32 to vector<16xi32>
    %add3A_47 = arith.addi %mul3A_39, %add3A_46 : vector<16xi32>
    %swap3A_48 = arith.constant 144 : index
    %swap3A_49 = tpu.vector_load %arg8[%swap3A_48] {strides = array<i32>} : memref<640xi32, #tpu.memory_space<vmem>>, vector<16xi32>,
    tpu.vector_store %arg8[%swap3A_48], %add3A_47 {strides = array<i32>} : memref<640xi32, #tpu.memory_space<vmem>>, vector<16xi32>,
    %add3A_50 = arith.constant 2 : i32
    %add3A_51 = vector.broadcast %add3A_50 : i32 to vector<16xi32>
    %add3A_52 = arith.addi %mul3A_39, %add3A_51 : vector<16xi32>
    %swap3A_53 = arith.constant 272 : index
    %swap3A_54 = tpu.vector_load %arg8[%swap3A_53] {strides = array<i32>} : memref<640xi32, #tpu.memory_space<vmem>>, vector<16xi32>,
    tpu.vector_store %arg8[%swap3A_53], %add3A_52 {strides = array<i32>} : memref<640xi32, #tpu.memory_space<vmem>>, vector<16xi32>,
    %add3A_55 = arith.constant 3 : i32
    %add3A_56 = vector.broadcast %add3A_55 : i32 to vector<16xi32>
    %add3A_57 = arith.addi %mul3A_39, %add3A_56 : vector<16xi32>
    %swap3A_58 = arith.constant 400 : index
    %swap3A_59 = tpu.vector_load %arg8[%swap3A_58] {strides = array<i32>} : memref<640xi32, #tpu.memory_space<vmem>>, vector<16xi32>,
    tpu.vector_store %arg8[%swap3A_58], %add3A_57 {strides = array<i32>} : memref<640xi32, #tpu.memory_space<vmem>>, vector<16xi32>,
    %add3A_60 = arith.constant 4 : i32
    %add3A_61 = vector.broadcast %add3A_60 : i32 to vector<16xi32>
    %add3A_62 = arith.addi %mul3A_39, %add3A_61 : vector<16xi32>
    %swap3A_63 = arith.constant 528 : index
    %swap3A_64 = tpu.vector_load %arg8[%swap3A_63] {strides = array<i32>} : memref<640xi32, #tpu.memory_space<vmem>>, vector<16xi32>,
    tpu.vector_store %arg8[%swap3A_63], %add3A_62 {strides = array<i32>} : memref<640xi32, #tpu.memory_space<vmem>>, vector<16xi32>,
    %get3A_65 = arith.constant 32 : index
    %get3A_66 = tpu.vector_load %arg7[%get3A_65] {strides = array<i32>} : memref<512xi32, #tpu.memory_space<vmem>>, vector<16xi32>,
    %mul3A_67 = arith.constant 5 : i32
    %mul3A_68 = vector.broadcast %mul3A_67 : i32 to vector<16xi32>
    %mul3A_69 = arith.muli %get3A_66, %mul3A_68 : vector<16xi32>
    %add3A_70 = arith.constant 0 : i32
    %add3A_71 = vector.broadcast %add3A_70 : i32 to vector<16xi32>
    %add3A_72 = arith.addi %mul3A_69, %add3A_71 : vector<16xi32>
    %swap3A_73 = arith.constant 32 : index
    %swap3A_74 = tpu.vector_load %arg8[%swap3A_73] {strides = array<i32>} : memref<640xi32, #tpu.memory_space<vmem>>, vector<16xi32>,
    tpu.vector_store %arg8[%swap3A_73], %add3A_72 {strides = array<i32>} : memref<640xi32, #tpu.memory_space<vmem>>, vector<16xi32>,
    %add3A_75 = arith.constant 1 : i32
    %add3A_76 = vector.broadcast %add3A_75 : i32 to vector<16xi32>
    %add3A_77 = arith.addi %mul3A_69, %add3A_76 : vector<16xi32>
    %swap3A_78 = arith.constant 160 : index
    %swap3A_79 = tpu.vector_load %arg8[%swap3A_78] {strides = array<i32>} : memref<640xi32, #tpu.memory_space<vmem>>, vector<16xi32>,
    tpu.vector_store %arg8[%swap3A_78], %add3A_77 {strides = array<i32>} : memref<640xi32, #tpu.memory_space<vmem>>, vector<16xi32>,
    %add3A_80 = arith.constant 2 : i32
    %add3A_81 = vector.broadcast %add3A_80 : i32 to vector<16xi32>
    %add3A_82 = arith.addi %mul3A_69, %add3A_81 : vector<16xi32>
    %swap3A_83 = arith.constant 288 : index
    %swap3A_84 = tpu.vector_load %arg8[%swap3A_83] {strides = array<i32>} : memref<640xi32, #tpu.memory_space<vmem>>, vector<16xi32>,
    tpu.vector_store %arg8[%swap3A_83], %add3A_82 {strides = array<i32>} : memref<640xi32, #tpu.memory_space<vmem>>, vector<16xi32>,
    %add3A_85 = arith.constant 3 : i32
    %add3A_86 = vector.broadcast %add3A_85 : i32 to vector<16xi32>
    %add3A_87 = arith.addi %mul3A_69, %add3A_86 : vector<16xi32>
    %swap3A_88 = arith.constant 416 : index
    %swap3A_89 = tpu.vector_load %arg8[%swap3A_88] {strides = array<i32>} : memref<640xi32, #tpu.memory_space<vmem>>, vector<16xi32>,
    tpu.vector_store %arg8[%swap3A_88], %add3A_87 {strides = array<i32>} : memref<640xi32, #tpu.memory_space<vmem>>, vector<16xi32>,
    %add3A_90 = arith.constant 4 : i32
    %add3A_91 = vector.broadcast %add3A_90 : i32 to vector<16xi32>
    %add3A_92 = arith.addi %mul3A_69, %add3A_91 : vector<16xi32>
    %swap3A_93 = arith.constant 544 : index
    %swap3A_94 = tpu.vector_load %arg8[%swap3A_93] {strides = array<i32>} : memref<640xi32, #tpu.memory_space<vmem>>, vector<16xi32>,
    tpu.vector_store %arg8[%swap3A_93], %add3A_92 {strides = array<i32>} : memref<640xi32, #tpu.memory_space<vmem>>, vector<16xi32>,
    %get3A_95 = arith.constant 48 : index
    %get3A_96 = tpu.vector_load %arg7[%get3A_95] {strides = array<i32>} : memref<512xi32, #tpu.memory_space<vmem>>, vector<16xi32>,
    %mul3A_97 = arith.constant 5 : i32
    %mul3A_98 = vector.broadcast %mul3A_97 : i32 to vector<16xi32>
    %mul3A_99 = arith.muli %get3A_96, %mul3A_98 : vector<16xi32>
    %add3A_100 = arith.constant 0 : i32
    %add3A_101 = vector.broadcast %add3A_100 : i32 to vector<16xi32>
    %add3A_102 = arith.addi %mul3A_99, %add3A_101 : vector<16xi32>
    %swap3A_103 = arith.constant 48 : index
    %swap3A_104 = tpu.vector_load %arg8[%swap3A_103] {strides = array<i32>} : memref<640xi32, #tpu.memory_space<vmem>>, vector<16xi32>,
    tpu.vector_store %arg8[%swap3A_103], %add3A_102 {strides = array<i32>} : memref<640xi32, #tpu.memory_space<vmem>>, vector<16xi32>,
    %add3A_105 = arith.constant 1 : i32
    %add3A_106 = vector.broadcast %add3A_105 : i32 to vector<16xi32>
    %add3A_107 = arith.addi %mul3A_99, %add3A_106 : vector<16xi32>
    %swap3A_108 = arith.constant 176 : index
    %swap3A_109 = tpu.vector_load %arg8[%swap3A_108] {strides = array<i32>} : memref<640xi32, #tpu.memory_space<vmem>>, vector<16xi32>,
    tpu.vector_store %arg8[%swap3A_108], %add3A_107 {strides = array<i32>} : memref<640xi32, #tpu.memory_space<vmem>>, vector<16xi32>,
    %add3A_110 = arith.constant 2 : i32
    %add3A_111 = vector.broadcast %add3A_110 : i32 to vector<16xi32>
    %add3A_112 = arith.addi %mul3A_99, %add3A_111 : vector<16xi32>
    %swap3A_113 = arith.constant 304 : index
    %swap3A_114 = tpu.vector_load %arg8[%swap3A_113] {strides = array<i32>} : memref<640xi32, #tpu.memory_space<vmem>>, vector<16xi32>,
    tpu.vector_store %arg8[%swap3A_113], %add3A_112 {strides = array<i32>} : memref<640xi32, #tpu.memory_space<vmem>>, vector<16xi32>,
    %add3A_115 = arith.constant 3 : i32
    %add3A_116 = vector.broadcast %add3A_115 : i32 to vector<16xi32>
    %add3A_117 = arith.addi %mul3A_99, %add3A_116 : vector<16xi32>
    %swap3A_118 = arith.constant 432 : index
    %swap3A_119 = tpu.vector_load %arg8[%swap3A_118] {strides = array<i32>} : memref<640xi32, #tpu.memory_space<vmem>>, vector<16xi32>,
    tpu.vector_store %arg8[%swap3A_118], %add3A_117 {strides = array<i32>} : memref<640xi32, #tpu.memory_space<vmem>>, vector<16xi32>,
    %add3A_120 = arith.constant 4 : i32
    %add3A_121 = vector.broadcast %add3A_120 : i32 to vector<16xi32>
    %add3A_122 = arith.addi %mul3A_99, %add3A_121 : vector<16xi32>
    %swap3A_123 = arith.constant 560 : index
    %swap3A_124 = tpu.vector_load %arg8[%swap3A_123] {strides = array<i32>} : memref<640xi32, #tpu.memory_space<vmem>>, vector<16xi32>,
    tpu.vector_store %arg8[%swap3A_123], %add3A_122 {strides = array<i32>} : memref<640xi32, #tpu.memory_space<vmem>>, vector<16xi32>,
    %get3A_125 = arith.constant 64 : index
    %get3A_126 = tpu.vector_load %arg7[%get3A_125] {strides = array<i32>} : memref<512xi32, #tpu.memory_space<vmem>>, vector<16xi32>,
    %mul3A_127 = arith.constant 5 : i32
    %mul3A_128 = vector.broadcast %mul3A_127 : i32 to vector<16xi32>
    %mul3A_129 = arith.muli %get3A_126, %mul3A_128 : vector<16xi32>
    %add3A_130 = arith.constant 0 : i32
    %add3A_131 = vector.broadcast %add3A_130 : i32 to vector<16xi32>
    %add3A_132 = arith.addi %mul3A_129, %add3A_131 : vector<16xi32>
    %swap3A_133 = arith.constant 64 : index
    %swap3A_134 = tpu.vector_load %arg8[%swap3A_133] {strides = array<i32>} : memref<640xi32, #tpu.memory_space<vmem>>, vector<16xi32>,
    tpu.vector_store %arg8[%swap3A_133], %add3A_132 {strides = array<i32>} : memref<640xi32, #tpu.memory_space<vmem>>, vector<16xi32>,
    %add3A_135 = arith.constant 1 : i32
    %add3A_136 = vector.broadcast %add3A_135 : i32 to vector<16xi32>
    %add3A_137 = arith.addi %mul3A_129, %add3A_136 : vector<16xi32>
    %swap3A_138 = arith.constant 192 : index
    %swap3A_139 = tpu.vector_load %arg8[%swap3A_138] {strides = array<i32>} : memref<640xi32, #tpu.memory_space<vmem>>, vector<16xi32>,
    tpu.vector_store %arg8[%swap3A_138], %add3A_137 {strides = array<i32>} : memref<640xi32, #tpu.memory_space<vmem>>, vector<16xi32>,
    %add3A_140 = arith.constant 2 : i32
    %add3A_141 = vector.broadcast %add3A_140 : i32 to vector<16xi32>
    %add3A_142 = arith.addi %mul3A_129, %add3A_141 : vector<16xi32>
    %swap3A_143 = arith.constant 320 : index
    %swap3A_144 = tpu.vector_load %arg8[%swap3A_143] {strides = array<i32>} : memref<640xi32, #tpu.memory_space<vmem>>, vector<16xi32>,
    tpu.vector_store %arg8[%swap3A_143], %add3A_142 {strides = array<i32>} : memref<640xi32, #tpu.memory_space<vmem>>, vector<16xi32>,
    %add3A_145 = arith.constant 3 : i32
    %add3A_146 = vector.broadcast %add3A_145 : i32 to vector<16xi32>
    %add3A_147 = arith.addi %mul3A_129, %add3A_146 : vector<16xi32>
    %swap3A_148 = arith.constant 448 : index
    %swap3A_149 = tpu.vector_load %arg8[%swap3A_148] {strides = array<i32>} : memref<640xi32, #tpu.memory_space<vmem>>, vector<16xi32>,
    tpu.vector_store %arg8[%swap3A_148], %add3A_147 {strides = array<i32>} : memref<640xi32, #tpu.memory_space<vmem>>, vector<16xi32>,
    %add3A_150 = arith.constant 4 : i32
    %add3A_151 = vector.broadcast %add3A_150 : i32 to vector<16xi32>
    %add3A_152 = arith.addi %mul3A_129, %add3A_151 : vector<16xi32>
    %swap3A_153 = arith.constant 576 : index
    %swap3A_154 = tpu.vector_load %arg8[%swap3A_153] {strides = array<i32>} : memref<640xi32, #tpu.memory_space<vmem>>, vector<16xi32>,
    tpu.vector_store %arg8[%swap3A_153], %add3A_152 {strides = array<i32>} : memref<640xi32, #tpu.memory_space<vmem>>, vector<16xi32>,
    %get3A_155 = arith.constant 80 : index
    %get3A_156 = tpu.vector_load %arg7[%get3A_155] {strides = array<i32>} : memref<512xi32, #tpu.memory_space<vmem>>, vector<16xi32>,
    %mul3A_157 = arith.constant 5 : i32
    %mul3A_158 = vector.broadcast %mul3A_157 : i32 to vector<16xi32>
    %mul3A_159 = arith.muli %get3A_156, %mul3A_158 : vector<16xi32>
    %add3A_160 = arith.constant 0 : i32
    %add3A_161 = vector.broadcast %add3A_160 : i32 to vector<16xi32>
    %add3A_162 = arith.addi %mul3A_159, %add3A_161 : vector<16xi32>
    %swap3A_163 = arith.constant 80 : index
    %swap3A_164 = tpu.vector_load %arg8[%swap3A_163] {strides = array<i32>} : memref<640xi32, #tpu.memory_space<vmem>>, vector<16xi32>,
    tpu.vector_store %arg8[%swap3A_163], %add3A_162 {strides = array<i32>} : memref<640xi32, #tpu.memory_space<vmem>>, vector<16xi32>,
    %add3A_165 = arith.constant 1 : i32
    %add3A_166 = vector.broadcast %add3A_165 : i32 to vector<16xi32>
    %add3A_167 = arith.addi %mul3A_159, %add3A_166 : vector<16xi32>
    %swap3A_168 = arith.constant 208 : index
    %swap3A_169 = tpu.vector_load %arg8[%swap3A_168] {strides = array<i32>} : memref<640xi32, #tpu.memory_space<vmem>>, vector<16xi32>,
    tpu.vector_store %arg8[%swap3A_168], %add3A_167 {strides = array<i32>} : memref<640xi32, #tpu.memory_space<vmem>>, vector<16xi32>,
    %add3A_170 = arith.constant 2 : i32
    %add3A_171 = vector.broadcast %add3A_170 : i32 to vector<16xi32>
    %add3A_172 = arith.addi %mul3A_159, %add3A_171 : vector<16xi32>
    %swap3A_173 = arith.constant 336 : index
    %swap3A_174 = tpu.vector_load %arg8[%swap3A_173] {strides = array<i32>} : memref<640xi32, #tpu.memory_space<vmem>>, vector<16xi32>,
    tpu.vector_store %arg8[%swap3A_173], %add3A_172 {strides = array<i32>} : memref<640xi32, #tpu.memory_space<vmem>>, vector<16xi32>,
    %add3A_175 = arith.constant 3 : i32
    %add3A_176 = vector.broadcast %add3A_175 : i32 to vector<16xi32>
    %add3A_177 = arith.addi %mul3A_159, %add3A_176 : vector<16xi32>
    %swap3A_178 = arith.constant 464 : index
    %swap3A_179 = tpu.vector_load %arg8[%swap3A_178] {strides = array<i32>} : memref<640xi32, #tpu.memory_space<vmem>>, vector<16xi32>,
    tpu.vector_store %arg8[%swap3A_178], %add3A_177 {strides = array<i32>} : memref<640xi32, #tpu.memory_space<vmem>>, vector<16xi32>,
    %add3A_180 = arith.constant 4 : i32
    %add3A_181 = vector.broadcast %add3A_180 : i32 to vector<16xi32>
    %add3A_182 = arith.addi %mul3A_159, %add3A_181 : vector<16xi32>
    %swap3A_183 = arith.constant 592 : index
    %swap3A_184 = tpu.vector_load %arg8[%swap3A_183] {strides = array<i32>} : memref<640xi32, #tpu.memory_space<vmem>>, vector<16xi32>,
    tpu.vector_store %arg8[%swap3A_183], %add3A_182 {strides = array<i32>} : memref<640xi32, #tpu.memory_space<vmem>>, vector<16xi32>,
    %get3A_185 = arith.constant 96 : index
    %get3A_186 = tpu.vector_load %arg7[%get3A_185] {strides = array<i32>} : memref<512xi32, #tpu.memory_space<vmem>>, vector<16xi32>,
    %mul3A_187 = arith.constant 5 : i32
    %mul3A_188 = vector.broadcast %mul3A_187 : i32 to vector<16xi32>
    %mul3A_189 = arith.muli %get3A_186, %mul3A_188 : vector<16xi32>
    %add3A_190 = arith.constant 0 : i32
    %add3A_191 = vector.broadcast %add3A_190 : i32 to vector<16xi32>
    %add3A_192 = arith.addi %mul3A_189, %add3A_191 : vector<16xi32>
    %swap3A_193 = arith.constant 96 : index
    %swap3A_194 = tpu.vector_load %arg8[%swap3A_193] {strides = array<i32>} : memref<640xi32, #tpu.memory_space<vmem>>, vector<16xi32>,
    tpu.vector_store %arg8[%swap3A_193], %add3A_192 {strides = array<i32>} : memref<640xi32, #tpu.memory_space<vmem>>, vector<16xi32>,
    %add3A_195 = arith.constant 1 : i32
    %add3A_196 = vector.broadcast %add3A_195 : i32 to vector<16xi32>
    %add3A_197 = arith.addi %mul3A_189, %add3A_196 : vector<16xi32>
    %swap3A_198 = arith.constant 224 : index
    %swap3A_199 = tpu.vector_load %arg8[%swap3A_198] {strides = array<i32>} : memref<640xi32, #tpu.memory_space<vmem>>, vector<16xi32>,
    tpu.vector_store %arg8[%swap3A_198], %add3A_197 {strides = array<i32>} : memref<640xi32, #tpu.memory_space<vmem>>, vector<16xi32>,
    %add3A_200 = arith.constant 2 : i32
    %add3A_201 = vector.broadcast %add3A_200 : i32 to vector<16xi32>
    %add3A_202 = arith.addi %mul3A_189, %add3A_201 : vector<16xi32>
    %swap3A_203 = arith.constant 352 : index
    %swap3A_204 = tpu.vector_load %arg8[%swap3A_203] {strides = array<i32>} : memref<640xi32, #tpu.memory_space<vmem>>, vector<16xi32>,
    tpu.vector_store %arg8[%swap3A_203], %add3A_202 {strides = array<i32>} : memref<640xi32, #tpu.memory_space<vmem>>, vector<16xi32>,
    %add3A_205 = arith.constant 3 : i32
    %add3A_206 = vector.broadcast %add3A_205 : i32 to vector<16xi32>
    %add3A_207 = arith.addi %mul3A_189, %add3A_206 : vector<16xi32>
    %swap3A_208 = arith.constant 480 : index
    %swap3A_209 = tpu.vector_load %arg8[%swap3A_208] {strides = array<i32>} : memref<640xi32, #tpu.memory_space<vmem>>, vector<16xi32>,
    tpu.vector_store %arg8[%swap3A_208], %add3A_207 {strides = array<i32>} : memref<640xi32, #tpu.memory_space<vmem>>, vector<16xi32>,
    %add3A_210 = arith.constant 4 : i32
    %add3A_211 = vector.broadcast %add3A_210 : i32 to vector<16xi32>
    %add3A_212 = arith.addi %mul3A_189, %add3A_211 : vector<16xi32>
    %swap3A_213 = arith.constant 608 : index
    %swap3A_214 = tpu.vector_load %arg8[%swap3A_213] {strides = array<i32>} : memref<640xi32, #tpu.memory_space<vmem>>, vector<16xi32>,
    tpu.vector_store %arg8[%swap3A_213], %add3A_212 {strides = array<i32>} : memref<640xi32, #tpu.memory_space<vmem>>, vector<16xi32>,
    %get3A_215 = arith.constant 112 : index
    %get3A_216 = tpu.vector_load %arg7[%get3A_215] {strides = array<i32>} : memref<512xi32, #tpu.memory_space<vmem>>, vector<16xi32>,
    %mul3A_217 = arith.constant 5 : i32
    %mul3A_218 = vector.broadcast %mul3A_217 : i32 to vector<16xi32>
    %mul3A_219 = arith.muli %get3A_216, %mul3A_218 : vector<16xi32>
    %add3A_220 = arith.constant 0 : i32
    %add3A_221 = vector.broadcast %add3A_220 : i32 to vector<16xi32>
    %add3A_222 = arith.addi %mul3A_219, %add3A_221 : vector<16xi32>
    %swap3A_223 = arith.constant 112 : index
    %swap3A_224 = tpu.vector_load %arg8[%swap3A_223] {strides = array<i32>} : memref<640xi32, #tpu.memory_space<vmem>>, vector<16xi32>,
    tpu.vector_store %arg8[%swap3A_223], %add3A_222 {strides = array<i32>} : memref<640xi32, #tpu.memory_space<vmem>>, vector<16xi32>,
    %add3A_225 = arith.constant 1 : i32
    %add3A_226 = vector.broadcast %add3A_225 : i32 to vector<16xi32>
    %add3A_227 = arith.addi %mul3A_219, %add3A_226 : vector<16xi32>
    %swap3A_228 = arith.constant 240 : index
    %swap3A_229 = tpu.vector_load %arg8[%swap3A_228] {strides = array<i32>} : memref<640xi32, #tpu.memory_space<vmem>>, vector<16xi32>,
    tpu.vector_store %arg8[%swap3A_228], %add3A_227 {strides = array<i32>} : memref<640xi32, #tpu.memory_space<vmem>>, vector<16xi32>,
    %add3A_230 = arith.constant 2 : i32
    %add3A_231 = vector.broadcast %add3A_230 : i32 to vector<16xi32>
    %add3A_232 = arith.addi %mul3A_219, %add3A_231 : vector<16xi32>
    %swap3A_233 = arith.constant 368 : index
    %swap3A_234 = tpu.vector_load %arg8[%swap3A_233] {strides = array<i32>} : memref<640xi32, #tpu.memory_space<vmem>>, vector<16xi32>,
    tpu.vector_store %arg8[%swap3A_233], %add3A_232 {strides = array<i32>} : memref<640xi32, #tpu.memory_space<vmem>>, vector<16xi32>,
    %add3A_235 = arith.constant 3 : i32
    %add3A_236 = vector.broadcast %add3A_235 : i32 to vector<16xi32>
    %add3A_237 = arith.addi %mul3A_219, %add3A_236 : vector<16xi32>
    %swap3A_238 = arith.constant 496 : index
    %swap3A_239 = tpu.vector_load %arg8[%swap3A_238] {strides = array<i32>} : memref<640xi32, #tpu.memory_space<vmem>>, vector<16xi32>,
    tpu.vector_store %arg8[%swap3A_238], %add3A_237 {strides = array<i32>} : memref<640xi32, #tpu.memory_space<vmem>>, vector<16xi32>,
    %add3A_240 = arith.constant 4 : i32
    %add3A_241 = vector.broadcast %add3A_240 : i32 to vector<16xi32>
    %add3A_242 = arith.addi %mul3A_219, %add3A_241 : vector<16xi32>
    %swap3A_243 = arith.constant 624 : index
    %swap3A_244 = tpu.vector_load %arg8[%swap3A_243] {strides = array<i32>} : memref<640xi32, #tpu.memory_space<vmem>>, vector<16xi32>,
    tpu.vector_store %arg8[%swap3A_243], %add3A_242 {strides = array<i32>} : memref<640xi32, #tpu.memory_space<vmem>>, vector<16xi32>,
    %dma_start3A_245 = arith.constant 0 : i32
    %dma_start3A_246 = tpu.memref_slice %arg3[%dma_start3A_245] : memref<5000000xi32, #tpu.memory_space<hbm>> -> memref<5000000xi32, #tpu.memory_space<hbm>>
    tpu.enqueue_indirect_dma source(%dma_start3A_246 : memref<5000000xi32, #tpu.memory_space<hbm>>) target(%arg9 : memref<640xi32, #tpu.memory_space<vmem>>) offsets(%arg8 : memref<640xi32, #tpu.memory_space<vmem>>) semaphore(%arg14 : memref<!tpu.dma_semaphore, #tpu.memory_space<semaphore_mem>>)
    %dma_wait3A = arith.constant 0 : i32
    %dma_wait3A_247 = tpu.memref_slice %arg3[%dma_wait3A] : memref<5000000xi32, #tpu.memory_space<hbm>> -> memref<5000000xi32, #tpu.memory_space<hbm>>
    tpu.wait_indirect_dma semaphore(%arg14 : memref<!tpu.dma_semaphore, #tpu.memory_space<semaphore_mem>>) src(%dma_wait3A_247 : memref<5000000xi32, #tpu.memory_space<hbm>>) dst(%arg9 : memref<640xi32, #tpu.memory_space<vmem>>)
    %dma_start3A_248 = arith.constant 0 : i32
    %dma_start3A_249 = arith.constant 0 : i32
    %dma_start3A_250 = tpu.memref_slice %arg5[%dma_start3A_248, %dma_start3A_249] : memref<2000x64xf32, #tpu.memory_space<hbm>> -> memref<2000x64xf32, #tpu.memory_space<hbm>>
    tpu.enqueue_indirect_dma source(%dma_start3A_250 : memref<2000x64xf32, #tpu.memory_space<hbm>>) target(%arg11 : memref<640x64xf32, #tpu.memory_space<vmem>>) offsets(%arg9 : memref<640xi32, #tpu.memory_space<vmem>>) semaphore(%arg14 : memref<!tpu.dma_semaphore, #tpu.memory_space<semaphore_mem>>)
    %dma_wait3A_251 = arith.constant 0 : i32
    %dma_wait3A_252 = arith.constant 0 : i32
    %dma_wait3A_253 = tpu.memref_slice %arg5[%dma_wait3A_251, %dma_wait3A_252] : memref<2000x64xf32, #tpu.memory_space<hbm>> -> memref<2000x64xf32, #tpu.memory_space<hbm>>
    tpu.wait_indirect_dma semaphore(%arg14 : memref<!tpu.dma_semaphore, #tpu.memory_space<semaphore_mem>>) src(%dma_wait3A_253 : memref<2000x64xf32, #tpu.memory_space<hbm>>) dst(%arg11 : memref<640x64xf32, #tpu.memory_space<vmem>>)
    %dma_wait3A_254 = arith.constant 0 : i32
    %dma_wait3A_255 = tpu.memref_slice %arg7[%dma_wait3A_254] : memref<512xi32, #tpu.memory_space<vmem>> -> memref<128xi32, #tpu.memory_space<vmem>>
    %dma_wait3A_256 = arith.constant 0 : i32
    %dma_wait3A_257 = arith.constant 0 : i32
    %dma_wait3A_258 = tpu.memref_slice %arg4[%dma_wait3A_256, %dma_wait3A_257] : memref<1000000x64xf32, #tpu.memory_space<hbm>> -> memref<1000000x64xf32, #tpu.memory_space<hbm>>
    tpu.wait_indirect_dma semaphore(%arg13 : memref<!tpu.dma_semaphore, #tpu.memory_space<semaphore_mem>>) src(%dma_wait3A_258 : memref<1000000x64xf32, #tpu.memory_space<hbm>>) dst(%arg10 : memref<128x64xf32, #tpu.memory_space<vmem>>)
    %scan3A = arith.constant 0 : i32
    %scan3A_259 = arith.constant 0 : i32
    %scan3A_260 = arith.constant 128 : i32
    %scan3A_261 = arith.addi %scan3A_259, %scan3A_260 : i32
    %scan3A_262 = arith.constant 1 : i32
    scf.for %scan3A_1070 = %scan3A_259 to %scan3A_261 step %scan3A_262  : i32 {
      %get3A_1071 = arith.index_cast %scan3A_1070 : i32 to index
      %get3A_1072 = arith.constant 0 : index
      %get3A_1073 = tpu.vector_load %arg11[%get3A_1071, %get3A_1072] {strides = array<i32>} : memref<640x64xf32, #tpu.memory_space<vmem>>, vector<16xf32>,
      %add3A_1074 = arith.constant 128 : i32
      %add3A_1075 = arith.addi %add3A_1074, %scan3A_1070 : i32
      %get3A_1076 = arith.index_cast %add3A_1075 : i32 to index
      %get3A_1077 = arith.constant 0 : index
      %get3A_1078 = tpu.vector_load %arg11[%get3A_1076, %get3A_1077] {strides = array<i32>} : memref<640x64xf32, #tpu.memory_space<vmem>>, vector<16xf32>,
      %add3A_1079 = arith.addf %get3A_1073, %get3A_1078 : vector<16xf32>
      %add3A_1080 = arith.constant 256 : i32
      %add3A_1081 = arith.addi %add3A_1080, %scan3A_1070 : i32
      %get3A_1082 = arith.index_cast %add3A_1081 : i32 to index
      %get3A_1083 = arith.constant 0 : index
      %get3A_1084 = tpu.vector_load %arg11[%get3A_1082, %get3A_1083] {strides = array<i32>} : memref<640x64xf32, #tpu.memory_space<vmem>>, vector<16xf32>,
      %add3A_1085 = arith.addf %add3A_1079, %get3A_1084 : vector<16xf32>
      %add3A_1086 = arith.constant 384 : i32
      %add3A_1087 = arith.addi %add3A_1086, %scan3A_1070 : i32
      %get3A_1088 = arith.index_cast %add3A_1087 : i32 to index
      %get3A_1089 = arith.constant 0 : index
      %get3A_1090 = tpu.vector_load %arg11[%get3A_1088, %get3A_1089] {strides = array<i32>} : memref<640x64xf32, #tpu.memory_space<vmem>>, vector<16xf32>,
      %add3A_1091 = arith.addf %add3A_1085, %get3A_1090 : vector<16xf32>
      %add3A_1092 = arith.constant 512 : i32
      %add3A_1093 = arith.addi %add3A_1092, %scan3A_1070 : i32
      %get3A_1094 = arith.index_cast %add3A_1093 : i32 to index
      %get3A_1095 = arith.constant 0 : index
      %get3A_1096 = tpu.vector_load %arg11[%get3A_1094, %get3A_1095] {strides = array<i32>} : memref<640x64xf32, #tpu.memory_space<vmem>>, vector<16xf32>,
      %add3A_1097 = arith.addf %add3A_1091, %get3A_1096 : vector<16xf32>
      %mul3A_1098 = arith.mulf %add3A_1097, %add3A_1097 : vector<16xf32>
      %get3A_1099 = arith.index_cast %scan3A_1070 : i32 to index
      %get3A_1100 = arith.constant 16 : index
      %get3A_1101 = tpu.vector_load %arg11[%get3A_1099, %get3A_1100] {strides = array<i32>} : memref<640x64xf32, #tpu.memory_space<vmem>>, vector<16xf32>,
      %add3A_1102 = arith.constant 128 : i32
      %add3A_1103 = arith.addi %add3A_1102, %scan3A_1070 : i32
      %get3A_1104 = arith.index_cast %add3A_1103 : i32 to index
      %get3A_1105 = arith.constant 16 : index
      %get3A_1106 = tpu.vector_load %arg11[%get3A_1104, %get3A_1105] {strides = array<i32>} : memref<640x64xf32, #tpu.memory_space<vmem>>, vector<16xf32>,
      %add3A_1107 = arith.addf %get3A_1101, %get3A_1106 : vector<16xf32>
      %add3A_1108 = arith.constant 256 : i32
      %add3A_1109 = arith.addi %add3A_1108, %scan3A_1070 : i32
      %get3A_1110 = arith.index_cast %add3A_1109 : i32 to index
      %get3A_1111 = arith.constant 16 : index
      %get3A_1112 = tpu.vector_load %arg11[%get3A_1110, %get3A_1111] {strides = array<i32>} : memref<640x64xf32, #tpu.memory_space<vmem>>, vector<16xf32>,
      %add3A_1113 = arith.addf %add3A_1107, %get3A_1112 : vector<16xf32>
      %add3A_1114 = arith.constant 384 : i32
      %add3A_1115 = arith.addi %add3A_1114, %scan3A_1070 : i32
      %get3A_1116 = arith.index_cast %add3A_1115 : i32 to index
      %get3A_1117 = arith.constant 16 : index
      %get3A_1118 = tpu.vector_load %arg11[%get3A_1116, %get3A_1117] {strides = array<i32>} : memref<640x64xf32, #tpu.memory_space<vmem>>, vector<16xf32>,
      %add3A_1119 = arith.addf %add3A_1113, %get3A_1118 : vector<16xf32>
      %add3A_1120 = arith.constant 512 : i32
      %add3A_1121 = arith.addi %add3A_1120, %scan3A_1070 : i32
      %get3A_1122 = arith.index_cast %add3A_1121 : i32 to index
      %get3A_1123 = arith.constant 16 : index
      %get3A_1124 = tpu.vector_load %arg11[%get3A_1122, %get3A_1123] {strides = array<i32>} : memref<640x64xf32, #tpu.memory_space<vmem>>, vector<16xf32>,
      %add3A_1125 = arith.addf %add3A_1119, %get3A_1124 : vector<16xf32>
      %mul3A_1126 = arith.mulf %add3A_1125, %add3A_1125 : vector<16xf32>
      %add3A_1127 = arith.addf %mul3A_1098, %mul3A_1126 : vector<16xf32>
      %get3A_1128 = arith.index_cast %scan3A_1070 : i32 to index
      %get3A_1129 = arith.constant 32 : index
      %get3A_1130 = tpu.vector_load %arg11[%get3A_1128, %get3A_1129] {strides = array<i32>} : memref<640x64xf32, #tpu.memory_space<vmem>>, vector<16xf32>,
      %add3A_1131 = arith.constant 128 : i32
      %add3A_1132 = arith.addi %add3A_1131, %scan3A_1070 : i32
      %get3A_1133 = arith.index_cast %add3A_1132 : i32 to index
      %get3A_1134 = arith.constant 32 : index
      %get3A_1135 = tpu.vector_load %arg11[%get3A_1133, %get3A_1134] {strides = array<i32>} : memref<640x64xf32, #tpu.memory_space<vmem>>, vector<16xf32>,
      %add3A_1136 = arith.addf %get3A_1130, %get3A_1135 : vector<16xf32>
      %add3A_1137 = arith.constant 256 : i32
      %add3A_1138 = arith.addi %add3A_1137, %scan3A_1070 : i32
      %get3A_1139 = arith.index_cast %add3A_1138 : i32 to index
      %get3A_1140 = arith.constant 32 : index
      %get3A_1141 = tpu.vector_load %arg11[%get3A_1139, %get3A_1140] {strides = array<i32>} : memref<640x64xf32, #tpu.memory_space<vmem>>, vector<16xf32>,
      %add3A_1142 = arith.addf %add3A_1136, %get3A_1141 : vector<16xf32>
      %add3A_1143 = arith.constant 384 : i32
      %add3A_1144 = arith.addi %add3A_1143, %scan3A_1070 : i32
      %get3A_1145 = arith.index_cast %add3A_1144 : i32 to index
      %get3A_1146 = arith.constant 32 : index
      %get3A_1147 = tpu.vector_load %arg11[%get3A_1145, %get3A_1146] {strides = array<i32>} : memref<640x64xf32, #tpu.memory_space<vmem>>, vector<16xf32>,
      %add3A_1148 = arith.addf %add3A_1142, %get3A_1147 : vector<16xf32>
      %add3A_1149 = arith.constant 512 : i32
      %add3A_1150 = arith.addi %add3A_1149, %scan3A_1070 : i32
      %get3A_1151 = arith.index_cast %add3A_1150 : i32 to index
      %get3A_1152 = arith.constant 32 : index
      %get3A_1153 = tpu.vector_load %arg11[%get3A_1151, %get3A_1152] {strides = array<i32>} : memref<640x64xf32, #tpu.memory_space<vmem>>, vector<16xf32>,
      %add3A_1154 = arith.addf %add3A_1148, %get3A_1153 : vector<16xf32>
      %mul3A_1155 = arith.mulf %add3A_1154, %add3A_1154 : vector<16xf32>
      %add3A_1156 = arith.addf %add3A_1127, %mul3A_1155 : vector<16xf32>
      %get3A_1157 = arith.index_cast %scan3A_1070 : i32 to index
      %get3A_1158 = arith.constant 48 : index
      %get3A_1159 = tpu.vector_load %arg11[%get3A_1157, %get3A_1158] {strides = array<i32>} : memref<640x64xf32, #tpu.memory_space<vmem>>, vector<16xf32>,
      %add3A_1160 = arith.constant 128 : i32
      %add3A_1161 = arith.addi %add3A_1160, %scan3A_1070 : i32
      %get3A_1162 = arith.index_cast %add3A_1161 : i32 to index
      %get3A_1163 = arith.constant 48 : index
      %get3A_1164 = tpu.vector_load %arg11[%get3A_1162, %get3A_1163] {strides = array<i32>} : memref<640x64xf32, #tpu.memory_space<vmem>>, vector<16xf32>,
      %add3A_1165 = arith.addf %get3A_1159, %get3A_1164 : vector<16xf32>
      %add3A_1166 = arith.constant 256 : i32
      %add3A_1167 = arith.addi %add3A_1166, %scan3A_1070 : i32
      %get3A_1168 = arith.index_cast %add3A_1167 : i32 to index
      %get3A_1169 = arith.constant 48 : index
      %get3A_1170 = tpu.vector_load %arg11[%get3A_1168, %get3A_1169] {strides = array<i32>} : memref<640x64xf32, #tpu.memory_space<vmem>>, vector<16xf32>,
      %add3A_1171 = arith.addf %add3A_1165, %get3A_1170 : vector<16xf32>
      %add3A_1172 = arith.constant 384 : i32
      %add3A_1173 = arith.addi %add3A_1172, %scan3A_1070 : i32
      %get3A_1174 = arith.index_cast %add3A_1173 : i32 to index
      %get3A_1175 = arith.constant 48 : index
      %get3A_1176 = tpu.vector_load %arg11[%get3A_1174, %get3A_1175] {strides = array<i32>} : memref<640x64xf32, #tpu.memory_space<vmem>>, vector<16xf32>,
      %add3A_1177 = arith.addf %add3A_1171, %get3A_1176 : vector<16xf32>
      %add3A_1178 = arith.constant 512 : i32
      %add3A_1179 = arith.addi %add3A_1178, %scan3A_1070 : i32
      %get3A_1180 = arith.index_cast %add3A_1179 : i32 to index
      %get3A_1181 = arith.constant 48 : index
      %get3A_1182 = tpu.vector_load %arg11[%get3A_1180, %get3A_1181] {strides = array<i32>} : memref<640x64xf32, #tpu.memory_space<vmem>>, vector<16xf32>,
      %add3A_1183 = arith.addf %add3A_1177, %get3A_1182 : vector<16xf32>
      %mul3A_1184 = arith.mulf %add3A_1183, %add3A_1183 : vector<16xf32>
      %add3A_1185 = arith.addf %add3A_1156, %mul3A_1184 : vector<16xf32>
      %reduce_sum3A = arith.constant true
      %reduce_sum3A_1186 = vector.broadcast %reduce_sum3A : i1 to vector<16xi1>
      %reduce_sum3A_1187 = tpu.scan <sum>, %add3A_1185 masked %reduce_sum3A_1186 : vector<16xf32>, vector<16xi1> -> vector<16xf32>
      %reduce_sum3A_1188 = vector.extract %reduce_sum3A_1187[15] : f32 from vector<16xf32>
      %max3A = arith.constant 1.000000e-24 : f32
      %max3A_1189 = arith.maximumf %reduce_sum3A_1188, %max3A : f32
      %bitcast_convert_type3A = arith.bitcast %max3A_1189 : f32 to i32
      %shift_right_arithmetic3A = arith.constant 1 : i32
      %shift_right_arithmetic3A_1190 = arith.shrsi %bitcast_convert_type3A, %shift_right_arithmetic3A : i32
      %sub3A = arith.constant 1597463007 : i32
      %sub3A_1191 = arith.subi %sub3A, %shift_right_arithmetic3A_1190 : i32
      %bitcast_convert_type3A_1192 = arith.bitcast %sub3A_1191 : i32 to f32
      %mul3A_1193 = arith.constant 5.000000e-01 : f32
      %mul3A_1194 = arith.mulf %mul3A_1193, %max3A_1189 : f32
      %mul3A_1195 = arith.mulf %mul3A_1194, %bitcast_convert_type3A_1192 : f32
      %mul3A_1196 = arith.mulf %mul3A_1195, %bitcast_convert_type3A_1192 : f32
      %sub3A_1197 = arith.constant 1.500000e+00 : f32
      %sub3A_1198 = arith.subf %sub3A_1197, %mul3A_1196 : f32
      %mul3A_1199 = arith.mulf %bitcast_convert_type3A_1192, %sub3A_1198 : f32
      %mul3A_1200 = arith.constant 5.000000e-01 : f32
      %mul3A_1201 = arith.mulf %mul3A_1200, %max3A_1189 : f32
      %mul3A_1202 = arith.mulf %mul3A_1201, %mul3A_1199 : f32
      %mul3A_1203 = arith.mulf %mul3A_1202, %mul3A_1199 : f32
      %sub3A_1204 = arith.constant 1.500000e+00 : f32
      %sub3A_1205 = arith.subf %sub3A_1204, %mul3A_1203 : f32
      %mul3A_1206 = arith.mulf %mul3A_1199, %sub3A_1205 : f32
      %mul3A_1207 = arith.constant 5.000000e-01 : f32
      %mul3A_1208 = arith.mulf %mul3A_1207, %max3A_1189 : f32
      %mul3A_1209 = arith.mulf %mul3A_1208, %mul3A_1206 : f32
      %mul3A_1210 = arith.mulf %mul3A_1209, %mul3A_1206 : f32
      %sub3A_1211 = arith.constant 1.500000e+00 : f32
      %sub3A_1212 = arith.subf %sub3A_1211, %mul3A_1210 : f32
      %mul3A_1213 = arith.mulf %mul3A_1206, %sub3A_1212 : f32
      %mul3A_1214 = arith.constant 5.000000e-01 : f32
      %mul3A_1215 = arith.mulf %mul3A_1214, %mul3A_1213 : f32
      %get3A_1216 = arith.index_cast %scan3A_1070 : i32 to index
      %get3A_1217 = arith.constant 0 : index
      %get3A_1218 = tpu.vector_load %arg10[%get3A_1216, %get3A_1217] {strides = array<i32>} : memref<128x64xf32, #tpu.memory_space<vmem>>, vector<16xf32>,
      %mul3A_1219 = arith.constant 5.000000e-01 : f32
      %mul3A_1220 = vector.broadcast %mul3A_1219 : f32 to vector<16xf32>
      %mul3A_1221 = arith.mulf %mul3A_1220, %get3A_1218 : vector<16xf32>
      %mul3A_1222 = vector.broadcast %mul3A_1215 : f32 to vector<16xf32>
      %mul3A_1223 = arith.mulf %mul3A_1222, %add3A_1097 : vector<16xf32>
      %add3A_1224 = arith.addf %mul3A_1221, %mul3A_1223 : vector<16xf32>
      %swap3A_1225 = arith.index_cast %scan3A_1070 : i32 to index
      %swap3A_1226 = arith.constant 0 : index
      %swap3A_1227 = tpu.vector_load %arg12[%swap3A_1225, %swap3A_1226] {strides = array<i32>} : memref<128x64xf32, #tpu.memory_space<vmem>>, vector<16xf32>,
      tpu.vector_store %arg12[%swap3A_1225, %swap3A_1226], %add3A_1224 {strides = array<i32>} : memref<128x64xf32, #tpu.memory_space<vmem>>, vector<16xf32>,
      %get3A_1228 = arith.index_cast %scan3A_1070 : i32 to index
      %get3A_1229 = arith.constant 16 : index
      %get3A_1230 = tpu.vector_load %arg10[%get3A_1228, %get3A_1229] {strides = array<i32>} : memref<128x64xf32, #tpu.memory_space<vmem>>, vector<16xf32>,
      %mul3A_1231 = arith.constant 5.000000e-01 : f32
      %mul3A_1232 = vector.broadcast %mul3A_1231 : f32 to vector<16xf32>
      %mul3A_1233 = arith.mulf %mul3A_1232, %get3A_1230 : vector<16xf32>
      %mul3A_1234 = vector.broadcast %mul3A_1215 : f32 to vector<16xf32>
      %mul3A_1235 = arith.mulf %mul3A_1234, %add3A_1125 : vector<16xf32>
      %add3A_1236 = arith.addf %mul3A_1233, %mul3A_1235 : vector<16xf32>
      %swap3A_1237 = arith.index_cast %scan3A_1070 : i32 to index
      %swap3A_1238 = arith.constant 16 : index
      %swap3A_1239 = tpu.vector_load %arg12[%swap3A_1237, %swap3A_1238] {strides = array<i32>} : memref<128x64xf32, #tpu.memory_space<vmem>>, vector<16xf32>,
      tpu.vector_store %arg12[%swap3A_1237, %swap3A_1238], %add3A_1236 {strides = array<i32>} : memref<128x64xf32, #tpu.memory_space<vmem>>, vector<16xf32>,
      %get3A_1240 = arith.index_cast %scan3A_1070 : i32 to index
      %get3A_1241 = arith.constant 32 : index
      %get3A_1242 = tpu.vector_load %arg10[%get3A_1240, %get3A_1241] {strides = array<i32>} : memref<128x64xf32, #tpu.memory_space<vmem>>, vector<16xf32>,
      %mul3A_1243 = arith.constant 5.000000e-01 : f32
      %mul3A_1244 = vector.broadcast %mul3A_1243 : f32 to vector<16xf32>
      %mul3A_1245 = arith.mulf %mul3A_1244, %get3A_1242 : vector<16xf32>
      %mul3A_1246 = vector.broadcast %mul3A_1215 : f32 to vector<16xf32>
      %mul3A_1247 = arith.mulf %mul3A_1246, %add3A_1154 : vector<16xf32>
      %add3A_1248 = arith.addf %mul3A_1245, %mul3A_1247 : vector<16xf32>
      %swap3A_1249 = arith.index_cast %scan3A_1070 : i32 to index
      %swap3A_1250 = arith.constant 32 : index
      %swap3A_1251 = tpu.vector_load %arg12[%swap3A_1249, %swap3A_1250] {strides = array<i32>} : memref<128x64xf32, #tpu.memory_space<vmem>>, vector<16xf32>,
      tpu.vector_store %arg12[%swap3A_1249, %swap3A_1250], %add3A_1248 {strides = array<i32>} : memref<128x64xf32, #tpu.memory_space<vmem>>, vector<16xf32>,
      %get3A_1252 = arith.index_cast %scan3A_1070 : i32 to index
      %get3A_1253 = arith.constant 48 : index
      %get3A_1254 = tpu.vector_load %arg10[%get3A_1252, %get3A_1253] {strides = array<i32>} : memref<128x64xf32, #tpu.memory_space<vmem>>, vector<16xf32>,
      %mul3A_1255 = arith.constant 5.000000e-01 : f32
      %mul3A_1256 = vector.broadcast %mul3A_1255 : f32 to vector<16xf32>
      %mul3A_1257 = arith.mulf %mul3A_1256, %get3A_1254 : vector<16xf32>
      %mul3A_1258 = vector.broadcast %mul3A_1215 : f32 to vector<16xf32>
      %mul3A_1259 = arith.mulf %mul3A_1258, %add3A_1183 : vector<16xf32>
      %add3A_1260 = arith.addf %mul3A_1257, %mul3A_1259 : vector<16xf32>
      %swap3A_1261 = arith.index_cast %scan3A_1070 : i32 to index
      %swap3A_1262 = arith.constant 48 : index
      %swap3A_1263 = tpu.vector_load %arg12[%swap3A_1261, %swap3A_1262] {strides = array<i32>} : memref<128x64xf32, #tpu.memory_space<vmem>>, vector<16xf32>,
      tpu.vector_store %arg12[%swap3A_1261, %swap3A_1262], %add3A_1260 {strides = array<i32>} : memref<128x64xf32, #tpu.memory_space<vmem>>, vector<16xf32>,
    }
    %scan3A_263 = arith.constant 128 : i32
    %add3A_264 = arith.constant 0 : i32
    %add3A_265 = arith.addi %mul3A_2, %add3A_264 : i32
    "tpu.region"() ({
      %run_scoped3A = tpu.sem_alloc : memref<!tpu.dma_semaphore, #tpu.memory_space<semaphore_mem>>
      %dma_start3A_1070 = arith.constant 0 : i32
      %dma_start3A_1071 = tpu.memref_slice %arg6[%add3A_265, %dma_start3A_1070] : memref<16384x64xf32, #tpu.memory_space<hbm>> -> memref<128x64xf32, #tpu.memory_space<hbm>>
      %dma_start3A_1072 = arith.constant 0 : i32
      %dma_start3A_1073 = tpu.memref_slice %arg6[%add3A_265, %dma_start3A_1072] : memref<16384x64xf32, #tpu.memory_space<hbm>> -> memref<128x64xf32, #tpu.memory_space<hbm>>
      tpu.enqueue_dma source(%arg12 : memref<128x64xf32, #tpu.memory_space<vmem>>) target(%dma_start3A_1073 : memref<128x64xf32, #tpu.memory_space<hbm>>) target_semaphore(%run_scoped3A : memref<!tpu.dma_semaphore, #tpu.memory_space<semaphore_mem>>)
      %dma_wait3A_1074 = arith.constant 0 : i32
      %dma_wait3A_1075 = tpu.memref_slice %arg6[%add3A_265, %dma_wait3A_1074] : memref<16384x64xf32, #tpu.memory_space<hbm>> -> memref<128x64xf32, #tpu.memory_space<hbm>>
      %dma_wait3A_1076 = arith.constant 0 : i32
      %dma_wait3A_1077 = tpu.memref_slice %arg6[%add3A_265, %dma_wait3A_1076] : memref<16384x64xf32, #tpu.memory_space<hbm>> -> memref<128x64xf32, #tpu.memory_space<hbm>>
      tpu.wait_dma2 semaphore(%run_scoped3A : memref<!tpu.dma_semaphore, #tpu.memory_space<semaphore_mem>>) src(%arg12 : memref<128x64xf32, #tpu.memory_space<vmem>>) dst(%dma_wait3A_1077 : memref<128x64xf32, #tpu.memory_space<hbm>>)
      tpu.yield
    }) : () -> ()
    %dma_start3A_266 = arith.constant 128 : i32
    %dma_start3A_267 = tpu.memref_slice %arg7[%dma_start3A_266] : memref<512xi32, #tpu.memory_space<vmem>> -> memref<128xi32, #tpu.memory_space<vmem>>
    %dma_start3A_268 = arith.constant 0 : i32
    %dma_start3A_269 = arith.constant 0 : i32
    %dma_start3A_270 = tpu.memref_slice %arg4[%dma_start3A_268, %dma_start3A_269] : memref<1000000x64xf32, #tpu.memory_space<hbm>> -> memref<1000000x64xf32, #tpu.memory_space<hbm>>
    tpu.enqueue_indirect_dma source(%dma_start3A_270 : memref<1000000x64xf32, #tpu.memory_space<hbm>>) target(%arg10 : memref<128x64xf32, #tpu.memory_space<vmem>>) offsets(%dma_start3A_267 : memref<128xi32, #tpu.memory_space<vmem>>) semaphore(%arg13 : memref<!tpu.dma_semaphore, #tpu.memory_space<semaphore_mem>>)
    %get3A_271 = arith.constant 128 : index
    %get3A_272 = tpu.vector_load %arg7[%get3A_271] {strides = array<i32>} : memref<512xi32, #tpu.memory_space<vmem>>, vector<16xi32>,
    %mul3A_273 = arith.constant 5 : i32
    %mul3A_274 = vector.broadcast %mul3A_273 : i32 to vector<16xi32>
    %mul3A_275 = arith.muli %get3A_272, %mul3A_274 : vector<16xi32>
    %add3A_276 = arith.constant 0 : i32
    %add3A_277 = vector.broadcast %add3A_276 : i32 to vector<16xi32>
    %add3A_278 = arith.addi %mul3A_275, %add3A_277 : vector<16xi32>
    %swap3A_279 = arith.constant 0 : index
    %swap3A_280 = tpu.vector_load %arg8[%swap3A_279] {strides = array<i32>} : memref<640xi32, #tpu.memory_space<vmem>>, vector<16xi32>,
    tpu.vector_store %arg8[%swap3A_279], %add3A_278 {strides = array<i32>} : memref<640xi32, #tpu.memory_space<vmem>>, vector<16xi32>,
    %add3A_281 = arith.constant 1 : i32
    %add3A_282 = vector.broadcast %add3A_281 : i32 to vector<16xi32>
    %add3A_283 = arith.addi %mul3A_275, %add3A_282 : vector<16xi32>
    %swap3A_284 = arith.constant 128 : index
    %swap3A_285 = tpu.vector_load %arg8[%swap3A_284] {strides = array<i32>} : memref<640xi32, #tpu.memory_space<vmem>>, vector<16xi32>,
    tpu.vector_store %arg8[%swap3A_284], %add3A_283 {strides = array<i32>} : memref<640xi32, #tpu.memory_space<vmem>>, vector<16xi32>,
    %add3A_286 = arith.constant 2 : i32
    %add3A_287 = vector.broadcast %add3A_286 : i32 to vector<16xi32>
    %add3A_288 = arith.addi %mul3A_275, %add3A_287 : vector<16xi32>
    %swap3A_289 = arith.constant 256 : index
    %swap3A_290 = tpu.vector_load %arg8[%swap3A_289] {strides = array<i32>} : memref<640xi32, #tpu.memory_space<vmem>>, vector<16xi32>,
    tpu.vector_store %arg8[%swap3A_289], %add3A_288 {strides = array<i32>} : memref<640xi32, #tpu.memory_space<vmem>>, vector<16xi32>,
    %add3A_291 = arith.constant 3 : i32
    %add3A_292 = vector.broadcast %add3A_291 : i32 to vector<16xi32>
    %add3A_293 = arith.addi %mul3A_275, %add3A_292 : vector<16xi32>
    %swap3A_294 = arith.constant 384 : index
    %swap3A_295 = tpu.vector_load %arg8[%swap3A_294] {strides = array<i32>} : memref<640xi32, #tpu.memory_space<vmem>>, vector<16xi32>,
    tpu.vector_store %arg8[%swap3A_294], %add3A_293 {strides = array<i32>} : memref<640xi32, #tpu.memory_space<vmem>>, vector<16xi32>,
    %add3A_296 = arith.constant 4 : i32
    %add3A_297 = vector.broadcast %add3A_296 : i32 to vector<16xi32>
    %add3A_298 = arith.addi %mul3A_275, %add3A_297 : vector<16xi32>
    %swap3A_299 = arith.constant 512 : index
    %swap3A_300 = tpu.vector_load %arg8[%swap3A_299] {strides = array<i32>} : memref<640xi32, #tpu.memory_space<vmem>>, vector<16xi32>,
    tpu.vector_store %arg8[%swap3A_299], %add3A_298 {strides = array<i32>} : memref<640xi32, #tpu.memory_space<vmem>>, vector<16xi32>,
    %get3A_301 = arith.constant 144 : index
    %get3A_302 = tpu.vector_load %arg7[%get3A_301] {strides = array<i32>} : memref<512xi32, #tpu.memory_space<vmem>>, vector<16xi32>,
    %mul3A_303 = arith.constant 5 : i32
    %mul3A_304 = vector.broadcast %mul3A_303 : i32 to vector<16xi32>
    %mul3A_305 = arith.muli %get3A_302, %mul3A_304 : vector<16xi32>
    %add3A_306 = arith.constant 0 : i32
    %add3A_307 = vector.broadcast %add3A_306 : i32 to vector<16xi32>
    %add3A_308 = arith.addi %mul3A_305, %add3A_307 : vector<16xi32>
    %swap3A_309 = arith.constant 16 : index
    %swap3A_310 = tpu.vector_load %arg8[%swap3A_309] {strides = array<i32>} : memref<640xi32, #tpu.memory_space<vmem>>, vector<16xi32>,
    tpu.vector_store %arg8[%swap3A_309], %add3A_308 {strides = array<i32>} : memref<640xi32, #tpu.memory_space<vmem>>, vector<16xi32>,
    %add3A_311 = arith.constant 1 : i32
    %add3A_312 = vector.broadcast %add3A_311 : i32 to vector<16xi32>
    %add3A_313 = arith.addi %mul3A_305, %add3A_312 : vector<16xi32>
    %swap3A_314 = arith.constant 144 : index
    %swap3A_315 = tpu.vector_load %arg8[%swap3A_314] {strides = array<i32>} : memref<640xi32, #tpu.memory_space<vmem>>, vector<16xi32>,
    tpu.vector_store %arg8[%swap3A_314], %add3A_313 {strides = array<i32>} : memref<640xi32, #tpu.memory_space<vmem>>, vector<16xi32>,
    %add3A_316 = arith.constant 2 : i32
    %add3A_317 = vector.broadcast %add3A_316 : i32 to vector<16xi32>
    %add3A_318 = arith.addi %mul3A_305, %add3A_317 : vector<16xi32>
    %swap3A_319 = arith.constant 272 : index
    %swap3A_320 = tpu.vector_load %arg8[%swap3A_319] {strides = array<i32>} : memref<640xi32, #tpu.memory_space<vmem>>, vector<16xi32>,
    tpu.vector_store %arg8[%swap3A_319], %add3A_318 {strides = array<i32>} : memref<640xi32, #tpu.memory_space<vmem>>, vector<16xi32>,
    %add3A_321 = arith.constant 3 : i32
    %add3A_322 = vector.broadcast %add3A_321 : i32 to vector<16xi32>
    %add3A_323 = arith.addi %mul3A_305, %add3A_322 : vector<16xi32>
    %swap3A_324 = arith.constant 400 : index
    %swap3A_325 = tpu.vector_load %arg8[%swap3A_324] {strides = array<i32>} : memref<640xi32, #tpu.memory_space<vmem>>, vector<16xi32>,
    tpu.vector_store %arg8[%swap3A_324], %add3A_323 {strides = array<i32>} : memref<640xi32, #tpu.memory_space<vmem>>, vector<16xi32>,
    %add3A_326 = arith.constant 4 : i32
    %add3A_327 = vector.broadcast %add3A_326 : i32 to vector<16xi32>
    %add3A_328 = arith.addi %mul3A_305, %add3A_327 : vector<16xi32>
    %swap3A_329 = arith.constant 528 : index
    %swap3A_330 = tpu.vector_load %arg8[%swap3A_329] {strides = array<i32>} : memref<640xi32, #tpu.memory_space<vmem>>, vector<16xi32>,
    tpu.vector_store %arg8[%swap3A_329], %add3A_328 {strides = array<i32>} : memref<640xi32, #tpu.memory_space<vmem>>, vector<16xi32>,
    %get3A_331 = arith.constant 160 : index
    %get3A_332 = tpu.vector_load %arg7[%get3A_331] {strides = array<i32>} : memref<512xi32, #tpu.memory_space<vmem>>, vector<16xi32>,
    %mul3A_333 = arith.constant 5 : i32
    %mul3A_334 = vector.broadcast %mul3A_333 : i32 to vector<16xi32>
    %mul3A_335 = arith.muli %get3A_332, %mul3A_334 : vector<16xi32>
    %add3A_336 = arith.constant 0 : i32
    %add3A_337 = vector.broadcast %add3A_336 : i32 to vector<16xi32>
    %add3A_338 = arith.addi %mul3A_335, %add3A_337 : vector<16xi32>
    %swap3A_339 = arith.constant 32 : index
    %swap3A_340 = tpu.vector_load %arg8[%swap3A_339] {strides = array<i32>} : memref<640xi32, #tpu.memory_space<vmem>>, vector<16xi32>,
    tpu.vector_store %arg8[%swap3A_339], %add3A_338 {strides = array<i32>} : memref<640xi32, #tpu.memory_space<vmem>>, vector<16xi32>,
    %add3A_341 = arith.constant 1 : i32
    %add3A_342 = vector.broadcast %add3A_341 : i32 to vector<16xi32>
    %add3A_343 = arith.addi %mul3A_335, %add3A_342 : vector<16xi32>
    %swap3A_344 = arith.constant 160 : index
    %swap3A_345 = tpu.vector_load %arg8[%swap3A_344] {strides = array<i32>} : memref<640xi32, #tpu.memory_space<vmem>>, vector<16xi32>,
    tpu.vector_store %arg8[%swap3A_344], %add3A_343 {strides = array<i32>} : memref<640xi32, #tpu.memory_space<vmem>>, vector<16xi32>,
    %add3A_346 = arith.constant 2 : i32
    %add3A_347 = vector.broadcast %add3A_346 : i32 to vector<16xi32>
    %add3A_348 = arith.addi %mul3A_335, %add3A_347 : vector<16xi32>
    %swap3A_349 = arith.constant 288 : index
    %swap3A_350 = tpu.vector_load %arg8[%swap3A_349] {strides = array<i32>} : memref<640xi32, #tpu.memory_space<vmem>>, vector<16xi32>,
    tpu.vector_store %arg8[%swap3A_349], %add3A_348 {strides = array<i32>} : memref<640xi32, #tpu.memory_space<vmem>>, vector<16xi32>,
    %add3A_351 = arith.constant 3 : i32
    %add3A_352 = vector.broadcast %add3A_351 : i32 to vector<16xi32>
    %add3A_353 = arith.addi %mul3A_335, %add3A_352 : vector<16xi32>
    %swap3A_354 = arith.constant 416 : index
    %swap3A_355 = tpu.vector_load %arg8[%swap3A_354] {strides = array<i32>} : memref<640xi32, #tpu.memory_space<vmem>>, vector<16xi32>,
    tpu.vector_store %arg8[%swap3A_354], %add3A_353 {strides = array<i32>} : memref<640xi32, #tpu.memory_space<vmem>>, vector<16xi32>,
    %add3A_356 = arith.constant 4 : i32
    %add3A_357 = vector.broadcast %add3A_356 : i32 to vector<16xi32>
    %add3A_358 = arith.addi %mul3A_335, %add3A_357 : vector<16xi32>
    %swap3A_359 = arith.constant 544 : index
    %swap3A_360 = tpu.vector_load %arg8[%swap3A_359] {strides = array<i32>} : memref<640xi32, #tpu.memory_space<vmem>>, vector<16xi32>,
    tpu.vector_store %arg8[%swap3A_359], %add3A_358 {strides = array<i32>} : memref<640xi32, #tpu.memory_space<vmem>>, vector<16xi32>,
    %get3A_361 = arith.constant 176 : index
    %get3A_362 = tpu.vector_load %arg7[%get3A_361] {strides = array<i32>} : memref<512xi32, #tpu.memory_space<vmem>>, vector<16xi32>,
    %mul3A_363 = arith.constant 5 : i32
    %mul3A_364 = vector.broadcast %mul3A_363 : i32 to vector<16xi32>
    %mul3A_365 = arith.muli %get3A_362, %mul3A_364 : vector<16xi32>
    %add3A_366 = arith.constant 0 : i32
    %add3A_367 = vector.broadcast %add3A_366 : i32 to vector<16xi32>
    %add3A_368 = arith.addi %mul3A_365, %add3A_367 : vector<16xi32>
    %swap3A_369 = arith.constant 48 : index
    %swap3A_370 = tpu.vector_load %arg8[%swap3A_369] {strides = array<i32>} : memref<640xi32, #tpu.memory_space<vmem>>, vector<16xi32>,
    tpu.vector_store %arg8[%swap3A_369], %add3A_368 {strides = array<i32>} : memref<640xi32, #tpu.memory_space<vmem>>, vector<16xi32>,
    %add3A_371 = arith.constant 1 : i32
    %add3A_372 = vector.broadcast %add3A_371 : i32 to vector<16xi32>
    %add3A_373 = arith.addi %mul3A_365, %add3A_372 : vector<16xi32>
    %swap3A_374 = arith.constant 176 : index
    %swap3A_375 = tpu.vector_load %arg8[%swap3A_374] {strides = array<i32>} : memref<640xi32, #tpu.memory_space<vmem>>, vector<16xi32>,
    tpu.vector_store %arg8[%swap3A_374], %add3A_373 {strides = array<i32>} : memref<640xi32, #tpu.memory_space<vmem>>, vector<16xi32>,
    %add3A_376 = arith.constant 2 : i32
    %add3A_377 = vector.broadcast %add3A_376 : i32 to vector<16xi32>
    %add3A_378 = arith.addi %mul3A_365, %add3A_377 : vector<16xi32>
    %swap3A_379 = arith.constant 304 : index
    %swap3A_380 = tpu.vector_load %arg8[%swap3A_379] {strides = array<i32>} : memref<640xi32, #tpu.memory_space<vmem>>, vector<16xi32>,
    tpu.vector_store %arg8[%swap3A_379], %add3A_378 {strides = array<i32>} : memref<640xi32, #tpu.memory_space<vmem>>, vector<16xi32>,
    %add3A_381 = arith.constant 3 : i32
    %add3A_382 = vector.broadcast %add3A_381 : i32 to vector<16xi32>
    %add3A_383 = arith.addi %mul3A_365, %add3A_382 : vector<16xi32>
    %swap3A_384 = arith.constant 432 : index
    %swap3A_385 = tpu.vector_load %arg8[%swap3A_384] {strides = array<i32>} : memref<640xi32, #tpu.memory_space<vmem>>, vector<16xi32>,
    tpu.vector_store %arg8[%swap3A_384], %add3A_383 {strides = array<i32>} : memref<640xi32, #tpu.memory_space<vmem>>, vector<16xi32>,
    %add3A_386 = arith.constant 4 : i32
    %add3A_387 = vector.broadcast %add3A_386 : i32 to vector<16xi32>
    %add3A_388 = arith.addi %mul3A_365, %add3A_387 : vector<16xi32>
    %swap3A_389 = arith.constant 560 : index
    %swap3A_390 = tpu.vector_load %arg8[%swap3A_389] {strides = array<i32>} : memref<640xi32, #tpu.memory_space<vmem>>, vector<16xi32>,
    tpu.vector_store %arg8[%swap3A_389], %add3A_388 {strides = array<i32>} : memref<640xi32, #tpu.memory_space<vmem>>, vector<16xi32>,
    %get3A_391 = arith.constant 192 : index
    %get3A_392 = tpu.vector_load %arg7[%get3A_391] {strides = array<i32>} : memref<512xi32, #tpu.memory_space<vmem>>, vector<16xi32>,
    %mul3A_393 = arith.constant 5 : i32
    %mul3A_394 = vector.broadcast %mul3A_393 : i32 to vector<16xi32>
    %mul3A_395 = arith.muli %get3A_392, %mul3A_394 : vector<16xi32>
    %add3A_396 = arith.constant 0 : i32
    %add3A_397 = vector.broadcast %add3A_396 : i32 to vector<16xi32>
    %add3A_398 = arith.addi %mul3A_395, %add3A_397 : vector<16xi32>
    %swap3A_399 = arith.constant 64 : index
    %swap3A_400 = tpu.vector_load %arg8[%swap3A_399] {strides = array<i32>} : memref<640xi32, #tpu.memory_space<vmem>>, vector<16xi32>,
    tpu.vector_store %arg8[%swap3A_399], %add3A_398 {strides = array<i32>} : memref<640xi32, #tpu.memory_space<vmem>>, vector<16xi32>,
    %add3A_401 = arith.constant 1 : i32
    %add3A_402 = vector.broadcast %add3A_401 : i32 to vector<16xi32>
    %add3A_403 = arith.addi %mul3A_395, %add3A_402 : vector<16xi32>
    %swap3A_404 = arith.constant 192 : index
    %swap3A_405 = tpu.vector_load %arg8[%swap3A_404] {strides = array<i32>} : memref<640xi32, #tpu.memory_space<vmem>>, vector<16xi32>,
    tpu.vector_store %arg8[%swap3A_404], %add3A_403 {strides = array<i32>} : memref<640xi32, #tpu.memory_space<vmem>>, vector<16xi32>,
    %add3A_406 = arith.constant 2 : i32
    %add3A_407 = vector.broadcast %add3A_406 : i32 to vector<16xi32>
    %add3A_408 = arith.addi %mul3A_395, %add3A_407 : vector<16xi32>
    %swap3A_409 = arith.constant 320 : index
    %swap3A_410 = tpu.vector_load %arg8[%swap3A_409] {strides = array<i32>} : memref<640xi32, #tpu.memory_space<vmem>>, vector<16xi32>,
    tpu.vector_store %arg8[%swap3A_409], %add3A_408 {strides = array<i32>} : memref<640xi32, #tpu.memory_space<vmem>>, vector<16xi32>,
    %add3A_411 = arith.constant 3 : i32
    %add3A_412 = vector.broadcast %add3A_411 : i32 to vector<16xi32>
    %add3A_413 = arith.addi %mul3A_395, %add3A_412 : vector<16xi32>
    %swap3A_414 = arith.constant 448 : index
    %swap3A_415 = tpu.vector_load %arg8[%swap3A_414] {strides = array<i32>} : memref<640xi32, #tpu.memory_space<vmem>>, vector<16xi32>,
    tpu.vector_store %arg8[%swap3A_414], %add3A_413 {strides = array<i32>} : memref<640xi32, #tpu.memory_space<vmem>>, vector<16xi32>,
    %add3A_416 = arith.constant 4 : i32
    %add3A_417 = vector.broadcast %add3A_416 : i32 to vector<16xi32>
    %add3A_418 = arith.addi %mul3A_395, %add3A_417 : vector<16xi32>
    %swap3A_419 = arith.constant 576 : index
    %swap3A_420 = tpu.vector_load %arg8[%swap3A_419] {strides = array<i32>} : memref<640xi32, #tpu.memory_space<vmem>>, vector<16xi32>,
    tpu.vector_store %arg8[%swap3A_419], %add3A_418 {strides = array<i32>} : memref<640xi32, #tpu.memory_space<vmem>>, vector<16xi32>,
    %get3A_421 = arith.constant 208 : index
    %get3A_422 = tpu.vector_load %arg7[%get3A_421] {strides = array<i32>} : memref<512xi32, #tpu.memory_space<vmem>>, vector<16xi32>,
    %mul3A_423 = arith.constant 5 : i32
    %mul3A_424 = vector.broadcast %mul3A_423 : i32 to vector<16xi32>
    %mul3A_425 = arith.muli %get3A_422, %mul3A_424 : vector<16xi32>
    %add3A_426 = arith.constant 0 : i32
    %add3A_427 = vector.broadcast %add3A_426 : i32 to vector<16xi32>
    %add3A_428 = arith.addi %mul3A_425, %add3A_427 : vector<16xi32>
    %swap3A_429 = arith.constant 80 : index
    %swap3A_430 = tpu.vector_load %arg8[%swap3A_429] {strides = array<i32>} : memref<640xi32, #tpu.memory_space<vmem>>, vector<16xi32>,
    tpu.vector_store %arg8[%swap3A_429], %add3A_428 {strides = array<i32>} : memref<640xi32, #tpu.memory_space<vmem>>, vector<16xi32>,
    %add3A_431 = arith.constant 1 : i32
    %add3A_432 = vector.broadcast %add3A_431 : i32 to vector<16xi32>
    %add3A_433 = arith.addi %mul3A_425, %add3A_432 : vector<16xi32>
    %swap3A_434 = arith.constant 208 : index
    %swap3A_435 = tpu.vector_load %arg8[%swap3A_434] {strides = array<i32>} : memref<640xi32, #tpu.memory_space<vmem>>, vector<16xi32>,
    tpu.vector_store %arg8[%swap3A_434], %add3A_433 {strides = array<i32>} : memref<640xi32, #tpu.memory_space<vmem>>, vector<16xi32>,
    %add3A_436 = arith.constant 2 : i32
    %add3A_437 = vector.broadcast %add3A_436 : i32 to vector<16xi32>
    %add3A_438 = arith.addi %mul3A_425, %add3A_437 : vector<16xi32>
    %swap3A_439 = arith.constant 336 : index
    %swap3A_440 = tpu.vector_load %arg8[%swap3A_439] {strides = array<i32>} : memref<640xi32, #tpu.memory_space<vmem>>, vector<16xi32>,
    tpu.vector_store %arg8[%swap3A_439], %add3A_438 {strides = array<i32>} : memref<640xi32, #tpu.memory_space<vmem>>, vector<16xi32>,
    %add3A_441 = arith.constant 3 : i32
    %add3A_442 = vector.broadcast %add3A_441 : i32 to vector<16xi32>
    %add3A_443 = arith.addi %mul3A_425, %add3A_442 : vector<16xi32>
    %swap3A_444 = arith.constant 464 : index
    %swap3A_445 = tpu.vector_load %arg8[%swap3A_444] {strides = array<i32>} : memref<640xi32, #tpu.memory_space<vmem>>, vector<16xi32>,
    tpu.vector_store %arg8[%swap3A_444], %add3A_443 {strides = array<i32>} : memref<640xi32, #tpu.memory_space<vmem>>, vector<16xi32>,
    %add3A_446 = arith.constant 4 : i32
    %add3A_447 = vector.broadcast %add3A_446 : i32 to vector<16xi32>
    %add3A_448 = arith.addi %mul3A_425, %add3A_447 : vector<16xi32>
    %swap3A_449 = arith.constant 592 : index
    %swap3A_450 = tpu.vector_load %arg8[%swap3A_449] {strides = array<i32>} : memref<640xi32, #tpu.memory_space<vmem>>, vector<16xi32>,
    tpu.vector_store %arg8[%swap3A_449], %add3A_448 {strides = array<i32>} : memref<640xi32, #tpu.memory_space<vmem>>, vector<16xi32>,
    %get3A_451 = arith.constant 224 : index
    %get3A_452 = tpu.vector_load %arg7[%get3A_451] {strides = array<i32>} : memref<512xi32, #tpu.memory_space<vmem>>, vector<16xi32>,
    %mul3A_453 = arith.constant 5 : i32
    %mul3A_454 = vector.broadcast %mul3A_453 : i32 to vector<16xi32>
    %mul3A_455 = arith.muli %get3A_452, %mul3A_454 : vector<16xi32>
    %add3A_456 = arith.constant 0 : i32
    %add3A_457 = vector.broadcast %add3A_456 : i32 to vector<16xi32>
    %add3A_458 = arith.addi %mul3A_455, %add3A_457 : vector<16xi32>
    %swap3A_459 = arith.constant 96 : index
    %swap3A_460 = tpu.vector_load %arg8[%swap3A_459] {strides = array<i32>} : memref<640xi32, #tpu.memory_space<vmem>>, vector<16xi32>,
    tpu.vector_store %arg8[%swap3A_459], %add3A_458 {strides = array<i32>} : memref<640xi32, #tpu.memory_space<vmem>>, vector<16xi32>,
    %add3A_461 = arith.constant 1 : i32
    %add3A_462 = vector.broadcast %add3A_461 : i32 to vector<16xi32>
    %add3A_463 = arith.addi %mul3A_455, %add3A_462 : vector<16xi32>
    %swap3A_464 = arith.constant 224 : index
    %swap3A_465 = tpu.vector_load %arg8[%swap3A_464] {strides = array<i32>} : memref<640xi32, #tpu.memory_space<vmem>>, vector<16xi32>,
    tpu.vector_store %arg8[%swap3A_464], %add3A_463 {strides = array<i32>} : memref<640xi32, #tpu.memory_space<vmem>>, vector<16xi32>,
    %add3A_466 = arith.constant 2 : i32
    %add3A_467 = vector.broadcast %add3A_466 : i32 to vector<16xi32>
    %add3A_468 = arith.addi %mul3A_455, %add3A_467 : vector<16xi32>
    %swap3A_469 = arith.constant 352 : index
    %swap3A_470 = tpu.vector_load %arg8[%swap3A_469] {strides = array<i32>} : memref<640xi32, #tpu.memory_space<vmem>>, vector<16xi32>,
    tpu.vector_store %arg8[%swap3A_469], %add3A_468 {strides = array<i32>} : memref<640xi32, #tpu.memory_space<vmem>>, vector<16xi32>,
    %add3A_471 = arith.constant 3 : i32
    %add3A_472 = vector.broadcast %add3A_471 : i32 to vector<16xi32>
    %add3A_473 = arith.addi %mul3A_455, %add3A_472 : vector<16xi32>
    %swap3A_474 = arith.constant 480 : index
    %swap3A_475 = tpu.vector_load %arg8[%swap3A_474] {strides = array<i32>} : memref<640xi32, #tpu.memory_space<vmem>>, vector<16xi32>,
    tpu.vector_store %arg8[%swap3A_474], %add3A_473 {strides = array<i32>} : memref<640xi32, #tpu.memory_space<vmem>>, vector<16xi32>,
    %add3A_476 = arith.constant 4 : i32
    %add3A_477 = vector.broadcast %add3A_476 : i32 to vector<16xi32>
    %add3A_478 = arith.addi %mul3A_455, %add3A_477 : vector<16xi32>
    %swap3A_479 = arith.constant 608 : index
    %swap3A_480 = tpu.vector_load %arg8[%swap3A_479] {strides = array<i32>} : memref<640xi32, #tpu.memory_space<vmem>>, vector<16xi32>,
    tpu.vector_store %arg8[%swap3A_479], %add3A_478 {strides = array<i32>} : memref<640xi32, #tpu.memory_space<vmem>>, vector<16xi32>,
    %get3A_481 = arith.constant 240 : index
    %get3A_482 = tpu.vector_load %arg7[%get3A_481] {strides = array<i32>} : memref<512xi32, #tpu.memory_space<vmem>>, vector<16xi32>,
    %mul3A_483 = arith.constant 5 : i32
    %mul3A_484 = vector.broadcast %mul3A_483 : i32 to vector<16xi32>
    %mul3A_485 = arith.muli %get3A_482, %mul3A_484 : vector<16xi32>
    %add3A_486 = arith.constant 0 : i32
    %add3A_487 = vector.broadcast %add3A_486 : i32 to vector<16xi32>
    %add3A_488 = arith.addi %mul3A_485, %add3A_487 : vector<16xi32>
    %swap3A_489 = arith.constant 112 : index
    %swap3A_490 = tpu.vector_load %arg8[%swap3A_489] {strides = array<i32>} : memref<640xi32, #tpu.memory_space<vmem>>, vector<16xi32>,
    tpu.vector_store %arg8[%swap3A_489], %add3A_488 {strides = array<i32>} : memref<640xi32, #tpu.memory_space<vmem>>, vector<16xi32>,
    %add3A_491 = arith.constant 1 : i32
    %add3A_492 = vector.broadcast %add3A_491 : i32 to vector<16xi32>
    %add3A_493 = arith.addi %mul3A_485, %add3A_492 : vector<16xi32>
    %swap3A_494 = arith.constant 240 : index
    %swap3A_495 = tpu.vector_load %arg8[%swap3A_494] {strides = array<i32>} : memref<640xi32, #tpu.memory_space<vmem>>, vector<16xi32>,
    tpu.vector_store %arg8[%swap3A_494], %add3A_493 {strides = array<i32>} : memref<640xi32, #tpu.memory_space<vmem>>, vector<16xi32>,
    %add3A_496 = arith.constant 2 : i32
    %add3A_497 = vector.broadcast %add3A_496 : i32 to vector<16xi32>
    %add3A_498 = arith.addi %mul3A_485, %add3A_497 : vector<16xi32>
    %swap3A_499 = arith.constant 368 : index
    %swap3A_500 = tpu.vector_load %arg8[%swap3A_499] {strides = array<i32>} : memref<640xi32, #tpu.memory_space<vmem>>, vector<16xi32>,
    tpu.vector_store %arg8[%swap3A_499], %add3A_498 {strides = array<i32>} : memref<640xi32, #tpu.memory_space<vmem>>, vector<16xi32>,
    %add3A_501 = arith.constant 3 : i32
    %add3A_502 = vector.broadcast %add3A_501 : i32 to vector<16xi32>
    %add3A_503 = arith.addi %mul3A_485, %add3A_502 : vector<16xi32>
    %swap3A_504 = arith.constant 496 : index
    %swap3A_505 = tpu.vector_load %arg8[%swap3A_504] {strides = array<i32>} : memref<640xi32, #tpu.memory_space<vmem>>, vector<16xi32>,
    tpu.vector_store %arg8[%swap3A_504], %add3A_503 {strides = array<i32>} : memref<640xi32, #tpu.memory_space<vmem>>, vector<16xi32>,
    %add3A_506 = arith.constant 4 : i32
    %add3A_507 = vector.broadcast %add3A_506 : i32 to vector<16xi32>
    %add3A_508 = arith.addi %mul3A_485, %add3A_507 : vector<16xi32>
    %swap3A_509 = arith.constant 624 : index
    %swap3A_510 = tpu.vector_load %arg8[%swap3A_509] {strides = array<i32>} : memref<640xi32, #tpu.memory_space<vmem>>, vector<16xi32>,
    tpu.vector_store %arg8[%swap3A_509], %add3A_508 {strides = array<i32>} : memref<640xi32, #tpu.memory_space<vmem>>, vector<16xi32>,
    %dma_start3A_511 = arith.constant 0 : i32
    %dma_start3A_512 = tpu.memref_slice %arg3[%dma_start3A_511] : memref<5000000xi32, #tpu.memory_space<hbm>> -> memref<5000000xi32, #tpu.memory_space<hbm>>
    tpu.enqueue_indirect_dma source(%dma_start3A_512 : memref<5000000xi32, #tpu.memory_space<hbm>>) target(%arg9 : memref<640xi32, #tpu.memory_space<vmem>>) offsets(%arg8 : memref<640xi32, #tpu.memory_space<vmem>>) semaphore(%arg14 : memref<!tpu.dma_semaphore, #tpu.memory_space<semaphore_mem>>)
    %dma_wait3A_513 = arith.constant 0 : i32
    %dma_wait3A_514 = tpu.memref_slice %arg3[%dma_wait3A_513] : memref<5000000xi32, #tpu.memory_space<hbm>> -> memref<5000000xi32, #tpu.memory_space<hbm>>
    tpu.wait_indirect_dma semaphore(%arg14 : memref<!tpu.dma_semaphore, #tpu.memory_space<semaphore_mem>>) src(%dma_wait3A_514 : memref<5000000xi32, #tpu.memory_space<hbm>>) dst(%arg9 : memref<640xi32, #tpu.memory_space<vmem>>)
    %dma_start3A_515 = arith.constant 0 : i32
    %dma_start3A_516 = arith.constant 0 : i32
    %dma_start3A_517 = tpu.memref_slice %arg5[%dma_start3A_515, %dma_start3A_516] : memref<2000x64xf32, #tpu.memory_space<hbm>> -> memref<2000x64xf32, #tpu.memory_space<hbm>>
    tpu.enqueue_indirect_dma source(%dma_start3A_517 : memref<2000x64xf32, #tpu.memory_space<hbm>>) target(%arg11 : memref<640x64xf32, #tpu.memory_space<vmem>>) offsets(%arg9 : memref<640xi32, #tpu.memory_space<vmem>>) semaphore(%arg14 : memref<!tpu.dma_semaphore, #tpu.memory_space<semaphore_mem>>)
    %dma_wait3A_518 = arith.constant 0 : i32
    %dma_wait3A_519 = arith.constant 0 : i32
    %dma_wait3A_520 = tpu.memref_slice %arg5[%dma_wait3A_518, %dma_wait3A_519] : memref<2000x64xf32, #tpu.memory_space<hbm>> -> memref<2000x64xf32, #tpu.memory_space<hbm>>
    tpu.wait_indirect_dma semaphore(%arg14 : memref<!tpu.dma_semaphore, #tpu.memory_space<semaphore_mem>>) src(%dma_wait3A_520 : memref<2000x64xf32, #tpu.memory_space<hbm>>) dst(%arg11 : memref<640x64xf32, #tpu.memory_space<vmem>>)
    %dma_wait3A_521 = arith.constant 128 : i32
    %dma_wait3A_522 = tpu.memref_slice %arg7[%dma_wait3A_521] : memref<512xi32, #tpu.memory_space<vmem>> -> memref<128xi32, #tpu.memory_space<vmem>>
    %dma_wait3A_523 = arith.constant 0 : i32
    %dma_wait3A_524 = arith.constant 0 : i32
    %dma_wait3A_525 = tpu.memref_slice %arg4[%dma_wait3A_523, %dma_wait3A_524] : memref<1000000x64xf32, #tpu.memory_space<hbm>> -> memref<1000000x64xf32, #tpu.memory_space<hbm>>
    tpu.wait_indirect_dma semaphore(%arg13 : memref<!tpu.dma_semaphore, #tpu.memory_space<semaphore_mem>>) src(%dma_wait3A_525 : memref<1000000x64xf32, #tpu.memory_space<hbm>>) dst(%arg10 : memref<128x64xf32, #tpu.memory_space<vmem>>)
    %scan3A_526 = arith.constant 0 : i32
    %scan3A_527 = arith.constant 0 : i32
    %scan3A_528 = arith.constant 128 : i32
    %scan3A_529 = arith.addi %scan3A_527, %scan3A_528 : i32
    %scan3A_530 = arith.constant 1 : i32
    scf.for %scan3A_1070 = %scan3A_527 to %scan3A_529 step %scan3A_530  : i32 {
      %get3A_1071 = arith.index_cast %scan3A_1070 : i32 to index
      %get3A_1072 = arith.constant 0 : index
      %get3A_1073 = tpu.vector_load %arg11[%get3A_1071, %get3A_1072] {strides = array<i32>} : memref<640x64xf32, #tpu.memory_space<vmem>>, vector<16xf32>,
      %add3A_1074 = arith.constant 128 : i32
      %add3A_1075 = arith.addi %add3A_1074, %scan3A_1070 : i32
      %get3A_1076 = arith.index_cast %add3A_1075 : i32 to index
      %get3A_1077 = arith.constant 0 : index
      %get3A_1078 = tpu.vector_load %arg11[%get3A_1076, %get3A_1077] {strides = array<i32>} : memref<640x64xf32, #tpu.memory_space<vmem>>, vector<16xf32>,
      %add3A_1079 = arith.addf %get3A_1073, %get3A_1078 : vector<16xf32>
      %add3A_1080 = arith.constant 256 : i32
      %add3A_1081 = arith.addi %add3A_1080, %scan3A_1070 : i32
      %get3A_1082 = arith.index_cast %add3A_1081 : i32 to index
      %get3A_1083 = arith.constant 0 : index
      %get3A_1084 = tpu.vector_load %arg11[%get3A_1082, %get3A_1083] {strides = array<i32>} : memref<640x64xf32, #tpu.memory_space<vmem>>, vector<16xf32>,
      %add3A_1085 = arith.addf %add3A_1079, %get3A_1084 : vector<16xf32>
      %add3A_1086 = arith.constant 384 : i32
      %add3A_1087 = arith.addi %add3A_1086, %scan3A_1070 : i32
      %get3A_1088 = arith.index_cast %add3A_1087 : i32 to index
      %get3A_1089 = arith.constant 0 : index
      %get3A_1090 = tpu.vector_load %arg11[%get3A_1088, %get3A_1089] {strides = array<i32>} : memref<640x64xf32, #tpu.memory_space<vmem>>, vector<16xf32>,
      %add3A_1091 = arith.addf %add3A_1085, %get3A_1090 : vector<16xf32>
      %add3A_1092 = arith.constant 512 : i32
      %add3A_1093 = arith.addi %add3A_1092, %scan3A_1070 : i32
      %get3A_1094 = arith.index_cast %add3A_1093 : i32 to index
      %get3A_1095 = arith.constant 0 : index
      %get3A_1096 = tpu.vector_load %arg11[%get3A_1094, %get3A_1095] {strides = array<i32>} : memref<640x64xf32, #tpu.memory_space<vmem>>, vector<16xf32>,
      %add3A_1097 = arith.addf %add3A_1091, %get3A_1096 : vector<16xf32>
      %mul3A_1098 = arith.mulf %add3A_1097, %add3A_1097 : vector<16xf32>
      %get3A_1099 = arith.index_cast %scan3A_1070 : i32 to index
      %get3A_1100 = arith.constant 16 : index
      %get3A_1101 = tpu.vector_load %arg11[%get3A_1099, %get3A_1100] {strides = array<i32>} : memref<640x64xf32, #tpu.memory_space<vmem>>, vector<16xf32>,
      %add3A_1102 = arith.constant 128 : i32
      %add3A_1103 = arith.addi %add3A_1102, %scan3A_1070 : i32
      %get3A_1104 = arith.index_cast %add3A_1103 : i32 to index
      %get3A_1105 = arith.constant 16 : index
      %get3A_1106 = tpu.vector_load %arg11[%get3A_1104, %get3A_1105] {strides = array<i32>} : memref<640x64xf32, #tpu.memory_space<vmem>>, vector<16xf32>,
      %add3A_1107 = arith.addf %get3A_1101, %get3A_1106 : vector<16xf32>
      %add3A_1108 = arith.constant 256 : i32
      %add3A_1109 = arith.addi %add3A_1108, %scan3A_1070 : i32
      %get3A_1110 = arith.index_cast %add3A_1109 : i32 to index
      %get3A_1111 = arith.constant 16 : index
      %get3A_1112 = tpu.vector_load %arg11[%get3A_1110, %get3A_1111] {strides = array<i32>} : memref<640x64xf32, #tpu.memory_space<vmem>>, vector<16xf32>,
      %add3A_1113 = arith.addf %add3A_1107, %get3A_1112 : vector<16xf32>
      %add3A_1114 = arith.constant 384 : i32
      %add3A_1115 = arith.addi %add3A_1114, %scan3A_1070 : i32
      %get3A_1116 = arith.index_cast %add3A_1115 : i32 to index
      %get3A_1117 = arith.constant 16 : index
      %get3A_1118 = tpu.vector_load %arg11[%get3A_1116, %get3A_1117] {strides = array<i32>} : memref<640x64xf32, #tpu.memory_space<vmem>>, vector<16xf32>,
      %add3A_1119 = arith.addf %add3A_1113, %get3A_1118 : vector<16xf32>
      %add3A_1120 = arith.constant 512 : i32
      %add3A_1121 = arith.addi %add3A_1120, %scan3A_1070 : i32
      %get3A_1122 = arith.index_cast %add3A_1121 : i32 to index
      %get3A_1123 = arith.constant 16 : index
      %get3A_1124 = tpu.vector_load %arg11[%get3A_1122, %get3A_1123] {strides = array<i32>} : memref<640x64xf32, #tpu.memory_space<vmem>>, vector<16xf32>,
      %add3A_1125 = arith.addf %add3A_1119, %get3A_1124 : vector<16xf32>
      %mul3A_1126 = arith.mulf %add3A_1125, %add3A_1125 : vector<16xf32>
      %add3A_1127 = arith.addf %mul3A_1098, %mul3A_1126 : vector<16xf32>
      %get3A_1128 = arith.index_cast %scan3A_1070 : i32 to index
      %get3A_1129 = arith.constant 32 : index
      %get3A_1130 = tpu.vector_load %arg11[%get3A_1128, %get3A_1129] {strides = array<i32>} : memref<640x64xf32, #tpu.memory_space<vmem>>, vector<16xf32>,
      %add3A_1131 = arith.constant 128 : i32
      %add3A_1132 = arith.addi %add3A_1131, %scan3A_1070 : i32
      %get3A_1133 = arith.index_cast %add3A_1132 : i32 to index
      %get3A_1134 = arith.constant 32 : index
      %get3A_1135 = tpu.vector_load %arg11[%get3A_1133, %get3A_1134] {strides = array<i32>} : memref<640x64xf32, #tpu.memory_space<vmem>>, vector<16xf32>,
      %add3A_1136 = arith.addf %get3A_1130, %get3A_1135 : vector<16xf32>
      %add3A_1137 = arith.constant 256 : i32
      %add3A_1138 = arith.addi %add3A_1137, %scan3A_1070 : i32
      %get3A_1139 = arith.index_cast %add3A_1138 : i32 to index
      %get3A_1140 = arith.constant 32 : index
      %get3A_1141 = tpu.vector_load %arg11[%get3A_1139, %get3A_1140] {strides = array<i32>} : memref<640x64xf32, #tpu.memory_space<vmem>>, vector<16xf32>,
      %add3A_1142 = arith.addf %add3A_1136, %get3A_1141 : vector<16xf32>
      %add3A_1143 = arith.constant 384 : i32
      %add3A_1144 = arith.addi %add3A_1143, %scan3A_1070 : i32
      %get3A_1145 = arith.index_cast %add3A_1144 : i32 to index
      %get3A_1146 = arith.constant 32 : index
      %get3A_1147 = tpu.vector_load %arg11[%get3A_1145, %get3A_1146] {strides = array<i32>} : memref<640x64xf32, #tpu.memory_space<vmem>>, vector<16xf32>,
      %add3A_1148 = arith.addf %add3A_1142, %get3A_1147 : vector<16xf32>
      %add3A_1149 = arith.constant 512 : i32
      %add3A_1150 = arith.addi %add3A_1149, %scan3A_1070 : i32
      %get3A_1151 = arith.index_cast %add3A_1150 : i32 to index
      %get3A_1152 = arith.constant 32 : index
      %get3A_1153 = tpu.vector_load %arg11[%get3A_1151, %get3A_1152] {strides = array<i32>} : memref<640x64xf32, #tpu.memory_space<vmem>>, vector<16xf32>,
      %add3A_1154 = arith.addf %add3A_1148, %get3A_1153 : vector<16xf32>
      %mul3A_1155 = arith.mulf %add3A_1154, %add3A_1154 : vector<16xf32>
      %add3A_1156 = arith.addf %add3A_1127, %mul3A_1155 : vector<16xf32>
      %get3A_1157 = arith.index_cast %scan3A_1070 : i32 to index
      %get3A_1158 = arith.constant 48 : index
      %get3A_1159 = tpu.vector_load %arg11[%get3A_1157, %get3A_1158] {strides = array<i32>} : memref<640x64xf32, #tpu.memory_space<vmem>>, vector<16xf32>,
      %add3A_1160 = arith.constant 128 : i32
      %add3A_1161 = arith.addi %add3A_1160, %scan3A_1070 : i32
      %get3A_1162 = arith.index_cast %add3A_1161 : i32 to index
      %get3A_1163 = arith.constant 48 : index
      %get3A_1164 = tpu.vector_load %arg11[%get3A_1162, %get3A_1163] {strides = array<i32>} : memref<640x64xf32, #tpu.memory_space<vmem>>, vector<16xf32>,
      %add3A_1165 = arith.addf %get3A_1159, %get3A_1164 : vector<16xf32>
      %add3A_1166 = arith.constant 256 : i32
      %add3A_1167 = arith.addi %add3A_1166, %scan3A_1070 : i32
      %get3A_1168 = arith.index_cast %add3A_1167 : i32 to index
      %get3A_1169 = arith.constant 48 : index
      %get3A_1170 = tpu.vector_load %arg11[%get3A_1168, %get3A_1169] {strides = array<i32>} : memref<640x64xf32, #tpu.memory_space<vmem>>, vector<16xf32>,
      %add3A_1171 = arith.addf %add3A_1165, %get3A_1170 : vector<16xf32>
      %add3A_1172 = arith.constant 384 : i32
      %add3A_1173 = arith.addi %add3A_1172, %scan3A_1070 : i32
      %get3A_1174 = arith.index_cast %add3A_1173 : i32 to index
      %get3A_1175 = arith.constant 48 : index
      %get3A_1176 = tpu.vector_load %arg11[%get3A_1174, %get3A_1175] {strides = array<i32>} : memref<640x64xf32, #tpu.memory_space<vmem>>, vector<16xf32>,
      %add3A_1177 = arith.addf %add3A_1171, %get3A_1176 : vector<16xf32>
      %add3A_1178 = arith.constant 512 : i32
      %add3A_1179 = arith.addi %add3A_1178, %scan3A_1070 : i32
      %get3A_1180 = arith.index_cast %add3A_1179 : i32 to index
      %get3A_1181 = arith.constant 48 : index
      %get3A_1182 = tpu.vector_load %arg11[%get3A_1180, %get3A_1181] {strides = array<i32>} : memref<640x64xf32, #tpu.memory_space<vmem>>, vector<16xf32>,
      %add3A_1183 = arith.addf %add3A_1177, %get3A_1182 : vector<16xf32>
      %mul3A_1184 = arith.mulf %add3A_1183, %add3A_1183 : vector<16xf32>
      %add3A_1185 = arith.addf %add3A_1156, %mul3A_1184 : vector<16xf32>
      %reduce_sum3A = arith.constant true
      %reduce_sum3A_1186 = vector.broadcast %reduce_sum3A : i1 to vector<16xi1>
      %reduce_sum3A_1187 = tpu.scan <sum>, %add3A_1185 masked %reduce_sum3A_1186 : vector<16xf32>, vector<16xi1> -> vector<16xf32>
      %reduce_sum3A_1188 = vector.extract %reduce_sum3A_1187[15] : f32 from vector<16xf32>
      %max3A = arith.constant 1.000000e-24 : f32
      %max3A_1189 = arith.maximumf %reduce_sum3A_1188, %max3A : f32
      %bitcast_convert_type3A = arith.bitcast %max3A_1189 : f32 to i32
      %shift_right_arithmetic3A = arith.constant 1 : i32
      %shift_right_arithmetic3A_1190 = arith.shrsi %bitcast_convert_type3A, %shift_right_arithmetic3A : i32
      %sub3A = arith.constant 1597463007 : i32
      %sub3A_1191 = arith.subi %sub3A, %shift_right_arithmetic3A_1190 : i32
      %bitcast_convert_type3A_1192 = arith.bitcast %sub3A_1191 : i32 to f32
      %mul3A_1193 = arith.constant 5.000000e-01 : f32
      %mul3A_1194 = arith.mulf %mul3A_1193, %max3A_1189 : f32
      %mul3A_1195 = arith.mulf %mul3A_1194, %bitcast_convert_type3A_1192 : f32
      %mul3A_1196 = arith.mulf %mul3A_1195, %bitcast_convert_type3A_1192 : f32
      %sub3A_1197 = arith.constant 1.500000e+00 : f32
      %sub3A_1198 = arith.subf %sub3A_1197, %mul3A_1196 : f32
      %mul3A_1199 = arith.mulf %bitcast_convert_type3A_1192, %sub3A_1198 : f32
      %mul3A_1200 = arith.constant 5.000000e-01 : f32
      %mul3A_1201 = arith.mulf %mul3A_1200, %max3A_1189 : f32
      %mul3A_1202 = arith.mulf %mul3A_1201, %mul3A_1199 : f32
      %mul3A_1203 = arith.mulf %mul3A_1202, %mul3A_1199 : f32
      %sub3A_1204 = arith.constant 1.500000e+00 : f32
      %sub3A_1205 = arith.subf %sub3A_1204, %mul3A_1203 : f32
      %mul3A_1206 = arith.mulf %mul3A_1199, %sub3A_1205 : f32
      %mul3A_1207 = arith.constant 5.000000e-01 : f32
      %mul3A_1208 = arith.mulf %mul3A_1207, %max3A_1189 : f32
      %mul3A_1209 = arith.mulf %mul3A_1208, %mul3A_1206 : f32
      %mul3A_1210 = arith.mulf %mul3A_1209, %mul3A_1206 : f32
      %sub3A_1211 = arith.constant 1.500000e+00 : f32
      %sub3A_1212 = arith.subf %sub3A_1211, %mul3A_1210 : f32
      %mul3A_1213 = arith.mulf %mul3A_1206, %sub3A_1212 : f32
      %mul3A_1214 = arith.constant 5.000000e-01 : f32
      %mul3A_1215 = arith.mulf %mul3A_1214, %mul3A_1213 : f32
      %get3A_1216 = arith.index_cast %scan3A_1070 : i32 to index
      %get3A_1217 = arith.constant 0 : index
      %get3A_1218 = tpu.vector_load %arg10[%get3A_1216, %get3A_1217] {strides = array<i32>} : memref<128x64xf32, #tpu.memory_space<vmem>>, vector<16xf32>,
      %mul3A_1219 = arith.constant 5.000000e-01 : f32
      %mul3A_1220 = vector.broadcast %mul3A_1219 : f32 to vector<16xf32>
      %mul3A_1221 = arith.mulf %mul3A_1220, %get3A_1218 : vector<16xf32>
      %mul3A_1222 = vector.broadcast %mul3A_1215 : f32 to vector<16xf32>
      %mul3A_1223 = arith.mulf %mul3A_1222, %add3A_1097 : vector<16xf32>
      %add3A_1224 = arith.addf %mul3A_1221, %mul3A_1223 : vector<16xf32>
      %swap3A_1225 = arith.index_cast %scan3A_1070 : i32 to index
      %swap3A_1226 = arith.constant 0 : index
      %swap3A_1227 = tpu.vector_load %arg12[%swap3A_1225, %swap3A_1226] {strides = array<i32>} : memref<128x64xf32, #tpu.memory_space<vmem>>, vector<16xf32>,
      tpu.vector_store %arg12[%swap3A_1225, %swap3A_1226], %add3A_1224 {strides = array<i32>} : memref<128x64xf32, #tpu.memory_space<vmem>>, vector<16xf32>,
      %get3A_1228 = arith.index_cast %scan3A_1070 : i32 to index
      %get3A_1229 = arith.constant 16 : index
      %get3A_1230 = tpu.vector_load %arg10[%get3A_1228, %get3A_1229] {strides = array<i32>} : memref<128x64xf32, #tpu.memory_space<vmem>>, vector<16xf32>,
      %mul3A_1231 = arith.constant 5.000000e-01 : f32
      %mul3A_1232 = vector.broadcast %mul3A_1231 : f32 to vector<16xf32>
      %mul3A_1233 = arith.mulf %mul3A_1232, %get3A_1230 : vector<16xf32>
      %mul3A_1234 = vector.broadcast %mul3A_1215 : f32 to vector<16xf32>
      %mul3A_1235 = arith.mulf %mul3A_1234, %add3A_1125 : vector<16xf32>
      %add3A_1236 = arith.addf %mul3A_1233, %mul3A_1235 : vector<16xf32>
      %swap3A_1237 = arith.index_cast %scan3A_1070 : i32 to index
      %swap3A_1238 = arith.constant 16 : index
      %swap3A_1239 = tpu.vector_load %arg12[%swap3A_1237, %swap3A_1238] {strides = array<i32>} : memref<128x64xf32, #tpu.memory_space<vmem>>, vector<16xf32>,
      tpu.vector_store %arg12[%swap3A_1237, %swap3A_1238], %add3A_1236 {strides = array<i32>} : memref<128x64xf32, #tpu.memory_space<vmem>>, vector<16xf32>,
      %get3A_1240 = arith.index_cast %scan3A_1070 : i32 to index
      %get3A_1241 = arith.constant 32 : index
      %get3A_1242 = tpu.vector_load %arg10[%get3A_1240, %get3A_1241] {strides = array<i32>} : memref<128x64xf32, #tpu.memory_space<vmem>>, vector<16xf32>,
      %mul3A_1243 = arith.constant 5.000000e-01 : f32
      %mul3A_1244 = vector.broadcast %mul3A_1243 : f32 to vector<16xf32>
      %mul3A_1245 = arith.mulf %mul3A_1244, %get3A_1242 : vector<16xf32>
      %mul3A_1246 = vector.broadcast %mul3A_1215 : f32 to vector<16xf32>
      %mul3A_1247 = arith.mulf %mul3A_1246, %add3A_1154 : vector<16xf32>
      %add3A_1248 = arith.addf %mul3A_1245, %mul3A_1247 : vector<16xf32>
      %swap3A_1249 = arith.index_cast %scan3A_1070 : i32 to index
      %swap3A_1250 = arith.constant 32 : index
      %swap3A_1251 = tpu.vector_load %arg12[%swap3A_1249, %swap3A_1250] {strides = array<i32>} : memref<128x64xf32, #tpu.memory_space<vmem>>, vector<16xf32>,
      tpu.vector_store %arg12[%swap3A_1249, %swap3A_1250], %add3A_1248 {strides = array<i32>} : memref<128x64xf32, #tpu.memory_space<vmem>>, vector<16xf32>,
      %get3A_1252 = arith.index_cast %scan3A_1070 : i32 to index
      %get3A_1253 = arith.constant 48 : index
      %get3A_1254 = tpu.vector_load %arg10[%get3A_1252, %get3A_1253] {strides = array<i32>} : memref<128x64xf32, #tpu.memory_space<vmem>>, vector<16xf32>,
      %mul3A_1255 = arith.constant 5.000000e-01 : f32
      %mul3A_1256 = vector.broadcast %mul3A_1255 : f32 to vector<16xf32>
      %mul3A_1257 = arith.mulf %mul3A_1256, %get3A_1254 : vector<16xf32>
      %mul3A_1258 = vector.broadcast %mul3A_1215 : f32 to vector<16xf32>
      %mul3A_1259 = arith.mulf %mul3A_1258, %add3A_1183 : vector<16xf32>
      %add3A_1260 = arith.addf %mul3A_1257, %mul3A_1259 : vector<16xf32>
      %swap3A_1261 = arith.index_cast %scan3A_1070 : i32 to index
      %swap3A_1262 = arith.constant 48 : index
      %swap3A_1263 = tpu.vector_load %arg12[%swap3A_1261, %swap3A_1262] {strides = array<i32>} : memref<128x64xf32, #tpu.memory_space<vmem>>, vector<16xf32>,
      tpu.vector_store %arg12[%swap3A_1261, %swap3A_1262], %add3A_1260 {strides = array<i32>} : memref<128x64xf32, #tpu.memory_space<vmem>>, vector<16xf32>,
    }
    %scan3A_531 = arith.constant 128 : i32
    %add3A_532 = arith.constant 128 : i32
    %add3A_533 = arith.addi %mul3A_2, %add3A_532 : i32
    "tpu.region"() ({
      %run_scoped3A = tpu.sem_alloc : memref<!tpu.dma_semaphore, #tpu.memory_space<semaphore_mem>>
      %dma_start3A_1070 = arith.constant 0 : i32
      %dma_start3A_1071 = tpu.memref_slice %arg6[%add3A_533, %dma_start3A_1070] : memref<16384x64xf32, #tpu.memory_space<hbm>> -> memref<128x64xf32, #tpu.memory_space<hbm>>
      %dma_start3A_1072 = arith.constant 0 : i32
      %dma_start3A_1073 = tpu.memref_slice %arg6[%add3A_533, %dma_start3A_1072] : memref<16384x64xf32, #tpu.memory_space<hbm>> -> memref<128x64xf32, #tpu.memory_space<hbm>>
      tpu.enqueue_dma source(%arg12 : memref<128x64xf32, #tpu.memory_space<vmem>>) target(%dma_start3A_1073 : memref<128x64xf32, #tpu.memory_space<hbm>>) target_semaphore(%run_scoped3A : memref<!tpu.dma_semaphore, #tpu.memory_space<semaphore_mem>>)
      %dma_wait3A_1074 = arith.constant 0 : i32
      %dma_wait3A_1075 = tpu.memref_slice %arg6[%add3A_533, %dma_wait3A_1074] : memref<16384x64xf32, #tpu.memory_space<hbm>> -> memref<128x64xf32, #tpu.memory_space<hbm>>
      %dma_wait3A_1076 = arith.constant 0 : i32
      %dma_wait3A_1077 = tpu.memref_slice %arg6[%add3A_533, %dma_wait3A_1076] : memref<16384x64xf32, #tpu.memory_space<hbm>> -> memref<128x64xf32, #tpu.memory_space<hbm>>
      tpu.wait_dma2 semaphore(%run_scoped3A : memref<!tpu.dma_semaphore, #tpu.memory_space<semaphore_mem>>) src(%arg12 : memref<128x64xf32, #tpu.memory_space<vmem>>) dst(%dma_wait3A_1077 : memref<128x64xf32, #tpu.memory_space<hbm>>)
      tpu.yield
    }) : () -> ()
    %dma_start3A_534 = arith.constant 256 : i32
    %dma_start3A_535 = tpu.memref_slice %arg7[%dma_start3A_534] : memref<512xi32, #tpu.memory_space<vmem>> -> memref<128xi32, #tpu.memory_space<vmem>>
    %dma_start3A_536 = arith.constant 0 : i32
    %dma_start3A_537 = arith.constant 0 : i32
    %dma_start3A_538 = tpu.memref_slice %arg4[%dma_start3A_536, %dma_start3A_537] : memref<1000000x64xf32, #tpu.memory_space<hbm>> -> memref<1000000x64xf32, #tpu.memory_space<hbm>>
    tpu.enqueue_indirect_dma source(%dma_start3A_538 : memref<1000000x64xf32, #tpu.memory_space<hbm>>) target(%arg10 : memref<128x64xf32, #tpu.memory_space<vmem>>) offsets(%dma_start3A_535 : memref<128xi32, #tpu.memory_space<vmem>>) semaphore(%arg13 : memref<!tpu.dma_semaphore, #tpu.memory_space<semaphore_mem>>)
    %get3A_539 = arith.constant 256 : index
    %get3A_540 = tpu.vector_load %arg7[%get3A_539] {strides = array<i32>} : memref<512xi32, #tpu.memory_space<vmem>>, vector<16xi32>,
    %mul3A_541 = arith.constant 5 : i32
    %mul3A_542 = vector.broadcast %mul3A_541 : i32 to vector<16xi32>
    %mul3A_543 = arith.muli %get3A_540, %mul3A_542 : vector<16xi32>
    %add3A_544 = arith.constant 0 : i32
    %add3A_545 = vector.broadcast %add3A_544 : i32 to vector<16xi32>
    %add3A_546 = arith.addi %mul3A_543, %add3A_545 : vector<16xi32>
    %swap3A_547 = arith.constant 0 : index
    %swap3A_548 = tpu.vector_load %arg8[%swap3A_547] {strides = array<i32>} : memref<640xi32, #tpu.memory_space<vmem>>, vector<16xi32>,
    tpu.vector_store %arg8[%swap3A_547], %add3A_546 {strides = array<i32>} : memref<640xi32, #tpu.memory_space<vmem>>, vector<16xi32>,
    %add3A_549 = arith.constant 1 : i32
    %add3A_550 = vector.broadcast %add3A_549 : i32 to vector<16xi32>
    %add3A_551 = arith.addi %mul3A_543, %add3A_550 : vector<16xi32>
    %swap3A_552 = arith.constant 128 : index
    %swap3A_553 = tpu.vector_load %arg8[%swap3A_552] {strides = array<i32>} : memref<640xi32, #tpu.memory_space<vmem>>, vector<16xi32>,
    tpu.vector_store %arg8[%swap3A_552], %add3A_551 {strides = array<i32>} : memref<640xi32, #tpu.memory_space<vmem>>, vector<16xi32>,
    %add3A_554 = arith.constant 2 : i32
    %add3A_555 = vector.broadcast %add3A_554 : i32 to vector<16xi32>
    %add3A_556 = arith.addi %mul3A_543, %add3A_555 : vector<16xi32>
    %swap3A_557 = arith.constant 256 : index
    %swap3A_558 = tpu.vector_load %arg8[%swap3A_557] {strides = array<i32>} : memref<640xi32, #tpu.memory_space<vmem>>, vector<16xi32>,
    tpu.vector_store %arg8[%swap3A_557], %add3A_556 {strides = array<i32>} : memref<640xi32, #tpu.memory_space<vmem>>, vector<16xi32>,
    %add3A_559 = arith.constant 3 : i32
    %add3A_560 = vector.broadcast %add3A_559 : i32 to vector<16xi32>
    %add3A_561 = arith.addi %mul3A_543, %add3A_560 : vector<16xi32>
    %swap3A_562 = arith.constant 384 : index
    %swap3A_563 = tpu.vector_load %arg8[%swap3A_562] {strides = array<i32>} : memref<640xi32, #tpu.memory_space<vmem>>, vector<16xi32>,
    tpu.vector_store %arg8[%swap3A_562], %add3A_561 {strides = array<i32>} : memref<640xi32, #tpu.memory_space<vmem>>, vector<16xi32>,
    %add3A_564 = arith.constant 4 : i32
    %add3A_565 = vector.broadcast %add3A_564 : i32 to vector<16xi32>
    %add3A_566 = arith.addi %mul3A_543, %add3A_565 : vector<16xi32>
    %swap3A_567 = arith.constant 512 : index
    %swap3A_568 = tpu.vector_load %arg8[%swap3A_567] {strides = array<i32>} : memref<640xi32, #tpu.memory_space<vmem>>, vector<16xi32>,
    tpu.vector_store %arg8[%swap3A_567], %add3A_566 {strides = array<i32>} : memref<640xi32, #tpu.memory_space<vmem>>, vector<16xi32>,
    %get3A_569 = arith.constant 272 : index
    %get3A_570 = tpu.vector_load %arg7[%get3A_569] {strides = array<i32>} : memref<512xi32, #tpu.memory_space<vmem>>, vector<16xi32>,
    %mul3A_571 = arith.constant 5 : i32
    %mul3A_572 = vector.broadcast %mul3A_571 : i32 to vector<16xi32>
    %mul3A_573 = arith.muli %get3A_570, %mul3A_572 : vector<16xi32>
    %add3A_574 = arith.constant 0 : i32
    %add3A_575 = vector.broadcast %add3A_574 : i32 to vector<16xi32>
    %add3A_576 = arith.addi %mul3A_573, %add3A_575 : vector<16xi32>
    %swap3A_577 = arith.constant 16 : index
    %swap3A_578 = tpu.vector_load %arg8[%swap3A_577] {strides = array<i32>} : memref<640xi32, #tpu.memory_space<vmem>>, vector<16xi32>,
    tpu.vector_store %arg8[%swap3A_577], %add3A_576 {strides = array<i32>} : memref<640xi32, #tpu.memory_space<vmem>>, vector<16xi32>,
    %add3A_579 = arith.constant 1 : i32
    %add3A_580 = vector.broadcast %add3A_579 : i32 to vector<16xi32>
    %add3A_581 = arith.addi %mul3A_573, %add3A_580 : vector<16xi32>
    %swap3A_582 = arith.constant 144 : index
    %swap3A_583 = tpu.vector_load %arg8[%swap3A_582] {strides = array<i32>} : memref<640xi32, #tpu.memory_space<vmem>>, vector<16xi32>,
    tpu.vector_store %arg8[%swap3A_582], %add3A_581 {strides = array<i32>} : memref<640xi32, #tpu.memory_space<vmem>>, vector<16xi32>,
    %add3A_584 = arith.constant 2 : i32
    %add3A_585 = vector.broadcast %add3A_584 : i32 to vector<16xi32>
    %add3A_586 = arith.addi %mul3A_573, %add3A_585 : vector<16xi32>
    %swap3A_587 = arith.constant 272 : index
    %swap3A_588 = tpu.vector_load %arg8[%swap3A_587] {strides = array<i32>} : memref<640xi32, #tpu.memory_space<vmem>>, vector<16xi32>,
    tpu.vector_store %arg8[%swap3A_587], %add3A_586 {strides = array<i32>} : memref<640xi32, #tpu.memory_space<vmem>>, vector<16xi32>,
    %add3A_589 = arith.constant 3 : i32
    %add3A_590 = vector.broadcast %add3A_589 : i32 to vector<16xi32>
    %add3A_591 = arith.addi %mul3A_573, %add3A_590 : vector<16xi32>
    %swap3A_592 = arith.constant 400 : index
    %swap3A_593 = tpu.vector_load %arg8[%swap3A_592] {strides = array<i32>} : memref<640xi32, #tpu.memory_space<vmem>>, vector<16xi32>,
    tpu.vector_store %arg8[%swap3A_592], %add3A_591 {strides = array<i32>} : memref<640xi32, #tpu.memory_space<vmem>>, vector<16xi32>,
    %add3A_594 = arith.constant 4 : i32
    %add3A_595 = vector.broadcast %add3A_594 : i32 to vector<16xi32>
    %add3A_596 = arith.addi %mul3A_573, %add3A_595 : vector<16xi32>
    %swap3A_597 = arith.constant 528 : index
    %swap3A_598 = tpu.vector_load %arg8[%swap3A_597] {strides = array<i32>} : memref<640xi32, #tpu.memory_space<vmem>>, vector<16xi32>,
    tpu.vector_store %arg8[%swap3A_597], %add3A_596 {strides = array<i32>} : memref<640xi32, #tpu.memory_space<vmem>>, vector<16xi32>,
    %get3A_599 = arith.constant 288 : index
    %get3A_600 = tpu.vector_load %arg7[%get3A_599] {strides = array<i32>} : memref<512xi32, #tpu.memory_space<vmem>>, vector<16xi32>,
    %mul3A_601 = arith.constant 5 : i32
    %mul3A_602 = vector.broadcast %mul3A_601 : i32 to vector<16xi32>
    %mul3A_603 = arith.muli %get3A_600, %mul3A_602 : vector<16xi32>
    %add3A_604 = arith.constant 0 : i32
    %add3A_605 = vector.broadcast %add3A_604 : i32 to vector<16xi32>
    %add3A_606 = arith.addi %mul3A_603, %add3A_605 : vector<16xi32>
    %swap3A_607 = arith.constant 32 : index
    %swap3A_608 = tpu.vector_load %arg8[%swap3A_607] {strides = array<i32>} : memref<640xi32, #tpu.memory_space<vmem>>, vector<16xi32>,
    tpu.vector_store %arg8[%swap3A_607], %add3A_606 {strides = array<i32>} : memref<640xi32, #tpu.memory_space<vmem>>, vector<16xi32>,
    %add3A_609 = arith.constant 1 : i32
    %add3A_610 = vector.broadcast %add3A_609 : i32 to vector<16xi32>
    %add3A_611 = arith.addi %mul3A_603, %add3A_610 : vector<16xi32>
    %swap3A_612 = arith.constant 160 : index
    %swap3A_613 = tpu.vector_load %arg8[%swap3A_612] {strides = array<i32>} : memref<640xi32, #tpu.memory_space<vmem>>, vector<16xi32>,
    tpu.vector_store %arg8[%swap3A_612], %add3A_611 {strides = array<i32>} : memref<640xi32, #tpu.memory_space<vmem>>, vector<16xi32>,
    %add3A_614 = arith.constant 2 : i32
    %add3A_615 = vector.broadcast %add3A_614 : i32 to vector<16xi32>
    %add3A_616 = arith.addi %mul3A_603, %add3A_615 : vector<16xi32>
    %swap3A_617 = arith.constant 288 : index
    %swap3A_618 = tpu.vector_load %arg8[%swap3A_617] {strides = array<i32>} : memref<640xi32, #tpu.memory_space<vmem>>, vector<16xi32>,
    tpu.vector_store %arg8[%swap3A_617], %add3A_616 {strides = array<i32>} : memref<640xi32, #tpu.memory_space<vmem>>, vector<16xi32>,
    %add3A_619 = arith.constant 3 : i32
    %add3A_620 = vector.broadcast %add3A_619 : i32 to vector<16xi32>
    %add3A_621 = arith.addi %mul3A_603, %add3A_620 : vector<16xi32>
    %swap3A_622 = arith.constant 416 : index
    %swap3A_623 = tpu.vector_load %arg8[%swap3A_622] {strides = array<i32>} : memref<640xi32, #tpu.memory_space<vmem>>, vector<16xi32>,
    tpu.vector_store %arg8[%swap3A_622], %add3A_621 {strides = array<i32>} : memref<640xi32, #tpu.memory_space<vmem>>, vector<16xi32>,
    %add3A_624 = arith.constant 4 : i32
    %add3A_625 = vector.broadcast %add3A_624 : i32 to vector<16xi32>
    %add3A_626 = arith.addi %mul3A_603, %add3A_625 : vector<16xi32>
    %swap3A_627 = arith.constant 544 : index
    %swap3A_628 = tpu.vector_load %arg8[%swap3A_627] {strides = array<i32>} : memref<640xi32, #tpu.memory_space<vmem>>, vector<16xi32>,
    tpu.vector_store %arg8[%swap3A_627], %add3A_626 {strides = array<i32>} : memref<640xi32, #tpu.memory_space<vmem>>, vector<16xi32>,
    %get3A_629 = arith.constant 304 : index
    %get3A_630 = tpu.vector_load %arg7[%get3A_629] {strides = array<i32>} : memref<512xi32, #tpu.memory_space<vmem>>, vector<16xi32>,
    %mul3A_631 = arith.constant 5 : i32
    %mul3A_632 = vector.broadcast %mul3A_631 : i32 to vector<16xi32>
    %mul3A_633 = arith.muli %get3A_630, %mul3A_632 : vector<16xi32>
    %add3A_634 = arith.constant 0 : i32
    %add3A_635 = vector.broadcast %add3A_634 : i32 to vector<16xi32>
    %add3A_636 = arith.addi %mul3A_633, %add3A_635 : vector<16xi32>
    %swap3A_637 = arith.constant 48 : index
    %swap3A_638 = tpu.vector_load %arg8[%swap3A_637] {strides = array<i32>} : memref<640xi32, #tpu.memory_space<vmem>>, vector<16xi32>,
    tpu.vector_store %arg8[%swap3A_637], %add3A_636 {strides = array<i32>} : memref<640xi32, #tpu.memory_space<vmem>>, vector<16xi32>,
    %add3A_639 = arith.constant 1 : i32
    %add3A_640 = vector.broadcast %add3A_639 : i32 to vector<16xi32>
    %add3A_641 = arith.addi %mul3A_633, %add3A_640 : vector<16xi32>
    %swap3A_642 = arith.constant 176 : index
    %swap3A_643 = tpu.vector_load %arg8[%swap3A_642] {strides = array<i32>} : memref<640xi32, #tpu.memory_space<vmem>>, vector<16xi32>,
    tpu.vector_store %arg8[%swap3A_642], %add3A_641 {strides = array<i32>} : memref<640xi32, #tpu.memory_space<vmem>>, vector<16xi32>,
    %add3A_644 = arith.constant 2 : i32
    %add3A_645 = vector.broadcast %add3A_644 : i32 to vector<16xi32>
    %add3A_646 = arith.addi %mul3A_633, %add3A_645 : vector<16xi32>
    %swap3A_647 = arith.constant 304 : index
    %swap3A_648 = tpu.vector_load %arg8[%swap3A_647] {strides = array<i32>} : memref<640xi32, #tpu.memory_space<vmem>>, vector<16xi32>,
    tpu.vector_store %arg8[%swap3A_647], %add3A_646 {strides = array<i32>} : memref<640xi32, #tpu.memory_space<vmem>>, vector<16xi32>,
    %add3A_649 = arith.constant 3 : i32
    %add3A_650 = vector.broadcast %add3A_649 : i32 to vector<16xi32>
    %add3A_651 = arith.addi %mul3A_633, %add3A_650 : vector<16xi32>
    %swap3A_652 = arith.constant 432 : index
    %swap3A_653 = tpu.vector_load %arg8[%swap3A_652] {strides = array<i32>} : memref<640xi32, #tpu.memory_space<vmem>>, vector<16xi32>,
    tpu.vector_store %arg8[%swap3A_652], %add3A_651 {strides = array<i32>} : memref<640xi32, #tpu.memory_space<vmem>>, vector<16xi32>,
    %add3A_654 = arith.constant 4 : i32
    %add3A_655 = vector.broadcast %add3A_654 : i32 to vector<16xi32>
    %add3A_656 = arith.addi %mul3A_633, %add3A_655 : vector<16xi32>
    %swap3A_657 = arith.constant 560 : index
    %swap3A_658 = tpu.vector_load %arg8[%swap3A_657] {strides = array<i32>} : memref<640xi32, #tpu.memory_space<vmem>>, vector<16xi32>,
    tpu.vector_store %arg8[%swap3A_657], %add3A_656 {strides = array<i32>} : memref<640xi32, #tpu.memory_space<vmem>>, vector<16xi32>,
    %get3A_659 = arith.constant 320 : index
    %get3A_660 = tpu.vector_load %arg7[%get3A_659] {strides = array<i32>} : memref<512xi32, #tpu.memory_space<vmem>>, vector<16xi32>,
    %mul3A_661 = arith.constant 5 : i32
    %mul3A_662 = vector.broadcast %mul3A_661 : i32 to vector<16xi32>
    %mul3A_663 = arith.muli %get3A_660, %mul3A_662 : vector<16xi32>
    %add3A_664 = arith.constant 0 : i32
    %add3A_665 = vector.broadcast %add3A_664 : i32 to vector<16xi32>
    %add3A_666 = arith.addi %mul3A_663, %add3A_665 : vector<16xi32>
    %swap3A_667 = arith.constant 64 : index
    %swap3A_668 = tpu.vector_load %arg8[%swap3A_667] {strides = array<i32>} : memref<640xi32, #tpu.memory_space<vmem>>, vector<16xi32>,
    tpu.vector_store %arg8[%swap3A_667], %add3A_666 {strides = array<i32>} : memref<640xi32, #tpu.memory_space<vmem>>, vector<16xi32>,
    %add3A_669 = arith.constant 1 : i32
    %add3A_670 = vector.broadcast %add3A_669 : i32 to vector<16xi32>
    %add3A_671 = arith.addi %mul3A_663, %add3A_670 : vector<16xi32>
    %swap3A_672 = arith.constant 192 : index
    %swap3A_673 = tpu.vector_load %arg8[%swap3A_672] {strides = array<i32>} : memref<640xi32, #tpu.memory_space<vmem>>, vector<16xi32>,
    tpu.vector_store %arg8[%swap3A_672], %add3A_671 {strides = array<i32>} : memref<640xi32, #tpu.memory_space<vmem>>, vector<16xi32>,
    %add3A_674 = arith.constant 2 : i32
    %add3A_675 = vector.broadcast %add3A_674 : i32 to vector<16xi32>
    %add3A_676 = arith.addi %mul3A_663, %add3A_675 : vector<16xi32>
    %swap3A_677 = arith.constant 320 : index
    %swap3A_678 = tpu.vector_load %arg8[%swap3A_677] {strides = array<i32>} : memref<640xi32, #tpu.memory_space<vmem>>, vector<16xi32>,
    tpu.vector_store %arg8[%swap3A_677], %add3A_676 {strides = array<i32>} : memref<640xi32, #tpu.memory_space<vmem>>, vector<16xi32>,
    %add3A_679 = arith.constant 3 : i32
    %add3A_680 = vector.broadcast %add3A_679 : i32 to vector<16xi32>
    %add3A_681 = arith.addi %mul3A_663, %add3A_680 : vector<16xi32>
    %swap3A_682 = arith.constant 448 : index
    %swap3A_683 = tpu.vector_load %arg8[%swap3A_682] {strides = array<i32>} : memref<640xi32, #tpu.memory_space<vmem>>, vector<16xi32>,
    tpu.vector_store %arg8[%swap3A_682], %add3A_681 {strides = array<i32>} : memref<640xi32, #tpu.memory_space<vmem>>, vector<16xi32>,
    %add3A_684 = arith.constant 4 : i32
    %add3A_685 = vector.broadcast %add3A_684 : i32 to vector<16xi32>
    %add3A_686 = arith.addi %mul3A_663, %add3A_685 : vector<16xi32>
    %swap3A_687 = arith.constant 576 : index
    %swap3A_688 = tpu.vector_load %arg8[%swap3A_687] {strides = array<i32>} : memref<640xi32, #tpu.memory_space<vmem>>, vector<16xi32>,
    tpu.vector_store %arg8[%swap3A_687], %add3A_686 {strides = array<i32>} : memref<640xi32, #tpu.memory_space<vmem>>, vector<16xi32>,
    %get3A_689 = arith.constant 336 : index
    %get3A_690 = tpu.vector_load %arg7[%get3A_689] {strides = array<i32>} : memref<512xi32, #tpu.memory_space<vmem>>, vector<16xi32>,
    %mul3A_691 = arith.constant 5 : i32
    %mul3A_692 = vector.broadcast %mul3A_691 : i32 to vector<16xi32>
    %mul3A_693 = arith.muli %get3A_690, %mul3A_692 : vector<16xi32>
    %add3A_694 = arith.constant 0 : i32
    %add3A_695 = vector.broadcast %add3A_694 : i32 to vector<16xi32>
    %add3A_696 = arith.addi %mul3A_693, %add3A_695 : vector<16xi32>
    %swap3A_697 = arith.constant 80 : index
    %swap3A_698 = tpu.vector_load %arg8[%swap3A_697] {strides = array<i32>} : memref<640xi32, #tpu.memory_space<vmem>>, vector<16xi32>,
    tpu.vector_store %arg8[%swap3A_697], %add3A_696 {strides = array<i32>} : memref<640xi32, #tpu.memory_space<vmem>>, vector<16xi32>,
    %add3A_699 = arith.constant 1 : i32
    %add3A_700 = vector.broadcast %add3A_699 : i32 to vector<16xi32>
    %add3A_701 = arith.addi %mul3A_693, %add3A_700 : vector<16xi32>
    %swap3A_702 = arith.constant 208 : index
    %swap3A_703 = tpu.vector_load %arg8[%swap3A_702] {strides = array<i32>} : memref<640xi32, #tpu.memory_space<vmem>>, vector<16xi32>,
    tpu.vector_store %arg8[%swap3A_702], %add3A_701 {strides = array<i32>} : memref<640xi32, #tpu.memory_space<vmem>>, vector<16xi32>,
    %add3A_704 = arith.constant 2 : i32
    %add3A_705 = vector.broadcast %add3A_704 : i32 to vector<16xi32>
    %add3A_706 = arith.addi %mul3A_693, %add3A_705 : vector<16xi32>
    %swap3A_707 = arith.constant 336 : index
    %swap3A_708 = tpu.vector_load %arg8[%swap3A_707] {strides = array<i32>} : memref<640xi32, #tpu.memory_space<vmem>>, vector<16xi32>,
    tpu.vector_store %arg8[%swap3A_707], %add3A_706 {strides = array<i32>} : memref<640xi32, #tpu.memory_space<vmem>>, vector<16xi32>,
    %add3A_709 = arith.constant 3 : i32
    %add3A_710 = vector.broadcast %add3A_709 : i32 to vector<16xi32>
    %add3A_711 = arith.addi %mul3A_693, %add3A_710 : vector<16xi32>
    %swap3A_712 = arith.constant 464 : index
    %swap3A_713 = tpu.vector_load %arg8[%swap3A_712] {strides = array<i32>} : memref<640xi32, #tpu.memory_space<vmem>>, vector<16xi32>,
    tpu.vector_store %arg8[%swap3A_712], %add3A_711 {strides = array<i32>} : memref<640xi32, #tpu.memory_space<vmem>>, vector<16xi32>,
    %add3A_714 = arith.constant 4 : i32
    %add3A_715 = vector.broadcast %add3A_714 : i32 to vector<16xi32>
    %add3A_716 = arith.addi %mul3A_693, %add3A_715 : vector<16xi32>
    %swap3A_717 = arith.constant 592 : index
    %swap3A_718 = tpu.vector_load %arg8[%swap3A_717] {strides = array<i32>} : memref<640xi32, #tpu.memory_space<vmem>>, vector<16xi32>,
    tpu.vector_store %arg8[%swap3A_717], %add3A_716 {strides = array<i32>} : memref<640xi32, #tpu.memory_space<vmem>>, vector<16xi32>,
    %get3A_719 = arith.constant 352 : index
    %get3A_720 = tpu.vector_load %arg7[%get3A_719] {strides = array<i32>} : memref<512xi32, #tpu.memory_space<vmem>>, vector<16xi32>,
    %mul3A_721 = arith.constant 5 : i32
    %mul3A_722 = vector.broadcast %mul3A_721 : i32 to vector<16xi32>
    %mul3A_723 = arith.muli %get3A_720, %mul3A_722 : vector<16xi32>
    %add3A_724 = arith.constant 0 : i32
    %add3A_725 = vector.broadcast %add3A_724 : i32 to vector<16xi32>
    %add3A_726 = arith.addi %mul3A_723, %add3A_725 : vector<16xi32>
    %swap3A_727 = arith.constant 96 : index
    %swap3A_728 = tpu.vector_load %arg8[%swap3A_727] {strides = array<i32>} : memref<640xi32, #tpu.memory_space<vmem>>, vector<16xi32>,
    tpu.vector_store %arg8[%swap3A_727], %add3A_726 {strides = array<i32>} : memref<640xi32, #tpu.memory_space<vmem>>, vector<16xi32>,
    %add3A_729 = arith.constant 1 : i32
    %add3A_730 = vector.broadcast %add3A_729 : i32 to vector<16xi32>
    %add3A_731 = arith.addi %mul3A_723, %add3A_730 : vector<16xi32>
    %swap3A_732 = arith.constant 224 : index
    %swap3A_733 = tpu.vector_load %arg8[%swap3A_732] {strides = array<i32>} : memref<640xi32, #tpu.memory_space<vmem>>, vector<16xi32>,
    tpu.vector_store %arg8[%swap3A_732], %add3A_731 {strides = array<i32>} : memref<640xi32, #tpu.memory_space<vmem>>, vector<16xi32>,
    %add3A_734 = arith.constant 2 : i32
    %add3A_735 = vector.broadcast %add3A_734 : i32 to vector<16xi32>
    %add3A_736 = arith.addi %mul3A_723, %add3A_735 : vector<16xi32>
    %swap3A_737 = arith.constant 352 : index
    %swap3A_738 = tpu.vector_load %arg8[%swap3A_737] {strides = array<i32>} : memref<640xi32, #tpu.memory_space<vmem>>, vector<16xi32>,
    tpu.vector_store %arg8[%swap3A_737], %add3A_736 {strides = array<i32>} : memref<640xi32, #tpu.memory_space<vmem>>, vector<16xi32>,
    %add3A_739 = arith.constant 3 : i32
    %add3A_740 = vector.broadcast %add3A_739 : i32 to vector<16xi32>
    %add3A_741 = arith.addi %mul3A_723, %add3A_740 : vector<16xi32>
    %swap3A_742 = arith.constant 480 : index
    %swap3A_743 = tpu.vector_load %arg8[%swap3A_742] {strides = array<i32>} : memref<640xi32, #tpu.memory_space<vmem>>, vector<16xi32>,
    tpu.vector_store %arg8[%swap3A_742], %add3A_741 {strides = array<i32>} : memref<640xi32, #tpu.memory_space<vmem>>, vector<16xi32>,
    %add3A_744 = arith.constant 4 : i32
    %add3A_745 = vector.broadcast %add3A_744 : i32 to vector<16xi32>
    %add3A_746 = arith.addi %mul3A_723, %add3A_745 : vector<16xi32>
    %swap3A_747 = arith.constant 608 : index
    %swap3A_748 = tpu.vector_load %arg8[%swap3A_747] {strides = array<i32>} : memref<640xi32, #tpu.memory_space<vmem>>, vector<16xi32>,
    tpu.vector_store %arg8[%swap3A_747], %add3A_746 {strides = array<i32>} : memref<640xi32, #tpu.memory_space<vmem>>, vector<16xi32>,
    %get3A_749 = arith.constant 368 : index
    %get3A_750 = tpu.vector_load %arg7[%get3A_749] {strides = array<i32>} : memref<512xi32, #tpu.memory_space<vmem>>, vector<16xi32>,
    %mul3A_751 = arith.constant 5 : i32
    %mul3A_752 = vector.broadcast %mul3A_751 : i32 to vector<16xi32>
    %mul3A_753 = arith.muli %get3A_750, %mul3A_752 : vector<16xi32>
    %add3A_754 = arith.constant 0 : i32
    %add3A_755 = vector.broadcast %add3A_754 : i32 to vector<16xi32>
    %add3A_756 = arith.addi %mul3A_753, %add3A_755 : vector<16xi32>
    %swap3A_757 = arith.constant 112 : index
    %swap3A_758 = tpu.vector_load %arg8[%swap3A_757] {strides = array<i32>} : memref<640xi32, #tpu.memory_space<vmem>>, vector<16xi32>,
    tpu.vector_store %arg8[%swap3A_757], %add3A_756 {strides = array<i32>} : memref<640xi32, #tpu.memory_space<vmem>>, vector<16xi32>,
    %add3A_759 = arith.constant 1 : i32
    %add3A_760 = vector.broadcast %add3A_759 : i32 to vector<16xi32>
    %add3A_761 = arith.addi %mul3A_753, %add3A_760 : vector<16xi32>
    %swap3A_762 = arith.constant 240 : index
    %swap3A_763 = tpu.vector_load %arg8[%swap3A_762] {strides = array<i32>} : memref<640xi32, #tpu.memory_space<vmem>>, vector<16xi32>,
    tpu.vector_store %arg8[%swap3A_762], %add3A_761 {strides = array<i32>} : memref<640xi32, #tpu.memory_space<vmem>>, vector<16xi32>,
    %add3A_764 = arith.constant 2 : i32
    %add3A_765 = vector.broadcast %add3A_764 : i32 to vector<16xi32>
    %add3A_766 = arith.addi %mul3A_753, %add3A_765 : vector<16xi32>
    %swap3A_767 = arith.constant 368 : index
    %swap3A_768 = tpu.vector_load %arg8[%swap3A_767] {strides = array<i32>} : memref<640xi32, #tpu.memory_space<vmem>>, vector<16xi32>,
    tpu.vector_store %arg8[%swap3A_767], %add3A_766 {strides = array<i32>} : memref<640xi32, #tpu.memory_space<vmem>>, vector<16xi32>,
    %add3A_769 = arith.constant 3 : i32
    %add3A_770 = vector.broadcast %add3A_769 : i32 to vector<16xi32>
    %add3A_771 = arith.addi %mul3A_753, %add3A_770 : vector<16xi32>
    %swap3A_772 = arith.constant 496 : index
    %swap3A_773 = tpu.vector_load %arg8[%swap3A_772] {strides = array<i32>} : memref<640xi32, #tpu.memory_space<vmem>>, vector<16xi32>,
    tpu.vector_store %arg8[%swap3A_772], %add3A_771 {strides = array<i32>} : memref<640xi32, #tpu.memory_space<vmem>>, vector<16xi32>,
    %add3A_774 = arith.constant 4 : i32
    %add3A_775 = vector.broadcast %add3A_774 : i32 to vector<16xi32>
    %add3A_776 = arith.addi %mul3A_753, %add3A_775 : vector<16xi32>
    %swap3A_777 = arith.constant 624 : index
    %swap3A_778 = tpu.vector_load %arg8[%swap3A_777] {strides = array<i32>} : memref<640xi32, #tpu.memory_space<vmem>>, vector<16xi32>,
    tpu.vector_store %arg8[%swap3A_777], %add3A_776 {strides = array<i32>} : memref<640xi32, #tpu.memory_space<vmem>>, vector<16xi32>,
    %dma_start3A_779 = arith.constant 0 : i32
    %dma_start3A_780 = tpu.memref_slice %arg3[%dma_start3A_779] : memref<5000000xi32, #tpu.memory_space<hbm>> -> memref<5000000xi32, #tpu.memory_space<hbm>>
    tpu.enqueue_indirect_dma source(%dma_start3A_780 : memref<5000000xi32, #tpu.memory_space<hbm>>) target(%arg9 : memref<640xi32, #tpu.memory_space<vmem>>) offsets(%arg8 : memref<640xi32, #tpu.memory_space<vmem>>) semaphore(%arg14 : memref<!tpu.dma_semaphore, #tpu.memory_space<semaphore_mem>>)
    %dma_wait3A_781 = arith.constant 0 : i32
    %dma_wait3A_782 = tpu.memref_slice %arg3[%dma_wait3A_781] : memref<5000000xi32, #tpu.memory_space<hbm>> -> memref<5000000xi32, #tpu.memory_space<hbm>>
    tpu.wait_indirect_dma semaphore(%arg14 : memref<!tpu.dma_semaphore, #tpu.memory_space<semaphore_mem>>) src(%dma_wait3A_782 : memref<5000000xi32, #tpu.memory_space<hbm>>) dst(%arg9 : memref<640xi32, #tpu.memory_space<vmem>>)
    %dma_start3A_783 = arith.constant 0 : i32
    %dma_start3A_784 = arith.constant 0 : i32
    %dma_start3A_785 = tpu.memref_slice %arg5[%dma_start3A_783, %dma_start3A_784] : memref<2000x64xf32, #tpu.memory_space<hbm>> -> memref<2000x64xf32, #tpu.memory_space<hbm>>
    tpu.enqueue_indirect_dma source(%dma_start3A_785 : memref<2000x64xf32, #tpu.memory_space<hbm>>) target(%arg11 : memref<640x64xf32, #tpu.memory_space<vmem>>) offsets(%arg9 : memref<640xi32, #tpu.memory_space<vmem>>) semaphore(%arg14 : memref<!tpu.dma_semaphore, #tpu.memory_space<semaphore_mem>>)
    %dma_wait3A_786 = arith.constant 0 : i32
    %dma_wait3A_787 = arith.constant 0 : i32
    %dma_wait3A_788 = tpu.memref_slice %arg5[%dma_wait3A_786, %dma_wait3A_787] : memref<2000x64xf32, #tpu.memory_space<hbm>> -> memref<2000x64xf32, #tpu.memory_space<hbm>>
    tpu.wait_indirect_dma semaphore(%arg14 : memref<!tpu.dma_semaphore, #tpu.memory_space<semaphore_mem>>) src(%dma_wait3A_788 : memref<2000x64xf32, #tpu.memory_space<hbm>>) dst(%arg11 : memref<640x64xf32, #tpu.memory_space<vmem>>)
    %dma_wait3A_789 = arith.constant 256 : i32
    %dma_wait3A_790 = tpu.memref_slice %arg7[%dma_wait3A_789] : memref<512xi32, #tpu.memory_space<vmem>> -> memref<128xi32, #tpu.memory_space<vmem>>
    %dma_wait3A_791 = arith.constant 0 : i32
    %dma_wait3A_792 = arith.constant 0 : i32
    %dma_wait3A_793 = tpu.memref_slice %arg4[%dma_wait3A_791, %dma_wait3A_792] : memref<1000000x64xf32, #tpu.memory_space<hbm>> -> memref<1000000x64xf32, #tpu.memory_space<hbm>>
    tpu.wait_indirect_dma semaphore(%arg13 : memref<!tpu.dma_semaphore, #tpu.memory_space<semaphore_mem>>) src(%dma_wait3A_793 : memref<1000000x64xf32, #tpu.memory_space<hbm>>) dst(%arg10 : memref<128x64xf32, #tpu.memory_space<vmem>>)
    %scan3A_794 = arith.constant 0 : i32
    %scan3A_795 = arith.constant 0 : i32
    %scan3A_796 = arith.constant 128 : i32
    %scan3A_797 = arith.addi %scan3A_795, %scan3A_796 : i32
    %scan3A_798 = arith.constant 1 : i32
    scf.for %scan3A_1070 = %scan3A_795 to %scan3A_797 step %scan3A_798  : i32 {
      %get3A_1071 = arith.index_cast %scan3A_1070 : i32 to index
      %get3A_1072 = arith.constant 0 : index
      %get3A_1073 = tpu.vector_load %arg11[%get3A_1071, %get3A_1072] {strides = array<i32>} : memref<640x64xf32, #tpu.memory_space<vmem>>, vector<16xf32>,
      %add3A_1074 = arith.constant 128 : i32
      %add3A_1075 = arith.addi %add3A_1074, %scan3A_1070 : i32
      %get3A_1076 = arith.index_cast %add3A_1075 : i32 to index
      %get3A_1077 = arith.constant 0 : index
      %get3A_1078 = tpu.vector_load %arg11[%get3A_1076, %get3A_1077] {strides = array<i32>} : memref<640x64xf32, #tpu.memory_space<vmem>>, vector<16xf32>,
      %add3A_1079 = arith.addf %get3A_1073, %get3A_1078 : vector<16xf32>
      %add3A_1080 = arith.constant 256 : i32
      %add3A_1081 = arith.addi %add3A_1080, %scan3A_1070 : i32
      %get3A_1082 = arith.index_cast %add3A_1081 : i32 to index
      %get3A_1083 = arith.constant 0 : index
      %get3A_1084 = tpu.vector_load %arg11[%get3A_1082, %get3A_1083] {strides = array<i32>} : memref<640x64xf32, #tpu.memory_space<vmem>>, vector<16xf32>,
      %add3A_1085 = arith.addf %add3A_1079, %get3A_1084 : vector<16xf32>
      %add3A_1086 = arith.constant 384 : i32
      %add3A_1087 = arith.addi %add3A_1086, %scan3A_1070 : i32
      %get3A_1088 = arith.index_cast %add3A_1087 : i32 to index
      %get3A_1089 = arith.constant 0 : index
      %get3A_1090 = tpu.vector_load %arg11[%get3A_1088, %get3A_1089] {strides = array<i32>} : memref<640x64xf32, #tpu.memory_space<vmem>>, vector<16xf32>,
      %add3A_1091 = arith.addf %add3A_1085, %get3A_1090 : vector<16xf32>
      %add3A_1092 = arith.constant 512 : i32
      %add3A_1093 = arith.addi %add3A_1092, %scan3A_1070 : i32
      %get3A_1094 = arith.index_cast %add3A_1093 : i32 to index
      %get3A_1095 = arith.constant 0 : index
      %get3A_1096 = tpu.vector_load %arg11[%get3A_1094, %get3A_1095] {strides = array<i32>} : memref<640x64xf32, #tpu.memory_space<vmem>>, vector<16xf32>,
      %add3A_1097 = arith.addf %add3A_1091, %get3A_1096 : vector<16xf32>
      %mul3A_1098 = arith.mulf %add3A_1097, %add3A_1097 : vector<16xf32>
      %get3A_1099 = arith.index_cast %scan3A_1070 : i32 to index
      %get3A_1100 = arith.constant 16 : index
      %get3A_1101 = tpu.vector_load %arg11[%get3A_1099, %get3A_1100] {strides = array<i32>} : memref<640x64xf32, #tpu.memory_space<vmem>>, vector<16xf32>,
      %add3A_1102 = arith.constant 128 : i32
      %add3A_1103 = arith.addi %add3A_1102, %scan3A_1070 : i32
      %get3A_1104 = arith.index_cast %add3A_1103 : i32 to index
      %get3A_1105 = arith.constant 16 : index
      %get3A_1106 = tpu.vector_load %arg11[%get3A_1104, %get3A_1105] {strides = array<i32>} : memref<640x64xf32, #tpu.memory_space<vmem>>, vector<16xf32>,
      %add3A_1107 = arith.addf %get3A_1101, %get3A_1106 : vector<16xf32>
      %add3A_1108 = arith.constant 256 : i32
      %add3A_1109 = arith.addi %add3A_1108, %scan3A_1070 : i32
      %get3A_1110 = arith.index_cast %add3A_1109 : i32 to index
      %get3A_1111 = arith.constant 16 : index
      %get3A_1112 = tpu.vector_load %arg11[%get3A_1110, %get3A_1111] {strides = array<i32>} : memref<640x64xf32, #tpu.memory_space<vmem>>, vector<16xf32>,
      %add3A_1113 = arith.addf %add3A_1107, %get3A_1112 : vector<16xf32>
      %add3A_1114 = arith.constant 384 : i32
      %add3A_1115 = arith.addi %add3A_1114, %scan3A_1070 : i32
      %get3A_1116 = arith.index_cast %add3A_1115 : i32 to index
      %get3A_1117 = arith.constant 16 : index
      %get3A_1118 = tpu.vector_load %arg11[%get3A_1116, %get3A_1117] {strides = array<i32>} : memref<640x64xf32, #tpu.memory_space<vmem>>, vector<16xf32>,
      %add3A_1119 = arith.addf %add3A_1113, %get3A_1118 : vector<16xf32>
      %add3A_1120 = arith.constant 512 : i32
      %add3A_1121 = arith.addi %add3A_1120, %scan3A_1070 : i32
      %get3A_1122 = arith.index_cast %add3A_1121 : i32 to index
      %get3A_1123 = arith.constant 16 : index
      %get3A_1124 = tpu.vector_load %arg11[%get3A_1122, %get3A_1123] {strides = array<i32>} : memref<640x64xf32, #tpu.memory_space<vmem>>, vector<16xf32>,
      %add3A_1125 = arith.addf %add3A_1119, %get3A_1124 : vector<16xf32>
      %mul3A_1126 = arith.mulf %add3A_1125, %add3A_1125 : vector<16xf32>
      %add3A_1127 = arith.addf %mul3A_1098, %mul3A_1126 : vector<16xf32>
      %get3A_1128 = arith.index_cast %scan3A_1070 : i32 to index
      %get3A_1129 = arith.constant 32 : index
      %get3A_1130 = tpu.vector_load %arg11[%get3A_1128, %get3A_1129] {strides = array<i32>} : memref<640x64xf32, #tpu.memory_space<vmem>>, vector<16xf32>,
      %add3A_1131 = arith.constant 128 : i32
      %add3A_1132 = arith.addi %add3A_1131, %scan3A_1070 : i32
      %get3A_1133 = arith.index_cast %add3A_1132 : i32 to index
      %get3A_1134 = arith.constant 32 : index
      %get3A_1135 = tpu.vector_load %arg11[%get3A_1133, %get3A_1134] {strides = array<i32>} : memref<640x64xf32, #tpu.memory_space<vmem>>, vector<16xf32>,
      %add3A_1136 = arith.addf %get3A_1130, %get3A_1135 : vector<16xf32>
      %add3A_1137 = arith.constant 256 : i32
      %add3A_1138 = arith.addi %add3A_1137, %scan3A_1070 : i32
      %get3A_1139 = arith.index_cast %add3A_1138 : i32 to index
      %get3A_1140 = arith.constant 32 : index
      %get3A_1141 = tpu.vector_load %arg11[%get3A_1139, %get3A_1140] {strides = array<i32>} : memref<640x64xf32, #tpu.memory_space<vmem>>, vector<16xf32>,
      %add3A_1142 = arith.addf %add3A_1136, %get3A_1141 : vector<16xf32>
      %add3A_1143 = arith.constant 384 : i32
      %add3A_1144 = arith.addi %add3A_1143, %scan3A_1070 : i32
      %get3A_1145 = arith.index_cast %add3A_1144 : i32 to index
      %get3A_1146 = arith.constant 32 : index
      %get3A_1147 = tpu.vector_load %arg11[%get3A_1145, %get3A_1146] {strides = array<i32>} : memref<640x64xf32, #tpu.memory_space<vmem>>, vector<16xf32>,
      %add3A_1148 = arith.addf %add3A_1142, %get3A_1147 : vector<16xf32>
      %add3A_1149 = arith.constant 512 : i32
      %add3A_1150 = arith.addi %add3A_1149, %scan3A_1070 : i32
      %get3A_1151 = arith.index_cast %add3A_1150 : i32 to index
      %get3A_1152 = arith.constant 32 : index
      %get3A_1153 = tpu.vector_load %arg11[%get3A_1151, %get3A_1152] {strides = array<i32>} : memref<640x64xf32, #tpu.memory_space<vmem>>, vector<16xf32>,
      %add3A_1154 = arith.addf %add3A_1148, %get3A_1153 : vector<16xf32>
      %mul3A_1155 = arith.mulf %add3A_1154, %add3A_1154 : vector<16xf32>
      %add3A_1156 = arith.addf %add3A_1127, %mul3A_1155 : vector<16xf32>
      %get3A_1157 = arith.index_cast %scan3A_1070 : i32 to index
      %get3A_1158 = arith.constant 48 : index
      %get3A_1159 = tpu.vector_load %arg11[%get3A_1157, %get3A_1158] {strides = array<i32>} : memref<640x64xf32, #tpu.memory_space<vmem>>, vector<16xf32>,
      %add3A_1160 = arith.constant 128 : i32
      %add3A_1161 = arith.addi %add3A_1160, %scan3A_1070 : i32
      %get3A_1162 = arith.index_cast %add3A_1161 : i32 to index
      %get3A_1163 = arith.constant 48 : index
      %get3A_1164 = tpu.vector_load %arg11[%get3A_1162, %get3A_1163] {strides = array<i32>} : memref<640x64xf32, #tpu.memory_space<vmem>>, vector<16xf32>,
      %add3A_1165 = arith.addf %get3A_1159, %get3A_1164 : vector<16xf32>
      %add3A_1166 = arith.constant 256 : i32
      %add3A_1167 = arith.addi %add3A_1166, %scan3A_1070 : i32
      %get3A_1168 = arith.index_cast %add3A_1167 : i32 to index
      %get3A_1169 = arith.constant 48 : index
      %get3A_1170 = tpu.vector_load %arg11[%get3A_1168, %get3A_1169] {strides = array<i32>} : memref<640x64xf32, #tpu.memory_space<vmem>>, vector<16xf32>,
      %add3A_1171 = arith.addf %add3A_1165, %get3A_1170 : vector<16xf32>
      %add3A_1172 = arith.constant 384 : i32
      %add3A_1173 = arith.addi %add3A_1172, %scan3A_1070 : i32
      %get3A_1174 = arith.index_cast %add3A_1173 : i32 to index
      %get3A_1175 = arith.constant 48 : index
      %get3A_1176 = tpu.vector_load %arg11[%get3A_1174, %get3A_1175] {strides = array<i32>} : memref<640x64xf32, #tpu.memory_space<vmem>>, vector<16xf32>,
      %add3A_1177 = arith.addf %add3A_1171, %get3A_1176 : vector<16xf32>
      %add3A_1178 = arith.constant 512 : i32
      %add3A_1179 = arith.addi %add3A_1178, %scan3A_1070 : i32
      %get3A_1180 = arith.index_cast %add3A_1179 : i32 to index
      %get3A_1181 = arith.constant 48 : index
      %get3A_1182 = tpu.vector_load %arg11[%get3A_1180, %get3A_1181] {strides = array<i32>} : memref<640x64xf32, #tpu.memory_space<vmem>>, vector<16xf32>,
      %add3A_1183 = arith.addf %add3A_1177, %get3A_1182 : vector<16xf32>
      %mul3A_1184 = arith.mulf %add3A_1183, %add3A_1183 : vector<16xf32>
      %add3A_1185 = arith.addf %add3A_1156, %mul3A_1184 : vector<16xf32>
      %reduce_sum3A = arith.constant true
      %reduce_sum3A_1186 = vector.broadcast %reduce_sum3A : i1 to vector<16xi1>
      %reduce_sum3A_1187 = tpu.scan <sum>, %add3A_1185 masked %reduce_sum3A_1186 : vector<16xf32>, vector<16xi1> -> vector<16xf32>
      %reduce_sum3A_1188 = vector.extract %reduce_sum3A_1187[15] : f32 from vector<16xf32>
      %max3A = arith.constant 1.000000e-24 : f32
      %max3A_1189 = arith.maximumf %reduce_sum3A_1188, %max3A : f32
      %bitcast_convert_type3A = arith.bitcast %max3A_1189 : f32 to i32
      %shift_right_arithmetic3A = arith.constant 1 : i32
      %shift_right_arithmetic3A_1190 = arith.shrsi %bitcast_convert_type3A, %shift_right_arithmetic3A : i32
      %sub3A = arith.constant 1597463007 : i32
      %sub3A_1191 = arith.subi %sub3A, %shift_right_arithmetic3A_1190 : i32
      %bitcast_convert_type3A_1192 = arith.bitcast %sub3A_1191 : i32 to f32
      %mul3A_1193 = arith.constant 5.000000e-01 : f32
      %mul3A_1194 = arith.mulf %mul3A_1193, %max3A_1189 : f32
      %mul3A_1195 = arith.mulf %mul3A_1194, %bitcast_convert_type3A_1192 : f32
      %mul3A_1196 = arith.mulf %mul3A_1195, %bitcast_convert_type3A_1192 : f32
      %sub3A_1197 = arith.constant 1.500000e+00 : f32
      %sub3A_1198 = arith.subf %sub3A_1197, %mul3A_1196 : f32
      %mul3A_1199 = arith.mulf %bitcast_convert_type3A_1192, %sub3A_1198 : f32
      %mul3A_1200 = arith.constant 5.000000e-01 : f32
      %mul3A_1201 = arith.mulf %mul3A_1200, %max3A_1189 : f32
      %mul3A_1202 = arith.mulf %mul3A_1201, %mul3A_1199 : f32
      %mul3A_1203 = arith.mulf %mul3A_1202, %mul3A_1199 : f32
      %sub3A_1204 = arith.constant 1.500000e+00 : f32
      %sub3A_1205 = arith.subf %sub3A_1204, %mul3A_1203 : f32
      %mul3A_1206 = arith.mulf %mul3A_1199, %sub3A_1205 : f32
      %mul3A_1207 = arith.constant 5.000000e-01 : f32
      %mul3A_1208 = arith.mulf %mul3A_1207, %max3A_1189 : f32
      %mul3A_1209 = arith.mulf %mul3A_1208, %mul3A_1206 : f32
      %mul3A_1210 = arith.mulf %mul3A_1209, %mul3A_1206 : f32
      %sub3A_1211 = arith.constant 1.500000e+00 : f32
      %sub3A_1212 = arith.subf %sub3A_1211, %mul3A_1210 : f32
      %mul3A_1213 = arith.mulf %mul3A_1206, %sub3A_1212 : f32
      %mul3A_1214 = arith.constant 5.000000e-01 : f32
      %mul3A_1215 = arith.mulf %mul3A_1214, %mul3A_1213 : f32
      %get3A_1216 = arith.index_cast %scan3A_1070 : i32 to index
      %get3A_1217 = arith.constant 0 : index
      %get3A_1218 = tpu.vector_load %arg10[%get3A_1216, %get3A_1217] {strides = array<i32>} : memref<128x64xf32, #tpu.memory_space<vmem>>, vector<16xf32>,
      %mul3A_1219 = arith.constant 5.000000e-01 : f32
      %mul3A_1220 = vector.broadcast %mul3A_1219 : f32 to vector<16xf32>
      %mul3A_1221 = arith.mulf %mul3A_1220, %get3A_1218 : vector<16xf32>
      %mul3A_1222 = vector.broadcast %mul3A_1215 : f32 to vector<16xf32>
      %mul3A_1223 = arith.mulf %mul3A_1222, %add3A_1097 : vector<16xf32>
      %add3A_1224 = arith.addf %mul3A_1221, %mul3A_1223 : vector<16xf32>
      %swap3A_1225 = arith.index_cast %scan3A_1070 : i32 to index
      %swap3A_1226 = arith.constant 0 : index
      %swap3A_1227 = tpu.vector_load %arg12[%swap3A_1225, %swap3A_1226] {strides = array<i32>} : memref<128x64xf32, #tpu.memory_space<vmem>>, vector<16xf32>,
      tpu.vector_store %arg12[%swap3A_1225, %swap3A_1226], %add3A_1224 {strides = array<i32>} : memref<128x64xf32, #tpu.memory_space<vmem>>, vector<16xf32>,
      %get3A_1228 = arith.index_cast %scan3A_1070 : i32 to index
      %get3A_1229 = arith.constant 16 : index
      %get3A_1230 = tpu.vector_load %arg10[%get3A_1228, %get3A_1229] {strides = array<i32>} : memref<128x64xf32, #tpu.memory_space<vmem>>, vector<16xf32>,
      %mul3A_1231 = arith.constant 5.000000e-01 : f32
      %mul3A_1232 = vector.broadcast %mul3A_1231 : f32 to vector<16xf32>
      %mul3A_1233 = arith.mulf %mul3A_1232, %get3A_1230 : vector<16xf32>
      %mul3A_1234 = vector.broadcast %mul3A_1215 : f32 to vector<16xf32>
      %mul3A_1235 = arith.mulf %mul3A_1234, %add3A_1125 : vector<16xf32>
      %add3A_1236 = arith.addf %mul3A_1233, %mul3A_1235 : vector<16xf32>
      %swap3A_1237 = arith.index_cast %scan3A_1070 : i32 to index
      %swap3A_1238 = arith.constant 16 : index
      %swap3A_1239 = tpu.vector_load %arg12[%swap3A_1237, %swap3A_1238] {strides = array<i32>} : memref<128x64xf32, #tpu.memory_space<vmem>>, vector<16xf32>,
      tpu.vector_store %arg12[%swap3A_1237, %swap3A_1238], %add3A_1236 {strides = array<i32>} : memref<128x64xf32, #tpu.memory_space<vmem>>, vector<16xf32>,
      %get3A_1240 = arith.index_cast %scan3A_1070 : i32 to index
      %get3A_1241 = arith.constant 32 : index
      %get3A_1242 = tpu.vector_load %arg10[%get3A_1240, %get3A_1241] {strides = array<i32>} : memref<128x64xf32, #tpu.memory_space<vmem>>, vector<16xf32>,
      %mul3A_1243 = arith.constant 5.000000e-01 : f32
      %mul3A_1244 = vector.broadcast %mul3A_1243 : f32 to vector<16xf32>
      %mul3A_1245 = arith.mulf %mul3A_1244, %get3A_1242 : vector<16xf32>
      %mul3A_1246 = vector.broadcast %mul3A_1215 : f32 to vector<16xf32>
      %mul3A_1247 = arith.mulf %mul3A_1246, %add3A_1154 : vector<16xf32>
      %add3A_1248 = arith.addf %mul3A_1245, %mul3A_1247 : vector<16xf32>
      %swap3A_1249 = arith.index_cast %scan3A_1070 : i32 to index
      %swap3A_1250 = arith.constant 32 : index
      %swap3A_1251 = tpu.vector_load %arg12[%swap3A_1249, %swap3A_1250] {strides = array<i32>} : memref<128x64xf32, #tpu.memory_space<vmem>>, vector<16xf32>,
      tpu.vector_store %arg12[%swap3A_1249, %swap3A_1250], %add3A_1248 {strides = array<i32>} : memref<128x64xf32, #tpu.memory_space<vmem>>, vector<16xf32>,
      %get3A_1252 = arith.index_cast %scan3A_1070 : i32 to index
      %get3A_1253 = arith.constant 48 : index
      %get3A_1254 = tpu.vector_load %arg10[%get3A_1252, %get3A_1253] {strides = array<i32>} : memref<128x64xf32, #tpu.memory_space<vmem>>, vector<16xf32>,
      %mul3A_1255 = arith.constant 5.000000e-01 : f32
      %mul3A_1256 = vector.broadcast %mul3A_1255 : f32 to vector<16xf32>
      %mul3A_1257 = arith.mulf %mul3A_1256, %get3A_1254 : vector<16xf32>
      %mul3A_1258 = vector.broadcast %mul3A_1215 : f32 to vector<16xf32>
      %mul3A_1259 = arith.mulf %mul3A_1258, %add3A_1183 : vector<16xf32>
      %add3A_1260 = arith.addf %mul3A_1257, %mul3A_1259 : vector<16xf32>
      %swap3A_1261 = arith.index_cast %scan3A_1070 : i32 to index
      %swap3A_1262 = arith.constant 48 : index
      %swap3A_1263 = tpu.vector_load %arg12[%swap3A_1261, %swap3A_1262] {strides = array<i32>} : memref<128x64xf32, #tpu.memory_space<vmem>>, vector<16xf32>,
      tpu.vector_store %arg12[%swap3A_1261, %swap3A_1262], %add3A_1260 {strides = array<i32>} : memref<128x64xf32, #tpu.memory_space<vmem>>, vector<16xf32>,
    }
    %scan3A_799 = arith.constant 128 : i32
    %add3A_800 = arith.constant 256 : i32
    %add3A_801 = arith.addi %mul3A_2, %add3A_800 : i32
    "tpu.region"() ({
      %run_scoped3A = tpu.sem_alloc : memref<!tpu.dma_semaphore, #tpu.memory_space<semaphore_mem>>
      %dma_start3A_1070 = arith.constant 0 : i32
      %dma_start3A_1071 = tpu.memref_slice %arg6[%add3A_801, %dma_start3A_1070] : memref<16384x64xf32, #tpu.memory_space<hbm>> -> memref<128x64xf32, #tpu.memory_space<hbm>>
      %dma_start3A_1072 = arith.constant 0 : i32
      %dma_start3A_1073 = tpu.memref_slice %arg6[%add3A_801, %dma_start3A_1072] : memref<16384x64xf32, #tpu.memory_space<hbm>> -> memref<128x64xf32, #tpu.memory_space<hbm>>
      tpu.enqueue_dma source(%arg12 : memref<128x64xf32, #tpu.memory_space<vmem>>) target(%dma_start3A_1073 : memref<128x64xf32, #tpu.memory_space<hbm>>) target_semaphore(%run_scoped3A : memref<!tpu.dma_semaphore, #tpu.memory_space<semaphore_mem>>)
      %dma_wait3A_1074 = arith.constant 0 : i32
      %dma_wait3A_1075 = tpu.memref_slice %arg6[%add3A_801, %dma_wait3A_1074] : memref<16384x64xf32, #tpu.memory_space<hbm>> -> memref<128x64xf32, #tpu.memory_space<hbm>>
      %dma_wait3A_1076 = arith.constant 0 : i32
      %dma_wait3A_1077 = tpu.memref_slice %arg6[%add3A_801, %dma_wait3A_1076] : memref<16384x64xf32, #tpu.memory_space<hbm>> -> memref<128x64xf32, #tpu.memory_space<hbm>>
      tpu.wait_dma2 semaphore(%run_scoped3A : memref<!tpu.dma_semaphore, #tpu.memory_space<semaphore_mem>>) src(%arg12 : memref<128x64xf32, #tpu.memory_space<vmem>>) dst(%dma_wait3A_1077 : memref<128x64xf32, #tpu.memory_space<hbm>>)
      tpu.yield
    }) : () -> ()
    %dma_start3A_802 = arith.constant 384 : i32
    %dma_start3A_803 = tpu.memref_slice %arg7[%dma_start3A_802] : memref<512xi32, #tpu.memory_space<vmem>> -> memref<128xi32, #tpu.memory_space<vmem>>
    %dma_start3A_804 = arith.constant 0 : i32
    %dma_start3A_805 = arith.constant 0 : i32
    %dma_start3A_806 = tpu.memref_slice %arg4[%dma_start3A_804, %dma_start3A_805] : memref<1000000x64xf32, #tpu.memory_space<hbm>> -> memref<1000000x64xf32, #tpu.memory_space<hbm>>
    tpu.enqueue_indirect_dma source(%dma_start3A_806 : memref<1000000x64xf32, #tpu.memory_space<hbm>>) target(%arg10 : memref<128x64xf32, #tpu.memory_space<vmem>>) offsets(%dma_start3A_803 : memref<128xi32, #tpu.memory_space<vmem>>) semaphore(%arg13 : memref<!tpu.dma_semaphore, #tpu.memory_space<semaphore_mem>>)
    %get3A_807 = arith.constant 384 : index
    %get3A_808 = tpu.vector_load %arg7[%get3A_807] {strides = array<i32>} : memref<512xi32, #tpu.memory_space<vmem>>, vector<16xi32>,
    %mul3A_809 = arith.constant 5 : i32
    %mul3A_810 = vector.broadcast %mul3A_809 : i32 to vector<16xi32>
    %mul3A_811 = arith.muli %get3A_808, %mul3A_810 : vector<16xi32>
    %add3A_812 = arith.constant 0 : i32
    %add3A_813 = vector.broadcast %add3A_812 : i32 to vector<16xi32>
    %add3A_814 = arith.addi %mul3A_811, %add3A_813 : vector<16xi32>
    %swap3A_815 = arith.constant 0 : index
    %swap3A_816 = tpu.vector_load %arg8[%swap3A_815] {strides = array<i32>} : memref<640xi32, #tpu.memory_space<vmem>>, vector<16xi32>,
    tpu.vector_store %arg8[%swap3A_815], %add3A_814 {strides = array<i32>} : memref<640xi32, #tpu.memory_space<vmem>>, vector<16xi32>,
    %add3A_817 = arith.constant 1 : i32
    %add3A_818 = vector.broadcast %add3A_817 : i32 to vector<16xi32>
    %add3A_819 = arith.addi %mul3A_811, %add3A_818 : vector<16xi32>
    %swap3A_820 = arith.constant 128 : index
    %swap3A_821 = tpu.vector_load %arg8[%swap3A_820] {strides = array<i32>} : memref<640xi32, #tpu.memory_space<vmem>>, vector<16xi32>,
    tpu.vector_store %arg8[%swap3A_820], %add3A_819 {strides = array<i32>} : memref<640xi32, #tpu.memory_space<vmem>>, vector<16xi32>,
    %add3A_822 = arith.constant 2 : i32
    %add3A_823 = vector.broadcast %add3A_822 : i32 to vector<16xi32>
    %add3A_824 = arith.addi %mul3A_811, %add3A_823 : vector<16xi32>
    %swap3A_825 = arith.constant 256 : index
    %swap3A_826 = tpu.vector_load %arg8[%swap3A_825] {strides = array<i32>} : memref<640xi32, #tpu.memory_space<vmem>>, vector<16xi32>,
    tpu.vector_store %arg8[%swap3A_825], %add3A_824 {strides = array<i32>} : memref<640xi32, #tpu.memory_space<vmem>>, vector<16xi32>,
    %add3A_827 = arith.constant 3 : i32
    %add3A_828 = vector.broadcast %add3A_827 : i32 to vector<16xi32>
    %add3A_829 = arith.addi %mul3A_811, %add3A_828 : vector<16xi32>
    %swap3A_830 = arith.constant 384 : index
    %swap3A_831 = tpu.vector_load %arg8[%swap3A_830] {strides = array<i32>} : memref<640xi32, #tpu.memory_space<vmem>>, vector<16xi32>,
    tpu.vector_store %arg8[%swap3A_830], %add3A_829 {strides = array<i32>} : memref<640xi32, #tpu.memory_space<vmem>>, vector<16xi32>,
    %add3A_832 = arith.constant 4 : i32
    %add3A_833 = vector.broadcast %add3A_832 : i32 to vector<16xi32>
    %add3A_834 = arith.addi %mul3A_811, %add3A_833 : vector<16xi32>
    %swap3A_835 = arith.constant 512 : index
    %swap3A_836 = tpu.vector_load %arg8[%swap3A_835] {strides = array<i32>} : memref<640xi32, #tpu.memory_space<vmem>>, vector<16xi32>,
    tpu.vector_store %arg8[%swap3A_835], %add3A_834 {strides = array<i32>} : memref<640xi32, #tpu.memory_space<vmem>>, vector<16xi32>,
    %get3A_837 = arith.constant 400 : index
    %get3A_838 = tpu.vector_load %arg7[%get3A_837] {strides = array<i32>} : memref<512xi32, #tpu.memory_space<vmem>>, vector<16xi32>,
    %mul3A_839 = arith.constant 5 : i32
    %mul3A_840 = vector.broadcast %mul3A_839 : i32 to vector<16xi32>
    %mul3A_841 = arith.muli %get3A_838, %mul3A_840 : vector<16xi32>
    %add3A_842 = arith.constant 0 : i32
    %add3A_843 = vector.broadcast %add3A_842 : i32 to vector<16xi32>
    %add3A_844 = arith.addi %mul3A_841, %add3A_843 : vector<16xi32>
    %swap3A_845 = arith.constant 16 : index
    %swap3A_846 = tpu.vector_load %arg8[%swap3A_845] {strides = array<i32>} : memref<640xi32, #tpu.memory_space<vmem>>, vector<16xi32>,
    tpu.vector_store %arg8[%swap3A_845], %add3A_844 {strides = array<i32>} : memref<640xi32, #tpu.memory_space<vmem>>, vector<16xi32>,
    %add3A_847 = arith.constant 1 : i32
    %add3A_848 = vector.broadcast %add3A_847 : i32 to vector<16xi32>
    %add3A_849 = arith.addi %mul3A_841, %add3A_848 : vector<16xi32>
    %swap3A_850 = arith.constant 144 : index
    %swap3A_851 = tpu.vector_load %arg8[%swap3A_850] {strides = array<i32>} : memref<640xi32, #tpu.memory_space<vmem>>, vector<16xi32>,
    tpu.vector_store %arg8[%swap3A_850], %add3A_849 {strides = array<i32>} : memref<640xi32, #tpu.memory_space<vmem>>, vector<16xi32>,
    %add3A_852 = arith.constant 2 : i32
    %add3A_853 = vector.broadcast %add3A_852 : i32 to vector<16xi32>
    %add3A_854 = arith.addi %mul3A_841, %add3A_853 : vector<16xi32>
    %swap3A_855 = arith.constant 272 : index
    %swap3A_856 = tpu.vector_load %arg8[%swap3A_855] {strides = array<i32>} : memref<640xi32, #tpu.memory_space<vmem>>, vector<16xi32>,
    tpu.vector_store %arg8[%swap3A_855], %add3A_854 {strides = array<i32>} : memref<640xi32, #tpu.memory_space<vmem>>, vector<16xi32>,
    %add3A_857 = arith.constant 3 : i32
    %add3A_858 = vector.broadcast %add3A_857 : i32 to vector<16xi32>
    %add3A_859 = arith.addi %mul3A_841, %add3A_858 : vector<16xi32>
    %swap3A_860 = arith.constant 400 : index
    %swap3A_861 = tpu.vector_load %arg8[%swap3A_860] {strides = array<i32>} : memref<640xi32, #tpu.memory_space<vmem>>, vector<16xi32>,
    tpu.vector_store %arg8[%swap3A_860], %add3A_859 {strides = array<i32>} : memref<640xi32, #tpu.memory_space<vmem>>, vector<16xi32>,
    %add3A_862 = arith.constant 4 : i32
    %add3A_863 = vector.broadcast %add3A_862 : i32 to vector<16xi32>
    %add3A_864 = arith.addi %mul3A_841, %add3A_863 : vector<16xi32>
    %swap3A_865 = arith.constant 528 : index
    %swap3A_866 = tpu.vector_load %arg8[%swap3A_865] {strides = array<i32>} : memref<640xi32, #tpu.memory_space<vmem>>, vector<16xi32>,
    tpu.vector_store %arg8[%swap3A_865], %add3A_864 {strides = array<i32>} : memref<640xi32, #tpu.memory_space<vmem>>, vector<16xi32>,
    %get3A_867 = arith.constant 416 : index
    %get3A_868 = tpu.vector_load %arg7[%get3A_867] {strides = array<i32>} : memref<512xi32, #tpu.memory_space<vmem>>, vector<16xi32>,
    %mul3A_869 = arith.constant 5 : i32
    %mul3A_870 = vector.broadcast %mul3A_869 : i32 to vector<16xi32>
    %mul3A_871 = arith.muli %get3A_868, %mul3A_870 : vector<16xi32>
    %add3A_872 = arith.constant 0 : i32
    %add3A_873 = vector.broadcast %add3A_872 : i32 to vector<16xi32>
    %add3A_874 = arith.addi %mul3A_871, %add3A_873 : vector<16xi32>
    %swap3A_875 = arith.constant 32 : index
    %swap3A_876 = tpu.vector_load %arg8[%swap3A_875] {strides = array<i32>} : memref<640xi32, #tpu.memory_space<vmem>>, vector<16xi32>,
    tpu.vector_store %arg8[%swap3A_875], %add3A_874 {strides = array<i32>} : memref<640xi32, #tpu.memory_space<vmem>>, vector<16xi32>,
    %add3A_877 = arith.constant 1 : i32
    %add3A_878 = vector.broadcast %add3A_877 : i32 to vector<16xi32>
    %add3A_879 = arith.addi %mul3A_871, %add3A_878 : vector<16xi32>
    %swap3A_880 = arith.constant 160 : index
    %swap3A_881 = tpu.vector_load %arg8[%swap3A_880] {strides = array<i32>} : memref<640xi32, #tpu.memory_space<vmem>>, vector<16xi32>,
    tpu.vector_store %arg8[%swap3A_880], %add3A_879 {strides = array<i32>} : memref<640xi32, #tpu.memory_space<vmem>>, vector<16xi32>,
    %add3A_882 = arith.constant 2 : i32
    %add3A_883 = vector.broadcast %add3A_882 : i32 to vector<16xi32>
    %add3A_884 = arith.addi %mul3A_871, %add3A_883 : vector<16xi32>
    %swap3A_885 = arith.constant 288 : index
    %swap3A_886 = tpu.vector_load %arg8[%swap3A_885] {strides = array<i32>} : memref<640xi32, #tpu.memory_space<vmem>>, vector<16xi32>,
    tpu.vector_store %arg8[%swap3A_885], %add3A_884 {strides = array<i32>} : memref<640xi32, #tpu.memory_space<vmem>>, vector<16xi32>,
    %add3A_887 = arith.constant 3 : i32
    %add3A_888 = vector.broadcast %add3A_887 : i32 to vector<16xi32>
    %add3A_889 = arith.addi %mul3A_871, %add3A_888 : vector<16xi32>
    %swap3A_890 = arith.constant 416 : index
    %swap3A_891 = tpu.vector_load %arg8[%swap3A_890] {strides = array<i32>} : memref<640xi32, #tpu.memory_space<vmem>>, vector<16xi32>,
    tpu.vector_store %arg8[%swap3A_890], %add3A_889 {strides = array<i32>} : memref<640xi32, #tpu.memory_space<vmem>>, vector<16xi32>,
    %add3A_892 = arith.constant 4 : i32
    %add3A_893 = vector.broadcast %add3A_892 : i32 to vector<16xi32>
    %add3A_894 = arith.addi %mul3A_871, %add3A_893 : vector<16xi32>
    %swap3A_895 = arith.constant 544 : index
    %swap3A_896 = tpu.vector_load %arg8[%swap3A_895] {strides = array<i32>} : memref<640xi32, #tpu.memory_space<vmem>>, vector<16xi32>,
    tpu.vector_store %arg8[%swap3A_895], %add3A_894 {strides = array<i32>} : memref<640xi32, #tpu.memory_space<vmem>>, vector<16xi32>,
    %get3A_897 = arith.constant 432 : index
    %get3A_898 = tpu.vector_load %arg7[%get3A_897] {strides = array<i32>} : memref<512xi32, #tpu.memory_space<vmem>>, vector<16xi32>,
    %mul3A_899 = arith.constant 5 : i32
    %mul3A_900 = vector.broadcast %mul3A_899 : i32 to vector<16xi32>
    %mul3A_901 = arith.muli %get3A_898, %mul3A_900 : vector<16xi32>
    %add3A_902 = arith.constant 0 : i32
    %add3A_903 = vector.broadcast %add3A_902 : i32 to vector<16xi32>
    %add3A_904 = arith.addi %mul3A_901, %add3A_903 : vector<16xi32>
    %swap3A_905 = arith.constant 48 : index
    %swap3A_906 = tpu.vector_load %arg8[%swap3A_905] {strides = array<i32>} : memref<640xi32, #tpu.memory_space<vmem>>, vector<16xi32>,
    tpu.vector_store %arg8[%swap3A_905], %add3A_904 {strides = array<i32>} : memref<640xi32, #tpu.memory_space<vmem>>, vector<16xi32>,
    %add3A_907 = arith.constant 1 : i32
    %add3A_908 = vector.broadcast %add3A_907 : i32 to vector<16xi32>
    %add3A_909 = arith.addi %mul3A_901, %add3A_908 : vector<16xi32>
    %swap3A_910 = arith.constant 176 : index
    %swap3A_911 = tpu.vector_load %arg8[%swap3A_910] {strides = array<i32>} : memref<640xi32, #tpu.memory_space<vmem>>, vector<16xi32>,
    tpu.vector_store %arg8[%swap3A_910], %add3A_909 {strides = array<i32>} : memref<640xi32, #tpu.memory_space<vmem>>, vector<16xi32>,
    %add3A_912 = arith.constant 2 : i32
    %add3A_913 = vector.broadcast %add3A_912 : i32 to vector<16xi32>
    %add3A_914 = arith.addi %mul3A_901, %add3A_913 : vector<16xi32>
    %swap3A_915 = arith.constant 304 : index
    %swap3A_916 = tpu.vector_load %arg8[%swap3A_915] {strides = array<i32>} : memref<640xi32, #tpu.memory_space<vmem>>, vector<16xi32>,
    tpu.vector_store %arg8[%swap3A_915], %add3A_914 {strides = array<i32>} : memref<640xi32, #tpu.memory_space<vmem>>, vector<16xi32>,
    %add3A_917 = arith.constant 3 : i32
    %add3A_918 = vector.broadcast %add3A_917 : i32 to vector<16xi32>
    %add3A_919 = arith.addi %mul3A_901, %add3A_918 : vector<16xi32>
    %swap3A_920 = arith.constant 432 : index
    %swap3A_921 = tpu.vector_load %arg8[%swap3A_920] {strides = array<i32>} : memref<640xi32, #tpu.memory_space<vmem>>, vector<16xi32>,
    tpu.vector_store %arg8[%swap3A_920], %add3A_919 {strides = array<i32>} : memref<640xi32, #tpu.memory_space<vmem>>, vector<16xi32>,
    %add3A_922 = arith.constant 4 : i32
    %add3A_923 = vector.broadcast %add3A_922 : i32 to vector<16xi32>
    %add3A_924 = arith.addi %mul3A_901, %add3A_923 : vector<16xi32>
    %swap3A_925 = arith.constant 560 : index
    %swap3A_926 = tpu.vector_load %arg8[%swap3A_925] {strides = array<i32>} : memref<640xi32, #tpu.memory_space<vmem>>, vector<16xi32>,
    tpu.vector_store %arg8[%swap3A_925], %add3A_924 {strides = array<i32>} : memref<640xi32, #tpu.memory_space<vmem>>, vector<16xi32>,
    %get3A_927 = arith.constant 448 : index
    %get3A_928 = tpu.vector_load %arg7[%get3A_927] {strides = array<i32>} : memref<512xi32, #tpu.memory_space<vmem>>, vector<16xi32>,
    %mul3A_929 = arith.constant 5 : i32
    %mul3A_930 = vector.broadcast %mul3A_929 : i32 to vector<16xi32>
    %mul3A_931 = arith.muli %get3A_928, %mul3A_930 : vector<16xi32>
    %add3A_932 = arith.constant 0 : i32
    %add3A_933 = vector.broadcast %add3A_932 : i32 to vector<16xi32>
    %add3A_934 = arith.addi %mul3A_931, %add3A_933 : vector<16xi32>
    %swap3A_935 = arith.constant 64 : index
    %swap3A_936 = tpu.vector_load %arg8[%swap3A_935] {strides = array<i32>} : memref<640xi32, #tpu.memory_space<vmem>>, vector<16xi32>,
    tpu.vector_store %arg8[%swap3A_935], %add3A_934 {strides = array<i32>} : memref<640xi32, #tpu.memory_space<vmem>>, vector<16xi32>,
    %add3A_937 = arith.constant 1 : i32
    %add3A_938 = vector.broadcast %add3A_937 : i32 to vector<16xi32>
    %add3A_939 = arith.addi %mul3A_931, %add3A_938 : vector<16xi32>
    %swap3A_940 = arith.constant 192 : index
    %swap3A_941 = tpu.vector_load %arg8[%swap3A_940] {strides = array<i32>} : memref<640xi32, #tpu.memory_space<vmem>>, vector<16xi32>,
    tpu.vector_store %arg8[%swap3A_940], %add3A_939 {strides = array<i32>} : memref<640xi32, #tpu.memory_space<vmem>>, vector<16xi32>,
    %add3A_942 = arith.constant 2 : i32
    %add3A_943 = vector.broadcast %add3A_942 : i32 to vector<16xi32>
    %add3A_944 = arith.addi %mul3A_931, %add3A_943 : vector<16xi32>
    %swap3A_945 = arith.constant 320 : index
    %swap3A_946 = tpu.vector_load %arg8[%swap3A_945] {strides = array<i32>} : memref<640xi32, #tpu.memory_space<vmem>>, vector<16xi32>,
    tpu.vector_store %arg8[%swap3A_945], %add3A_944 {strides = array<i32>} : memref<640xi32, #tpu.memory_space<vmem>>, vector<16xi32>,
    %add3A_947 = arith.constant 3 : i32
    %add3A_948 = vector.broadcast %add3A_947 : i32 to vector<16xi32>
    %add3A_949 = arith.addi %mul3A_931, %add3A_948 : vector<16xi32>
    %swap3A_950 = arith.constant 448 : index
    %swap3A_951 = tpu.vector_load %arg8[%swap3A_950] {strides = array<i32>} : memref<640xi32, #tpu.memory_space<vmem>>, vector<16xi32>,
    tpu.vector_store %arg8[%swap3A_950], %add3A_949 {strides = array<i32>} : memref<640xi32, #tpu.memory_space<vmem>>, vector<16xi32>,
    %add3A_952 = arith.constant 4 : i32
    %add3A_953 = vector.broadcast %add3A_952 : i32 to vector<16xi32>
    %add3A_954 = arith.addi %mul3A_931, %add3A_953 : vector<16xi32>
    %swap3A_955 = arith.constant 576 : index
    %swap3A_956 = tpu.vector_load %arg8[%swap3A_955] {strides = array<i32>} : memref<640xi32, #tpu.memory_space<vmem>>, vector<16xi32>,
    tpu.vector_store %arg8[%swap3A_955], %add3A_954 {strides = array<i32>} : memref<640xi32, #tpu.memory_space<vmem>>, vector<16xi32>,
    %get3A_957 = arith.constant 464 : index
    %get3A_958 = tpu.vector_load %arg7[%get3A_957] {strides = array<i32>} : memref<512xi32, #tpu.memory_space<vmem>>, vector<16xi32>,
    %mul3A_959 = arith.constant 5 : i32
    %mul3A_960 = vector.broadcast %mul3A_959 : i32 to vector<16xi32>
    %mul3A_961 = arith.muli %get3A_958, %mul3A_960 : vector<16xi32>
    %add3A_962 = arith.constant 0 : i32
    %add3A_963 = vector.broadcast %add3A_962 : i32 to vector<16xi32>
    %add3A_964 = arith.addi %mul3A_961, %add3A_963 : vector<16xi32>
    %swap3A_965 = arith.constant 80 : index
    %swap3A_966 = tpu.vector_load %arg8[%swap3A_965] {strides = array<i32>} : memref<640xi32, #tpu.memory_space<vmem>>, vector<16xi32>,
    tpu.vector_store %arg8[%swap3A_965], %add3A_964 {strides = array<i32>} : memref<640xi32, #tpu.memory_space<vmem>>, vector<16xi32>,
    %add3A_967 = arith.constant 1 : i32
    %add3A_968 = vector.broadcast %add3A_967 : i32 to vector<16xi32>
    %add3A_969 = arith.addi %mul3A_961, %add3A_968 : vector<16xi32>
    %swap3A_970 = arith.constant 208 : index
    %swap3A_971 = tpu.vector_load %arg8[%swap3A_970] {strides = array<i32>} : memref<640xi32, #tpu.memory_space<vmem>>, vector<16xi32>,
    tpu.vector_store %arg8[%swap3A_970], %add3A_969 {strides = array<i32>} : memref<640xi32, #tpu.memory_space<vmem>>, vector<16xi32>,
    %add3A_972 = arith.constant 2 : i32
    %add3A_973 = vector.broadcast %add3A_972 : i32 to vector<16xi32>
    %add3A_974 = arith.addi %mul3A_961, %add3A_973 : vector<16xi32>
    %swap3A_975 = arith.constant 336 : index
    %swap3A_976 = tpu.vector_load %arg8[%swap3A_975] {strides = array<i32>} : memref<640xi32, #tpu.memory_space<vmem>>, vector<16xi32>,
    tpu.vector_store %arg8[%swap3A_975], %add3A_974 {strides = array<i32>} : memref<640xi32, #tpu.memory_space<vmem>>, vector<16xi32>,
    %add3A_977 = arith.constant 3 : i32
    %add3A_978 = vector.broadcast %add3A_977 : i32 to vector<16xi32>
    %add3A_979 = arith.addi %mul3A_961, %add3A_978 : vector<16xi32>
    %swap3A_980 = arith.constant 464 : index
    %swap3A_981 = tpu.vector_load %arg8[%swap3A_980] {strides = array<i32>} : memref<640xi32, #tpu.memory_space<vmem>>, vector<16xi32>,
    tpu.vector_store %arg8[%swap3A_980], %add3A_979 {strides = array<i32>} : memref<640xi32, #tpu.memory_space<vmem>>, vector<16xi32>,
    %add3A_982 = arith.constant 4 : i32
    %add3A_983 = vector.broadcast %add3A_982 : i32 to vector<16xi32>
    %add3A_984 = arith.addi %mul3A_961, %add3A_983 : vector<16xi32>
    %swap3A_985 = arith.constant 592 : index
    %swap3A_986 = tpu.vector_load %arg8[%swap3A_985] {strides = array<i32>} : memref<640xi32, #tpu.memory_space<vmem>>, vector<16xi32>,
    tpu.vector_store %arg8[%swap3A_985], %add3A_984 {strides = array<i32>} : memref<640xi32, #tpu.memory_space<vmem>>, vector<16xi32>,
    %get3A_987 = arith.constant 480 : index
    %get3A_988 = tpu.vector_load %arg7[%get3A_987] {strides = array<i32>} : memref<512xi32, #tpu.memory_space<vmem>>, vector<16xi32>,
    %mul3A_989 = arith.constant 5 : i32
    %mul3A_990 = vector.broadcast %mul3A_989 : i32 to vector<16xi32>
    %mul3A_991 = arith.muli %get3A_988, %mul3A_990 : vector<16xi32>
    %add3A_992 = arith.constant 0 : i32
    %add3A_993 = vector.broadcast %add3A_992 : i32 to vector<16xi32>
    %add3A_994 = arith.addi %mul3A_991, %add3A_993 : vector<16xi32>
    %swap3A_995 = arith.constant 96 : index
    %swap3A_996 = tpu.vector_load %arg8[%swap3A_995] {strides = array<i32>} : memref<640xi32, #tpu.memory_space<vmem>>, vector<16xi32>,
    tpu.vector_store %arg8[%swap3A_995], %add3A_994 {strides = array<i32>} : memref<640xi32, #tpu.memory_space<vmem>>, vector<16xi32>,
    %add3A_997 = arith.constant 1 : i32
    %add3A_998 = vector.broadcast %add3A_997 : i32 to vector<16xi32>
    %add3A_999 = arith.addi %mul3A_991, %add3A_998 : vector<16xi32>
    %swap3A_1000 = arith.constant 224 : index
    %swap3A_1001 = tpu.vector_load %arg8[%swap3A_1000] {strides = array<i32>} : memref<640xi32, #tpu.memory_space<vmem>>, vector<16xi32>,
    tpu.vector_store %arg8[%swap3A_1000], %add3A_999 {strides = array<i32>} : memref<640xi32, #tpu.memory_space<vmem>>, vector<16xi32>,
    %add3A_1002 = arith.constant 2 : i32
    %add3A_1003 = vector.broadcast %add3A_1002 : i32 to vector<16xi32>
    %add3A_1004 = arith.addi %mul3A_991, %add3A_1003 : vector<16xi32>
    %swap3A_1005 = arith.constant 352 : index
    %swap3A_1006 = tpu.vector_load %arg8[%swap3A_1005] {strides = array<i32>} : memref<640xi32, #tpu.memory_space<vmem>>, vector<16xi32>,
    tpu.vector_store %arg8[%swap3A_1005], %add3A_1004 {strides = array<i32>} : memref<640xi32, #tpu.memory_space<vmem>>, vector<16xi32>,
    %add3A_1007 = arith.constant 3 : i32
    %add3A_1008 = vector.broadcast %add3A_1007 : i32 to vector<16xi32>
    %add3A_1009 = arith.addi %mul3A_991, %add3A_1008 : vector<16xi32>
    %swap3A_1010 = arith.constant 480 : index
    %swap3A_1011 = tpu.vector_load %arg8[%swap3A_1010] {strides = array<i32>} : memref<640xi32, #tpu.memory_space<vmem>>, vector<16xi32>,
    tpu.vector_store %arg8[%swap3A_1010], %add3A_1009 {strides = array<i32>} : memref<640xi32, #tpu.memory_space<vmem>>, vector<16xi32>,
    %add3A_1012 = arith.constant 4 : i32
    %add3A_1013 = vector.broadcast %add3A_1012 : i32 to vector<16xi32>
    %add3A_1014 = arith.addi %mul3A_991, %add3A_1013 : vector<16xi32>
    %swap3A_1015 = arith.constant 608 : index
    %swap3A_1016 = tpu.vector_load %arg8[%swap3A_1015] {strides = array<i32>} : memref<640xi32, #tpu.memory_space<vmem>>, vector<16xi32>,
    tpu.vector_store %arg8[%swap3A_1015], %add3A_1014 {strides = array<i32>} : memref<640xi32, #tpu.memory_space<vmem>>, vector<16xi32>,
    %get3A_1017 = arith.constant 496 : index
    %get3A_1018 = tpu.vector_load %arg7[%get3A_1017] {strides = array<i32>} : memref<512xi32, #tpu.memory_space<vmem>>, vector<16xi32>,
    %mul3A_1019 = arith.constant 5 : i32
    %mul3A_1020 = vector.broadcast %mul3A_1019 : i32 to vector<16xi32>
    %mul3A_1021 = arith.muli %get3A_1018, %mul3A_1020 : vector<16xi32>
    %add3A_1022 = arith.constant 0 : i32
    %add3A_1023 = vector.broadcast %add3A_1022 : i32 to vector<16xi32>
    %add3A_1024 = arith.addi %mul3A_1021, %add3A_1023 : vector<16xi32>
    %swap3A_1025 = arith.constant 112 : index
    %swap3A_1026 = tpu.vector_load %arg8[%swap3A_1025] {strides = array<i32>} : memref<640xi32, #tpu.memory_space<vmem>>, vector<16xi32>,
    tpu.vector_store %arg8[%swap3A_1025], %add3A_1024 {strides = array<i32>} : memref<640xi32, #tpu.memory_space<vmem>>, vector<16xi32>,
    %add3A_1027 = arith.constant 1 : i32
    %add3A_1028 = vector.broadcast %add3A_1027 : i32 to vector<16xi32>
    %add3A_1029 = arith.addi %mul3A_1021, %add3A_1028 : vector<16xi32>
    %swap3A_1030 = arith.constant 240 : index
    %swap3A_1031 = tpu.vector_load %arg8[%swap3A_1030] {strides = array<i32>} : memref<640xi32, #tpu.memory_space<vmem>>, vector<16xi32>,
    tpu.vector_store %arg8[%swap3A_1030], %add3A_1029 {strides = array<i32>} : memref<640xi32, #tpu.memory_space<vmem>>, vector<16xi32>,
    %add3A_1032 = arith.constant 2 : i32
    %add3A_1033 = vector.broadcast %add3A_1032 : i32 to vector<16xi32>
    %add3A_1034 = arith.addi %mul3A_1021, %add3A_1033 : vector<16xi32>
    %swap3A_1035 = arith.constant 368 : index
    %swap3A_1036 = tpu.vector_load %arg8[%swap3A_1035] {strides = array<i32>} : memref<640xi32, #tpu.memory_space<vmem>>, vector<16xi32>,
    tpu.vector_store %arg8[%swap3A_1035], %add3A_1034 {strides = array<i32>} : memref<640xi32, #tpu.memory_space<vmem>>, vector<16xi32>,
    %add3A_1037 = arith.constant 3 : i32
    %add3A_1038 = vector.broadcast %add3A_1037 : i32 to vector<16xi32>
    %add3A_1039 = arith.addi %mul3A_1021, %add3A_1038 : vector<16xi32>
    %swap3A_1040 = arith.constant 496 : index
    %swap3A_1041 = tpu.vector_load %arg8[%swap3A_1040] {strides = array<i32>} : memref<640xi32, #tpu.memory_space<vmem>>, vector<16xi32>,
    tpu.vector_store %arg8[%swap3A_1040], %add3A_1039 {strides = array<i32>} : memref<640xi32, #tpu.memory_space<vmem>>, vector<16xi32>,
    %add3A_1042 = arith.constant 4 : i32
    %add3A_1043 = vector.broadcast %add3A_1042 : i32 to vector<16xi32>
    %add3A_1044 = arith.addi %mul3A_1021, %add3A_1043 : vector<16xi32>
    %swap3A_1045 = arith.constant 624 : index
    %swap3A_1046 = tpu.vector_load %arg8[%swap3A_1045] {strides = array<i32>} : memref<640xi32, #tpu.memory_space<vmem>>, vector<16xi32>,
    tpu.vector_store %arg8[%swap3A_1045], %add3A_1044 {strides = array<i32>} : memref<640xi32, #tpu.memory_space<vmem>>, vector<16xi32>,
    %dma_start3A_1047 = arith.constant 0 : i32
    %dma_start3A_1048 = tpu.memref_slice %arg3[%dma_start3A_1047] : memref<5000000xi32, #tpu.memory_space<hbm>> -> memref<5000000xi32, #tpu.memory_space<hbm>>
    tpu.enqueue_indirect_dma source(%dma_start3A_1048 : memref<5000000xi32, #tpu.memory_space<hbm>>) target(%arg9 : memref<640xi32, #tpu.memory_space<vmem>>) offsets(%arg8 : memref<640xi32, #tpu.memory_space<vmem>>) semaphore(%arg14 : memref<!tpu.dma_semaphore, #tpu.memory_space<semaphore_mem>>)
    %dma_wait3A_1049 = arith.constant 0 : i32
    %dma_wait3A_1050 = tpu.memref_slice %arg3[%dma_wait3A_1049] : memref<5000000xi32, #tpu.memory_space<hbm>> -> memref<5000000xi32, #tpu.memory_space<hbm>>
    tpu.wait_indirect_dma semaphore(%arg14 : memref<!tpu.dma_semaphore, #tpu.memory_space<semaphore_mem>>) src(%dma_wait3A_1050 : memref<5000000xi32, #tpu.memory_space<hbm>>) dst(%arg9 : memref<640xi32, #tpu.memory_space<vmem>>)
    %dma_start3A_1051 = arith.constant 0 : i32
    %dma_start3A_1052 = arith.constant 0 : i32
    %dma_start3A_1053 = tpu.memref_slice %arg5[%dma_start3A_1051, %dma_start3A_1052] : memref<2000x64xf32, #tpu.memory_space<hbm>> -> memref<2000x64xf32, #tpu.memory_space<hbm>>
    tpu.enqueue_indirect_dma source(%dma_start3A_1053 : memref<2000x64xf32, #tpu.memory_space<hbm>>) target(%arg11 : memref<640x64xf32, #tpu.memory_space<vmem>>) offsets(%arg9 : memref<640xi32, #tpu.memory_space<vmem>>) semaphore(%arg14 : memref<!tpu.dma_semaphore, #tpu.memory_space<semaphore_mem>>)
    %dma_wait3A_1054 = arith.constant 0 : i32
    %dma_wait3A_1055 = arith.constant 0 : i32
    %dma_wait3A_1056 = tpu.memref_slice %arg5[%dma_wait3A_1054, %dma_wait3A_1055] : memref<2000x64xf32, #tpu.memory_space<hbm>> -> memref<2000x64xf32, #tpu.memory_space<hbm>>
    tpu.wait_indirect_dma semaphore(%arg14 : memref<!tpu.dma_semaphore, #tpu.memory_space<semaphore_mem>>) src(%dma_wait3A_1056 : memref<2000x64xf32, #tpu.memory_space<hbm>>) dst(%arg11 : memref<640x64xf32, #tpu.memory_space<vmem>>)
    %dma_wait3A_1057 = arith.constant 384 : i32
    %dma_wait3A_1058 = tpu.memref_slice %arg7[%dma_wait3A_1057] : memref<512xi32, #tpu.memory_space<vmem>> -> memref<128xi32, #tpu.memory_space<vmem>>
    %dma_wait3A_1059 = arith.constant 0 : i32
    %dma_wait3A_1060 = arith.constant 0 : i32
    %dma_wait3A_1061 = tpu.memref_slice %arg4[%dma_wait3A_1059, %dma_wait3A_1060] : memref<1000000x64xf32, #tpu.memory_space<hbm>> -> memref<1000000x64xf32, #tpu.memory_space<hbm>>
    tpu.wait_indirect_dma semaphore(%arg13 : memref<!tpu.dma_semaphore, #tpu.memory_space<semaphore_mem>>) src(%dma_wait3A_1061 : memref<1000000x64xf32, #tpu.memory_space<hbm>>) dst(%arg10 : memref<128x64xf32, #tpu.memory_space<vmem>>)
    %scan3A_1062 = arith.constant 0 : i32
    %scan3A_1063 = arith.constant 0 : i32
    %scan3A_1064 = arith.constant 128 : i32
    %scan3A_1065 = arith.addi %scan3A_1063, %scan3A_1064 : i32
    %scan3A_1066 = arith.constant 1 : i32
    scf.for %scan3A_1070 = %scan3A_1063 to %scan3A_1065 step %scan3A_1066  : i32 {
      %get3A_1071 = arith.index_cast %scan3A_1070 : i32 to index
      %get3A_1072 = arith.constant 0 : index
      %get3A_1073 = tpu.vector_load %arg11[%get3A_1071, %get3A_1072] {strides = array<i32>} : memref<640x64xf32, #tpu.memory_space<vmem>>, vector<16xf32>,
      %add3A_1074 = arith.constant 128 : i32
      %add3A_1075 = arith.addi %add3A_1074, %scan3A_1070 : i32
      %get3A_1076 = arith.index_cast %add3A_1075 : i32 to index
      %get3A_1077 = arith.constant 0 : index
      %get3A_1078 = tpu.vector_load %arg11[%get3A_1076, %get3A_1077] {strides = array<i32>} : memref<640x64xf32, #tpu.memory_space<vmem>>, vector<16xf32>,
      %add3A_1079 = arith.addf %get3A_1073, %get3A_1078 : vector<16xf32>
      %add3A_1080 = arith.constant 256 : i32
      %add3A_1081 = arith.addi %add3A_1080, %scan3A_1070 : i32
      %get3A_1082 = arith.index_cast %add3A_1081 : i32 to index
      %get3A_1083 = arith.constant 0 : index
      %get3A_1084 = tpu.vector_load %arg11[%get3A_1082, %get3A_1083] {strides = array<i32>} : memref<640x64xf32, #tpu.memory_space<vmem>>, vector<16xf32>,
      %add3A_1085 = arith.addf %add3A_1079, %get3A_1084 : vector<16xf32>
      %add3A_1086 = arith.constant 384 : i32
      %add3A_1087 = arith.addi %add3A_1086, %scan3A_1070 : i32
      %get3A_1088 = arith.index_cast %add3A_1087 : i32 to index
      %get3A_1089 = arith.constant 0 : index
      %get3A_1090 = tpu.vector_load %arg11[%get3A_1088, %get3A_1089] {strides = array<i32>} : memref<640x64xf32, #tpu.memory_space<vmem>>, vector<16xf32>,
      %add3A_1091 = arith.addf %add3A_1085, %get3A_1090 : vector<16xf32>
      %add3A_1092 = arith.constant 512 : i32
      %add3A_1093 = arith.addi %add3A_1092, %scan3A_1070 : i32
      %get3A_1094 = arith.index_cast %add3A_1093 : i32 to index
      %get3A_1095 = arith.constant 0 : index
      %get3A_1096 = tpu.vector_load %arg11[%get3A_1094, %get3A_1095] {strides = array<i32>} : memref<640x64xf32, #tpu.memory_space<vmem>>, vector<16xf32>,
      %add3A_1097 = arith.addf %add3A_1091, %get3A_1096 : vector<16xf32>
      %mul3A_1098 = arith.mulf %add3A_1097, %add3A_1097 : vector<16xf32>
      %get3A_1099 = arith.index_cast %scan3A_1070 : i32 to index
      %get3A_1100 = arith.constant 16 : index
      %get3A_1101 = tpu.vector_load %arg11[%get3A_1099, %get3A_1100] {strides = array<i32>} : memref<640x64xf32, #tpu.memory_space<vmem>>, vector<16xf32>,
      %add3A_1102 = arith.constant 128 : i32
      %add3A_1103 = arith.addi %add3A_1102, %scan3A_1070 : i32
      %get3A_1104 = arith.index_cast %add3A_1103 : i32 to index
      %get3A_1105 = arith.constant 16 : index
      %get3A_1106 = tpu.vector_load %arg11[%get3A_1104, %get3A_1105] {strides = array<i32>} : memref<640x64xf32, #tpu.memory_space<vmem>>, vector<16xf32>,
      %add3A_1107 = arith.addf %get3A_1101, %get3A_1106 : vector<16xf32>
      %add3A_1108 = arith.constant 256 : i32
      %add3A_1109 = arith.addi %add3A_1108, %scan3A_1070 : i32
      %get3A_1110 = arith.index_cast %add3A_1109 : i32 to index
      %get3A_1111 = arith.constant 16 : index
      %get3A_1112 = tpu.vector_load %arg11[%get3A_1110, %get3A_1111] {strides = array<i32>} : memref<640x64xf32, #tpu.memory_space<vmem>>, vector<16xf32>,
      %add3A_1113 = arith.addf %add3A_1107, %get3A_1112 : vector<16xf32>
      %add3A_1114 = arith.constant 384 : i32
      %add3A_1115 = arith.addi %add3A_1114, %scan3A_1070 : i32
      %get3A_1116 = arith.index_cast %add3A_1115 : i32 to index
      %get3A_1117 = arith.constant 16 : index
      %get3A_1118 = tpu.vector_load %arg11[%get3A_1116, %get3A_1117] {strides = array<i32>} : memref<640x64xf32, #tpu.memory_space<vmem>>, vector<16xf32>,
      %add3A_1119 = arith.addf %add3A_1113, %get3A_1118 : vector<16xf32>
      %add3A_1120 = arith.constant 512 : i32
      %add3A_1121 = arith.addi %add3A_1120, %scan3A_1070 : i32
      %get3A_1122 = arith.index_cast %add3A_1121 : i32 to index
      %get3A_1123 = arith.constant 16 : index
      %get3A_1124 = tpu.vector_load %arg11[%get3A_1122, %get3A_1123] {strides = array<i32>} : memref<640x64xf32, #tpu.memory_space<vmem>>, vector<16xf32>,
      %add3A_1125 = arith.addf %add3A_1119, %get3A_1124 : vector<16xf32>
      %mul3A_1126 = arith.mulf %add3A_1125, %add3A_1125 : vector<16xf32>
      %add3A_1127 = arith.addf %mul3A_1098, %mul3A_1126 : vector<16xf32>
      %get3A_1128 = arith.index_cast %scan3A_1070 : i32 to index
      %get3A_1129 = arith.constant 32 : index
      %get3A_1130 = tpu.vector_load %arg11[%get3A_1128, %get3A_1129] {strides = array<i32>} : memref<640x64xf32, #tpu.memory_space<vmem>>, vector<16xf32>,
      %add3A_1131 = arith.constant 128 : i32
      %add3A_1132 = arith.addi %add3A_1131, %scan3A_1070 : i32
      %get3A_1133 = arith.index_cast %add3A_1132 : i32 to index
      %get3A_1134 = arith.constant 32 : index
      %get3A_1135 = tpu.vector_load %arg11[%get3A_1133, %get3A_1134] {strides = array<i32>} : memref<640x64xf32, #tpu.memory_space<vmem>>, vector<16xf32>,
      %add3A_1136 = arith.addf %get3A_1130, %get3A_1135 : vector<16xf32>
      %add3A_1137 = arith.constant 256 : i32
      %add3A_1138 = arith.addi %add3A_1137, %scan3A_1070 : i32
      %get3A_1139 = arith.index_cast %add3A_1138 : i32 to index
      %get3A_1140 = arith.constant 32 : index
      %get3A_1141 = tpu.vector_load %arg11[%get3A_1139, %get3A_1140] {strides = array<i32>} : memref<640x64xf32, #tpu.memory_space<vmem>>, vector<16xf32>,
      %add3A_1142 = arith.addf %add3A_1136, %get3A_1141 : vector<16xf32>
      %add3A_1143 = arith.constant 384 : i32
      %add3A_1144 = arith.addi %add3A_1143, %scan3A_1070 : i32
      %get3A_1145 = arith.index_cast %add3A_1144 : i32 to index
      %get3A_1146 = arith.constant 32 : index
      %get3A_1147 = tpu.vector_load %arg11[%get3A_1145, %get3A_1146] {strides = array<i32>} : memref<640x64xf32, #tpu.memory_space<vmem>>, vector<16xf32>,
      %add3A_1148 = arith.addf %add3A_1142, %get3A_1147 : vector<16xf32>
      %add3A_1149 = arith.constant 512 : i32
      %add3A_1150 = arith.addi %add3A_1149, %scan3A_1070 : i32
      %get3A_1151 = arith.index_cast %add3A_1150 : i32 to index
      %get3A_1152 = arith.constant 32 : index
      %get3A_1153 = tpu.vector_load %arg11[%get3A_1151, %get3A_1152] {strides = array<i32>} : memref<640x64xf32, #tpu.memory_space<vmem>>, vector<16xf32>,
      %add3A_1154 = arith.addf %add3A_1148, %get3A_1153 : vector<16xf32>
      %mul3A_1155 = arith.mulf %add3A_1154, %add3A_1154 : vector<16xf32>
      %add3A_1156 = arith.addf %add3A_1127, %mul3A_1155 : vector<16xf32>
      %get3A_1157 = arith.index_cast %scan3A_1070 : i32 to index
      %get3A_1158 = arith.constant 48 : index
      %get3A_1159 = tpu.vector_load %arg11[%get3A_1157, %get3A_1158] {strides = array<i32>} : memref<640x64xf32, #tpu.memory_space<vmem>>, vector<16xf32>,
      %add3A_1160 = arith.constant 128 : i32
      %add3A_1161 = arith.addi %add3A_1160, %scan3A_1070 : i32
      %get3A_1162 = arith.index_cast %add3A_1161 : i32 to index
      %get3A_1163 = arith.constant 48 : index
      %get3A_1164 = tpu.vector_load %arg11[%get3A_1162, %get3A_1163] {strides = array<i32>} : memref<640x64xf32, #tpu.memory_space<vmem>>, vector<16xf32>,
      %add3A_1165 = arith.addf %get3A_1159, %get3A_1164 : vector<16xf32>
      %add3A_1166 = arith.constant 256 : i32
      %add3A_1167 = arith.addi %add3A_1166, %scan3A_1070 : i32
      %get3A_1168 = arith.index_cast %add3A_1167 : i32 to index
      %get3A_1169 = arith.constant 48 : index
      %get3A_1170 = tpu.vector_load %arg11[%get3A_1168, %get3A_1169] {strides = array<i32>} : memref<640x64xf32, #tpu.memory_space<vmem>>, vector<16xf32>,
      %add3A_1171 = arith.addf %add3A_1165, %get3A_1170 : vector<16xf32>
      %add3A_1172 = arith.constant 384 : i32
      %add3A_1173 = arith.addi %add3A_1172, %scan3A_1070 : i32
      %get3A_1174 = arith.index_cast %add3A_1173 : i32 to index
      %get3A_1175 = arith.constant 48 : index
      %get3A_1176 = tpu.vector_load %arg11[%get3A_1174, %get3A_1175] {strides = array<i32>} : memref<640x64xf32, #tpu.memory_space<vmem>>, vector<16xf32>,
      %add3A_1177 = arith.addf %add3A_1171, %get3A_1176 : vector<16xf32>
      %add3A_1178 = arith.constant 512 : i32
      %add3A_1179 = arith.addi %add3A_1178, %scan3A_1070 : i32
      %get3A_1180 = arith.index_cast %add3A_1179 : i32 to index
      %get3A_1181 = arith.constant 48 : index
      %get3A_1182 = tpu.vector_load %arg11[%get3A_1180, %get3A_1181] {strides = array<i32>} : memref<640x64xf32, #tpu.memory_space<vmem>>, vector<16xf32>,
      %add3A_1183 = arith.addf %add3A_1177, %get3A_1182 : vector<16xf32>
      %mul3A_1184 = arith.mulf %add3A_1183, %add3A_1183 : vector<16xf32>
      %add3A_1185 = arith.addf %add3A_1156, %mul3A_1184 : vector<16xf32>
      %reduce_sum3A = arith.constant true
      %reduce_sum3A_1186 = vector.broadcast %reduce_sum3A : i1 to vector<16xi1>
      %reduce_sum3A_1187 = tpu.scan <sum>, %add3A_1185 masked %reduce_sum3A_1186 : vector<16xf32>, vector<16xi1> -> vector<16xf32>
      %reduce_sum3A_1188 = vector.extract %reduce_sum3A_1187[15] : f32 from vector<16xf32>
      %max3A = arith.constant 1.000000e-24 : f32
      %max3A_1189 = arith.maximumf %reduce_sum3A_1188, %max3A : f32
      %bitcast_convert_type3A = arith.bitcast %max3A_1189 : f32 to i32
      %shift_right_arithmetic3A = arith.constant 1 : i32
      %shift_right_arithmetic3A_1190 = arith.shrsi %bitcast_convert_type3A, %shift_right_arithmetic3A : i32
      %sub3A = arith.constant 1597463007 : i32
      %sub3A_1191 = arith.subi %sub3A, %shift_right_arithmetic3A_1190 : i32
      %bitcast_convert_type3A_1192 = arith.bitcast %sub3A_1191 : i32 to f32
      %mul3A_1193 = arith.constant 5.000000e-01 : f32
      %mul3A_1194 = arith.mulf %mul3A_1193, %max3A_1189 : f32
      %mul3A_1195 = arith.mulf %mul3A_1194, %bitcast_convert_type3A_1192 : f32
      %mul3A_1196 = arith.mulf %mul3A_1195, %bitcast_convert_type3A_1192 : f32
      %sub3A_1197 = arith.constant 1.500000e+00 : f32
      %sub3A_1198 = arith.subf %sub3A_1197, %mul3A_1196 : f32
      %mul3A_1199 = arith.mulf %bitcast_convert_type3A_1192, %sub3A_1198 : f32
      %mul3A_1200 = arith.constant 5.000000e-01 : f32
      %mul3A_1201 = arith.mulf %mul3A_1200, %max3A_1189 : f32
      %mul3A_1202 = arith.mulf %mul3A_1201, %mul3A_1199 : f32
      %mul3A_1203 = arith.mulf %mul3A_1202, %mul3A_1199 : f32
      %sub3A_1204 = arith.constant 1.500000e+00 : f32
      %sub3A_1205 = arith.subf %sub3A_1204, %mul3A_1203 : f32
      %mul3A_1206 = arith.mulf %mul3A_1199, %sub3A_1205 : f32
      %mul3A_1207 = arith.constant 5.000000e-01 : f32
      %mul3A_1208 = arith.mulf %mul3A_1207, %max3A_1189 : f32
      %mul3A_1209 = arith.mulf %mul3A_1208, %mul3A_1206 : f32
      %mul3A_1210 = arith.mulf %mul3A_1209, %mul3A_1206 : f32
      %sub3A_1211 = arith.constant 1.500000e+00 : f32
      %sub3A_1212 = arith.subf %sub3A_1211, %mul3A_1210 : f32
      %mul3A_1213 = arith.mulf %mul3A_1206, %sub3A_1212 : f32
      %mul3A_1214 = arith.constant 5.000000e-01 : f32
      %mul3A_1215 = arith.mulf %mul3A_1214, %mul3A_1213 : f32
      %get3A_1216 = arith.index_cast %scan3A_1070 : i32 to index
      %get3A_1217 = arith.constant 0 : index
      %get3A_1218 = tpu.vector_load %arg10[%get3A_1216, %get3A_1217] {strides = array<i32>} : memref<128x64xf32, #tpu.memory_space<vmem>>, vector<16xf32>,
      %mul3A_1219 = arith.constant 5.000000e-01 : f32
      %mul3A_1220 = vector.broadcast %mul3A_1219 : f32 to vector<16xf32>
      %mul3A_1221 = arith.mulf %mul3A_1220, %get3A_1218 : vector<16xf32>
      %mul3A_1222 = vector.broadcast %mul3A_1215 : f32 to vector<16xf32>
      %mul3A_1223 = arith.mulf %mul3A_1222, %add3A_1097 : vector<16xf32>
      %add3A_1224 = arith.addf %mul3A_1221, %mul3A_1223 : vector<16xf32>
      %swap3A_1225 = arith.index_cast %scan3A_1070 : i32 to index
      %swap3A_1226 = arith.constant 0 : index
      %swap3A_1227 = tpu.vector_load %arg12[%swap3A_1225, %swap3A_1226] {strides = array<i32>} : memref<128x64xf32, #tpu.memory_space<vmem>>, vector<16xf32>,
      tpu.vector_store %arg12[%swap3A_1225, %swap3A_1226], %add3A_1224 {strides = array<i32>} : memref<128x64xf32, #tpu.memory_space<vmem>>, vector<16xf32>,
      %get3A_1228 = arith.index_cast %scan3A_1070 : i32 to index
      %get3A_1229 = arith.constant 16 : index
      %get3A_1230 = tpu.vector_load %arg10[%get3A_1228, %get3A_1229] {strides = array<i32>} : memref<128x64xf32, #tpu.memory_space<vmem>>, vector<16xf32>,
      %mul3A_1231 = arith.constant 5.000000e-01 : f32
      %mul3A_1232 = vector.broadcast %mul3A_1231 : f32 to vector<16xf32>
      %mul3A_1233 = arith.mulf %mul3A_1232, %get3A_1230 : vector<16xf32>
      %mul3A_1234 = vector.broadcast %mul3A_1215 : f32 to vector<16xf32>
      %mul3A_1235 = arith.mulf %mul3A_1234, %add3A_1125 : vector<16xf32>
      %add3A_1236 = arith.addf %mul3A_1233, %mul3A_1235 : vector<16xf32>
      %swap3A_1237 = arith.index_cast %scan3A_1070 : i32 to index
      %swap3A_1238 = arith.constant 16 : index
      %swap3A_1239 = tpu.vector_load %arg12[%swap3A_1237, %swap3A_1238] {strides = array<i32>} : memref<128x64xf32, #tpu.memory_space<vmem>>, vector<16xf32>,
      tpu.vector_store %arg12[%swap3A_1237, %swap3A_1238], %add3A_1236 {strides = array<i32>} : memref<128x64xf32, #tpu.memory_space<vmem>>, vector<16xf32>,
      %get3A_1240 = arith.index_cast %scan3A_1070 : i32 to index
      %get3A_1241 = arith.constant 32 : index
      %get3A_1242 = tpu.vector_load %arg10[%get3A_1240, %get3A_1241] {strides = array<i32>} : memref<128x64xf32, #tpu.memory_space<vmem>>, vector<16xf32>,
      %mul3A_1243 = arith.constant 5.000000e-01 : f32
      %mul3A_1244 = vector.broadcast %mul3A_1243 : f32 to vector<16xf32>
      %mul3A_1245 = arith.mulf %mul3A_1244, %get3A_1242 : vector<16xf32>
      %mul3A_1246 = vector.broadcast %mul3A_1215 : f32 to vector<16xf32>
      %mul3A_1247 = arith.mulf %mul3A_1246, %add3A_1154 : vector<16xf32>
      %add3A_1248 = arith.addf %mul3A_1245, %mul3A_1247 : vector<16xf32>
      %swap3A_1249 = arith.index_cast %scan3A_1070 : i32 to index
      %swap3A_1250 = arith.constant 32 : index
      %swap3A_1251 = tpu.vector_load %arg12[%swap3A_1249, %swap3A_1250] {strides = array<i32>} : memref<128x64xf32, #tpu.memory_space<vmem>>, vector<16xf32>,
      tpu.vector_store %arg12[%swap3A_1249, %swap3A_1250], %add3A_1248 {strides = array<i32>} : memref<128x64xf32, #tpu.memory_space<vmem>>, vector<16xf32>,
      %get3A_1252 = arith.index_cast %scan3A_1070 : i32 to index
      %get3A_1253 = arith.constant 48 : index
      %get3A_1254 = tpu.vector_load %arg10[%get3A_1252, %get3A_1253] {strides = array<i32>} : memref<128x64xf32, #tpu.memory_space<vmem>>, vector<16xf32>,
      %mul3A_1255 = arith.constant 5.000000e-01 : f32
      %mul3A_1256 = vector.broadcast %mul3A_1255 : f32 to vector<16xf32>
      %mul3A_1257 = arith.mulf %mul3A_1256, %get3A_1254 : vector<16xf32>
      %mul3A_1258 = vector.broadcast %mul3A_1215 : f32 to vector<16xf32>
      %mul3A_1259 = arith.mulf %mul3A_1258, %add3A_1183 : vector<16xf32>
      %add3A_1260 = arith.addf %mul3A_1257, %mul3A_1259 : vector<16xf32>
      %swap3A_1261 = arith.index_cast %scan3A_1070 : i32 to index
      %swap3A_1262 = arith.constant 48 : index
      %swap3A_1263 = tpu.vector_load %arg12[%swap3A_1261, %swap3A_1262] {strides = array<i32>} : memref<128x64xf32, #tpu.memory_space<vmem>>, vector<16xf32>,
      tpu.vector_store %arg12[%swap3A_1261, %swap3A_1262], %add3A_1260 {strides = array<i32>} : memref<128x64xf32, #tpu.memory_space<vmem>>, vector<16xf32>,
    }
    %scan3A_1067 = arith.constant 128 : i32
    %add3A_1068 = arith.constant 384 : i32
    %add3A_1069 = arith.addi %mul3A_2, %add3A_1068 : i32
    "tpu.region"() ({
      %run_scoped3A = tpu.sem_alloc : memref<!tpu.dma_semaphore, #tpu.memory_space<semaphore_mem>>
      %dma_start3A_1070 = arith.constant 0 : i32
      %dma_start3A_1071 = tpu.memref_slice %arg6[%add3A_1069, %dma_start3A_1070] : memref<16384x64xf32, #tpu.memory_space<hbm>> -> memref<128x64xf32, #tpu.memory_space<hbm>>
      %dma_start3A_1072 = arith.constant 0 : i32
      %dma_start3A_1073 = tpu.memref_slice %arg6[%add3A_1069, %dma_start3A_1072] : memref<16384x64xf32, #tpu.memory_space<hbm>> -> memref<128x64xf32, #tpu.memory_space<hbm>>
      tpu.enqueue_dma source(%arg12 : memref<128x64xf32, #tpu.memory_space<vmem>>) target(%dma_start3A_1073 : memref<128x64xf32, #tpu.memory_space<hbm>>) target_semaphore(%run_scoped3A : memref<!tpu.dma_semaphore, #tpu.memory_space<semaphore_mem>>)
      %dma_wait3A_1074 = arith.constant 0 : i32
      %dma_wait3A_1075 = tpu.memref_slice %arg6[%add3A_1069, %dma_wait3A_1074] : memref<16384x64xf32, #tpu.memory_space<hbm>> -> memref<128x64xf32, #tpu.memory_space<hbm>>
      %dma_wait3A_1076 = arith.constant 0 : i32
      %dma_wait3A_1077 = tpu.memref_slice %arg6[%add3A_1069, %dma_wait3A_1076] : memref<16384x64xf32, #tpu.memory_space<hbm>> -> memref<128x64xf32, #tpu.memory_space<hbm>>
      tpu.wait_dma2 semaphore(%run_scoped3A : memref<!tpu.dma_semaphore, #tpu.memory_space<semaphore_mem>>) src(%arg12 : memref<128x64xf32, #tpu.memory_space<vmem>>) dst(%dma_wait3A_1077 : memref<128x64xf32, #tpu.memory_space<hbm>>)
      tpu.yield
    }) : () -> ()
    return
  }
}

</mosaic_0001>

<sc_bundles>
// kernel: kernel.3.cloned.1.call-start
scs
__scs_entry_jumppad:
0x0: {  	(pc) =	sbr.rel $0x88, $3  }
0x1: {  	(tag) =	ssettag $0x0;
	lr =	simm.s32 $0x1  }
0x2: {  	[smem:$0x3F9D] =	sst lr;
	_ =	strace $0xD0000000  }
0x3: {  	_ = 	snop  }
0x4: {  	_ = 	snop  }
0x5: {  	_ = 	snop  }
0x6: {  	_ = 	snop  }
0x7: {  	_ = 	snop  }
__scs_overlays_trampoline_lowered:
0x8: {  	[smem:$0x3FAC] =	sst s0  }
0x9: {  	[smem:$0x3FAD] =	sst s1  }
0xa: {  	[smem:$0x3FAE] =	sst s2  }
0xb: {  	[smem:$0x3FAF] =	sst s3  }
0xc: {  	[smem:$0x3FB0] =	sst s4  }
0xd: {  	[smem:$0x3FB1] =	sst s5  }
0xe: {  	[smem:$0x3FB2] =	sst s6  }
0xf: {  	[smem:$0x3FB3] =	sst s7  }
0x10: {  	[smem:$0x3FB4] =	sst s8  }
0x11: {  	[smem:$0x3FB5] =	sst s9;
	s0 =	simm.s32 @!p0 $0x0  }
0x12: {  	s1 =	sld [smem:$0x3F9B];
	s0 =	simm.s32 @p0 $0x1  }
0x13: {  	[smem:$0x3FB6] =	sst s0;
	s0 =	simm.s32 @!p1 $0x0  }
0x14: {  	s2 =	sld [smem:$0x3F9A];
	s0 =	simm.s32 @p1 $0x1  }
0x15: {  	[smem:$0x3FB7] =	sst s0;
	s0 =	simm.s32 @!p2 $0x0  }
0x16: {  	s3 =	sld [smem:$0x3FDB];
	s0 =	simm.s32 @p2 $0x1  }
0x17: {  	s4 =	simm.s32 $0x1BF5;
	[smem:$0x3FB9] =	sst s0  }
0x18: {  	s0 =	sld [smem:$0x3F9C];
	_ =	swait.ge [sflag:s4], $0x0  }
0x19: {  	s7 =	sld [smem:$0x3F9D]  }
0x1a: {  	s8 =	sadd.s32 $0xFFFFE003, lr  }
0x1b: {  	s9 =	sadd.s32 $0xFFFFFEF7, lr;
	s5 =	simm.s32 $0xFFFFFFFF;
	p2 =	slt.u32 s8, $0xFFFFF086  }
0x1c: {  	p1 =	slt.u32 s9, $0xF7A;
	s5 =	simm.s32 @!p2 $0x0  }
0x1d: {  	s5 =	simm.s32 @p1 $0x1;
	p0 =	seq.s32 s7, s2  }
0x1e: {  	s7 =	smul.u32 @!p0 $0xF7A, s2;
	p2 =	seq.s32 @!p0 s5, $0x0  }
0x1f: {  	s9 =	smul.u32 $0xF7A, s1;
	s8 =	simm.s32 @!p0 $0x1BF5;
	p2 =	por !p2, p0  }
0x20: {  	[sflag:s8] =	ssyncset.s32 @!p0 $0xFFFFF086;
	s6 =	sadd.s32 @!p0 s3, s7;
	s7 =	simm.s32 @!p0 $0x108  }
0x21: {  	s3 =	sadd.s32 s3, s9;
	s6 =	sadd.s32 @!p0 $0x88, s6;
	s7 =	simm.s32 @p2 $0x1082  }
0x22: {  	[simem:s7], [sflag:s8] =	dma.local @!p0 [hbm:s6], $0xF7A  }
0x23: {  	s9 =	sor.u32 $0xD0000000, s2;
	s6 =	simm.s32 $0x108;
	_ =	swait.ge @!p0 [sflag:s8], $0x0  }
0x24: {  	s3 =	sadd.s32 $0x88, s3;
	s6 =	simm.s32 @!p1 $0x1082;
	[sflag:s4] =	ssyncset.s32 $0xFFFFF086  }
0x25: {  	[simem:s6], [sflag:s4] =	dma.local [hbm:s3], $0xF7A  }
0x26: {  	[smem:$0x3F9D] =	sst s1;
	(tag) =	ssettag s2;
	_ =	strace s9  }
0x27: {  	s1 =	sld [smem:$0x3FAD]  }
0x28: {  	s2 =	sld [smem:$0x3FAE]  }
0x29: {  	s4 =	sld [smem:$0x3FB0]  }
0x2a: {  	p0 =	seq.s32 s5, $0x0;
	s5 =	sld [smem:$0x3FB1]  }
0x2b: {  	s6 =	sld [smem:$0x3FB2]  }
0x2c: {  	s7 =	sld [smem:$0x3FB3]  }
0x2d: {  	s3 =	simm.s32 $0x108;
	s8 =	sld [smem:$0x3FB4]  }
0x2e: {  	s3 =	simm.s32 @!p0 $0x1082;
	s9 =	sld [smem:$0x3FB5]  }
0x2f: {  	lr =	sadd.s32 s0, s3;
	s0 =	sld [smem:$0x3FAC]  }
0x30: {  	s3 =	sld [smem:$0x3FAF]  }
0x31: {  	[smem:$0x3FB8] =	sst s10  }
0x32: {  	s10 =	sld [smem:$0x3FB6];
	_ =	sdelay $0x3  }
0x33: {  	p0 =	seq.s32 s10, $0x1;
	s10 =	sld [smem:$0x3FB8];
	_ =	sdelay $0x3  }
0x34: {  	[smem:$0x3FB8] =	sst s10  }
0x35: {  	s10 =	sld [smem:$0x3FB7];
	_ =	sdelay $0x3  }
0x36: {  	p1 =	seq.s32 s10, $0x1;
	s10 =	sld [smem:$0x3FB8];
	_ =	sdelay $0x3  }
0x37: {  	[smem:$0x3FB8] =	sst s10  }
0x38: {  	s10 =	sld [smem:$0x3FB9]  }
0x39: {  	_ = 	snop;
	(pc) =	sbr.ind lr, $3  }
0x3a: {  	_ = 	snop  }
0x3b: {  	_ = 	snop  }
0x3c: {  	p2 =	seq.s32 s10, $0x1;
	s10 =	sld [smem:$0x3FB8]  }
0x3d: {  	_ =	shalt  }
0x3e: {  	_ =	shalt  }
0x3f: {  	_ =	shalt  }
0x40: {  	_ =	shalt  }
0x41: {  	_ =	shalt  }
0x42: {  	_ =	shalt  }
0x43: {  	_ =	shalt  }
0x44: {  	_ =	shalt  }
0x45: {  	_ =	shalt  }
0x46: {  	_ =	shalt  }
0x47: {  	_ =	shalt  }
0x48: {  	_ =	shalt  }
0x49: {  	_ =	shalt  }
0x4a: {  	_ =	shalt  }
0x4b: {  	_ =	shalt  }
0x4c: {  	_ =	shalt  }
0x4d: {  	_ =	shalt  }
0x4e: {  	_ =	shalt  }
0x4f: {  	_ =	shalt  }
0x50: {  	_ =	shalt  }
0x51: {  	_ =	shalt  }
0x52: {  	_ =	shalt  }
0x53: {  	_ =	shalt  }
0x54: {  	_ =	shalt  }
0x55: {  	_ =	shalt  }
0x56: {  	_ =	shalt  }
0x57: {  	_ =	shalt  }
0x58: {  	_ =	shalt  }
0x59: {  	_ =	shalt  }
0x5a: {  	_ =	shalt  }
0x5b: {  	_ =	shalt  }
0x5c: {  	_ =	shalt  }
0x5d: {  	_ =	shalt  }
0x5e: {  	_ =	shalt  }
0x5f: {  	_ =	shalt  }
0x60: {  	_ =	shalt  }
0x61: {  	_ =	shalt  }
0x62: {  	_ =	shalt  }
0x63: {  	_ =	shalt  }
0x64: {  	_ =	shalt  }
0x65: {  	_ =	shalt  }
0x66: {  	_ =	shalt  }
0x67: {  	_ =	shalt  }
0x68: {  	_ =	shalt  }
0x69: {  	_ =	shalt  }
0x6a: {  	_ =	shalt  }
0x6b: {  	_ =	shalt  }
0x6c: {  	_ =	shalt  }
0x6d: {  	_ =	shalt  }
0x6e: {  	_ =	shalt  }
0x6f: {  	_ =	shalt  }
0x70: {  	_ =	shalt  }
0x71: {  	_ =	shalt  }
0x72: {  	_ =	shalt  }
0x73: {  	_ =	shalt  }
0x74: {  	_ =	shalt  }
0x75: {  	_ =	shalt  }
0x76: {  	_ =	shalt  }
0x77: {  	_ =	shalt  }
0x78: {  	_ =	shalt  }
0x79: {  	_ =	shalt  }
0x7a: {  	_ =	shalt  }
0x7b: {  	_ =	shalt  }
0x7c: {  	_ =	shalt  }
0x7d: {  	_ =	shalt  }
0x7e: {  	_ =	shalt  }
0x7f: {  	_ =	shalt  }
0x80: {  	_ =	shalt  }
0x81: {  	_ =	shalt  }
0x82: {  	_ =	shalt  }
0x83: {  	_ =	shalt  }
0x84: {  	_ =	shalt  }
0x85: {  	_ =	shalt  }
0x86: {  	_ =	shalt  }
0x87: {  	_ =	shalt  }
.Lfunc_end0:
.L_simem_size_0:
called_computation_lowered:
.L_overlay_start_0:
0x88: {  	s2 =	sld [smem:$0x3FD9]  }
0x89: {  	s3 =	sld [smem:$0x3FFE];
	_ =	sdelay $0x1  }
0x8a: {  	s1 =	srdreg.scid  }
0x8b: {  	s0 =	sand.u32 $0x1, s1  }
0x8c: {  	s17 =	sshll.u32 s0, $0xA;
	s2 =	sadd.s32 s3, s2  }
0x8d: {  	s2 =	sadd.s32 s2, s17  }
0x8e: {  	[smem:$0x3FC4] =	sst s2  }
0x8f: {  	_ = 	snop  }
0x90: {  	s2 =	sld [smem:$0x3FC9]  }
0x91: {  	s18 =	sld [smem:$0x3FD0];
	(tm) =	ssettm $0x1  }
0x92: {  	s4 =	sld [smem:$0x3FFB];
	_ =	sdelay $0x3  }
0x93: {  	_ =	strace s4  }
0x94: {  	s4 =	sld [smem:$0x3FFC];
	_ =	sdelay $0x3  }
0x95: {  	_ =	strace s4  }
0x96: {  	s4 =	sld [smem:$0x3FFD];
	_ =	sdelay $0x3  }
0x97: {  	_ =	strace s4  }
0x98: {  	_ =	strace $0x8FFFFFFF  }
0x99: {  	s19 =	sld [smem:$0x3FDB];
	_ =	sdelay $0x1  }
0x9a: {  	s5 =	simm.s32 $_scs_section_size  }
0x9b: {  	s6 =	simm.s32 $_size__tile_overlayer_lowered;
	s7 =	simm.s32 $_tile_overlayer_lowered  }
0x9c: {  	s22 =	simm.s32 $0x1BFF;
	s21 =	sshll.u32 s7, $0x1;
	s4 =	sadd.s32 s5, s19  }
0x9d: {  	s8 =	simm.s32 $0x0;
	s20 =	sshll.u32 s6, $0x1;
	s6 =	sadd.s32 s21, s4  }
0x9e: {  	[timem:s8], [sflag:s22] =	dma.local [hbm:s6], s20  }
0x9f: {  	_ =	swait.ge [sflag:s22], s20  }
0xa0: {  	s5 =	ssub.s32 $0x0, s20;
	[sflag:s22] =	ssyncset.done $0x0  }
0xa1: {  	[sflag:s22] =	ssyncadd.s32 s5;
	_ =	sdelay $0x1  }
0xa2: {  	s23 =	simm.s32 $0x1B8B  }
0xa3: {  	_ =	swait.ge [sflag:s23], $0x1  }
0xa4: {  	[sflag:s23] =	ssyncset.done $0x0  }
0xa5: {  	s25 =	simm.s32 $0x1B8E;
	s24 =	sld [smem:$0x3FFE];
	[sflag:s23] =	ssyncadd.s32 $0xFFFFFFFF  }
0xa6: {  	s26 =	simm.s32 $execute0_lowered;
	[smem:$0x3FD2] =	sst s25  }
0xa7: {  	s6 =	sshll.u32 s26, $0x1;
	_ =	strace $0x80000046;
	[dreg:$0x1] =	wrdreg $0xFFFFFFFF  }
0xa8: {  	s28 =	simm.s32 $_size_execute0_lowered;
	s4 =	sadd.s32 s4, s6;
	[dreg:$0x0] =	wrdreg $0x0  }
0xa9: {  	s6 =	sshll.u32 s28, $0x1;
	[dreg:$0x2] =	wrdreg s4  }
0xaa: {  	[dreg:$0x3] =	wrdreg s6  }
0xab: {  	[dreg:$0x4] =	wrdreg $0xC0  }
0xac: {  	_ =	task [dreg:s8], $0x5FFFF  }
0xad: {  	[dreg:$0x1] =	wrdreg $0xFFFFFFFF  }
0xae: {  	[dreg:$0x0] =	wrdreg $0x60  }
0xaf: {  	[dreg:$0x2] =	wrdreg s2  }
0xb0: {  	[dreg:$0x3] =	wrdreg s24  }
0xb1: {  	[dreg:$0x4] =	wrdreg s18  }
0xb2: {  	[dreg:$0x5] =	wrdreg $0x9  }
0xb3: {  	_ =	task.clear_ibuf [dreg:s8], $0x6FFFF;
	_ =	strace $0x90000046  }
0xb4: {  	s29 =	simm.s32 $0x9;
	_ =	strace $0x80000048  }
0xb5: {  	_ =	swait.ge [sflag:s29], $0x1  }
0xb6: {  	[sflag:s29] =	ssyncadd.s32 $0xFFFFFFFF  }
0xb7: {  	_ =	strace $0x90000048  }
0xb8: {  	_ =	sfence  }
0xb9: {  	s30 =	sld [smem:$0x0];
	_ =	sdelay $0x2  }
0xba: {  	s31 =	sshll.u32 s1, $0xD;
	s1 =	sshrl.u32 s1, $0x2  }
0xbb: {  	s3 =	sand.u32 $0x4000, s31;
	s1 =	sadd.s32 s1, s30  }
0xbc: {  	s0 =	sor.u32 s3, s0;
	s1 =	sshll.u32 s1, $0x11  }
0xbd: {  	s0 =	sor.u32 s1, s0  }
0xbe: {  	s0 =	sadd.s32 $0x8F2B, s0  }
0xbf: {  	[sflag:s0] =	ssyncadd.remote.s32 $0x1  }
0xc0: {  	_ =	sfence.sel $0xFFFF  }
0xc1: {  	[dreg:$0x0] =	wrdreg $0xFFFFFFFF;
	(pc) =	sbr.abs _section_cstart, $3  }
0xc2: {  	[dreg:$0x1] =	wrdreg $0xFFFFFFFF  }
0xc3: {  	_ =	task.clear_ibuf [dreg:s8], $0x2FFFF;
	_ =	strace $0x9FFFFFFF  }
0xc4: {  	(tm) =	ssettm $0x7FFFFFFF  }
0xc5: {  	_ =	shalt  }
tec
execute0_lowered:
.L_overlay_start_1:
0x0: {  	(tag) =	ssettag $0x1  }
0x1: {  	s0 =	rddreg [dreg:$0x0]  }
0x2: {  	s1 =	rddreg [dreg:$0x1]  }
0x3: {  	s6 =	rddreg [dreg:$0x2];
	s2 =	simm.s32 $0x0  }
0x4: {  	s3 =	srdreg.scid;
	s4 =	stileid.u32;
	s12 =	simm.s32 $0x3  }
0x5: {  	s13 =	simm.s32 $0x80;
	s14 =	simm.s32 $0x700;
	s15 =	simm.s32 $0x280  }
0x6: {  	s16 =	simm.s32 $0x200;
	s17 =	simm.s32 $0x480;
	s18 =	simm.s32 $0x2  }
0x7: {  	s19 =	simm.s32 $0x2700;
	s20 =	simm.s32 $0x1;
	s21 =	simm.s32 $0xC700  }
0x8: {  	s24 =	simm.s32 $0x0;
	[smem:$0x7FF] =	sst s2;
	s5 =	sand.u32 $0x1, s3  }
0x9: {  	s3 =	sadd.s32 $0x16E3E00, s1;
	s7 =	sshll.u32 s4, $0xA;
	s8 =	sshll.u32 s5, $0x9  }
0xa: {  	s4 =	sadd.s32 $0xF42C00, s1;
	_ =	strace $0x80000047;
	s7 =	sor.u32 s8, s7  }
0xb: {  	s9 =	ssub.s32 $0x2, s5;
	s8 =	sshll.u32 s7, $0x3;
	s7 =	sshrl.u32 s7, $0x3  }
0xc: {  	s5 =	sadd.s32 $0x800, s1;
	s6 =	sadd.s32 s6, s8;
	s0 =	sadd.s32 s0, s7  }
0xd: {  	s29 =	sshrl.u32 s9, $0x1;
	[dreg:$0x4] =	wrdreg s0;
	s30 =	sadd.s32 $0x400, s6  }
0xe: {  	s1 =	ssub.s32 s9, s29;
	s31 =	sadd.s32 $0x800, s6;
	[dreg:$0x5] =	wrdreg s30  }
0xf: {  	s11 =	smax.u32 s1, $0x1;
	s10 =	sadd.s32 $0xC00, s6;
	[dreg:$0x6] =	wrdreg s31  }
.LBB2_1:
0x10: {  	s0 =	rddreg [dreg:$0x4]  }
0x11: {  	[tilespmem:s2], [sflag:$0x3] =	stream.linear.gather [hbm4b:s0+s2], $0x200, $0x38;
	[tilespmem:$0xE700] =	vst v63  }
0x12: {  	_ =	swait.ge [sflag:s12], $0x200  }
0x13: {  	[sflag:s12] =	ssyncset.done $0x0  }
0x14: {  	[sflag:s12] =	ssyncadd.s32 $0xFFFFFE00  }
0x15: {  	[tilespmem:s14], [sflag:$0x1] =	stream.indirect.gather [hbm4b:s4+s13], $0x40, s2, s13, $0xb8;
	[tilespmem:$0xE700] =	vst v63  }
0x16: {  	v0 =	vld [tilespmem:$0x0];
	_ =	sdelay $0x3  }
0x17: {  	v1 =	vld [tilespmem:$0x10]  }
0x18: {  	v0 =	vmul.u32 $0x5, v0;
	_ =	sdelay $0x1  }
0x19: {  	[tilespmem:$0x200] =	vst v0;
	v2 =	vadd.s32 $0x1, v0  }
0x1a: {  	[tilespmem:$0x280] =	vst v2;
	v2 =	vadd.s32 $0x2, v0  }
0x1b: {  	v1 =	vmul.u32 $0x5, v1;
	[tilespmem:$0x300] =	vst v2;
	v2 =	vadd.s32 $0x3, v0  }
0x1c: {  	[tilespmem:$0x380] =	vst v2;
	v2 =	vld [tilespmem:$0x20]  }
0x1d: {  	[tilespmem:$0x210] =	vst v1;
	v0 =	vadd.s32 $0x4, v0  }
0x1e: {  	[tilespmem:$0x400] =	vst v0;
	v0 =	vadd.s32 $0x1, v1  }
0x1f: {  	[tilespmem:$0x290] =	vst v0;
	v0 =	vadd.s32 $0x2, v1  }
0x20: {  	[tilespmem:$0x310] =	vst v0;
	v0 =	vadd.s32 $0x3, v1  }
0x21: {  	[tilespmem:$0x390] =	vst v0;
	v0 =	vadd.s32 $0x4, v1;
	v1 =	vmul.u32 $0x5, v2;
	v2 =	vld [tilespmem:$0x30]  }
0x22: {  	[tilespmem:$0x410] =	vst v0  }
0x23: {  	[tilespmem:$0x220] =	vst v1;
	v0 =	vadd.s32 $0x1, v1  }
0x24: {  	[tilespmem:$0x2A0] =	vst v0;
	v0 =	vadd.s32 $0x2, v1  }
0x25: {  	[tilespmem:$0x320] =	vst v0;
	v0 =	vadd.s32 $0x3, v1  }
0x26: {  	[tilespmem:$0x3A0] =	vst v0;
	v0 =	vadd.s32 $0x4, v1;
	v1 =	vmul.u32 $0x5, v2;
	v2 =	vld [tilespmem:$0x40]  }
0x27: {  	[tilespmem:$0x420] =	vst v0  }
0x28: {  	[tilespmem:$0x230] =	vst v1;
	v0 =	vadd.s32 $0x1, v1  }
0x29: {  	[tilespmem:$0x2B0] =	vst v0;
	v0 =	vadd.s32 $0x2, v1  }
0x2a: {  	[tilespmem:$0x330] =	vst v0;
	v0 =	vadd.s32 $0x3, v1  }
0x2b: {  	[tilespmem:$0x3B0] =	vst v0;
	v0 =	vadd.s32 $0x4, v1;
	v1 =	vmul.u32 $0x5, v2;
	v2 =	vld [tilespmem:$0x50]  }
0x2c: {  	[tilespmem:$0x430] =	vst v0  }
0x2d: {  	[tilespmem:$0x240] =	vst v1;
	v0 =	vadd.s32 $0x1, v1  }
0x2e: {  	[tilespmem:$0x2C0] =	vst v0;
	v0 =	vadd.s32 $0x2, v1  }
0x2f: {  	[tilespmem:$0x340] =	vst v0;
	v0 =	vadd.s32 $0x3, v1  }
0x30: {  	[tilespmem:$0x3C0] =	vst v0;
	v0 =	vadd.s32 $0x4, v1;
	v1 =	vmul.u32 $0x5, v2;
	v2 =	vld [tilespmem:$0x60]  }
0x31: {  	[tilespmem:$0x440] =	vst v0  }
0x32: {  	[tilespmem:$0x250] =	vst v1;
	v0 =	vadd.s32 $0x1, v1  }
0x33: {  	[tilespmem:$0x2D0] =	vst v0;
	v0 =	vadd.s32 $0x2, v1  }
0x34: {  	[tilespmem:$0x350] =	vst v0;
	v0 =	vadd.s32 $0x3, v1  }
0x35: {  	[tilespmem:$0x3D0] =	vst v0;
	v0 =	vadd.s32 $0x4, v1;
	v1 =	vmul.u32 $0x5, v2;
	v2 =	vld [tilespmem:$0x70]  }
0x36: {  	[tilespmem:$0x450] =	vst v0  }
0x37: {  	[tilespmem:$0x260] =	vst v1;
	v0 =	vadd.s32 $0x1, v1  }
0x38: {  	[tilespmem:$0x2E0] =	vst v0;
	v0 =	vadd.s32 $0x2, v1  }
0x39: {  	[tilespmem:$0x360] =	vst v0;
	v0 =	vadd.s32 $0x3, v1  }
0x3a: {  	[tilespmem:$0x3E0] =	vst v0;
	v0 =	vadd.s32 $0x4, v1;
	v1 =	vmul.u32 $0x5, v2  }
0x3b: {  	[tilespmem:$0x460] =	vst v0  }
0x3c: {  	[tilespmem:$0x270] =	vst v1;
	v0 =	vadd.s32 $0x1, v1  }
0x3d: {  	[tilespmem:$0x2F0] =	vst v0;
	v0 =	vadd.s32 $0x2, v1  }
0x3e: {  	[tilespmem:$0x370] =	vst v0;
	v0 =	vadd.s32 $0x3, v1  }
0x3f: {  	[tilespmem:$0x3F0] =	vst v0;
	v0 =	vadd.s32 $0x4, v1  }
0x40: {  	[tilespmem:$0x470] =	vst v0  }
0x41: {  	[tilespmem:s17], [sflag:$0x2] =	stream.indirect.gather [hbm4b:s3+s15], $0x1, s16, s15, $0xb8;
	[tilespmem:$0xE700] =	vst v63  }
0x42: {  	_ =	swait.ge [sflag:s18], $0x280  }
0x43: {  	[sflag:s18] =	ssyncset.done $0x0  }
0x44: {  	[sflag:s18] =	ssyncadd.s32 $0xFFFFFD80  }
0x45: {  	[tilespmem:s19], [sflag:$0x2] =	stream.indirect.gather [hbm4b:s5+s15], $0x40, s17, s15, $0xb8;
	[tilespmem:$0xE700] =	vst v63  }
0x46: {  	_ =	swait.ge [sflag:s18], $0xA000  }
0x47: {  	[sflag:s18] =	ssyncset.done $0x0  }
0x48: {  	[sflag:s18] =	ssyncadd.s32 $0xFFFF6000  }
0x49: {  	_ =	swait.ge [sflag:s20], $0x2000  }
0x4a: {  	[sflag:s20] =	ssyncset.done $0x0  }
0x4b: {  	s25 =	simm.s32 $0x0;
	[sflag:s20] =	ssyncadd.s32 $0xFFFFE000  }
0x4c: {  	v0 =	vld [tilespmem:s25+$0xA700]  }
0x4d: {  	v1 =	vld [tilespmem:s25+$0x8720]  }
0x4e: {  	v2 =	vld [tilespmem:s25+$0x6720]  }
0x4f: {  	v3 =	vld [tilespmem:s25+$0x2730]  }
0x50: {  	v4 =	vld [tilespmem:s25+$0x4730]  }
0x51: {  	v5 =	vld [tilespmem:s25+$0x2720]  }
0x52: {  	v6 =	vld [tilespmem:s25+$0x4720]  }
0x53: {  	v7 =	vld [tilespmem:s25+$0x2700]  }
0x54: {  	v8 =	vld [tilespmem:s25+$0x4700]  }
0x55: {  	v9 =	vld [tilespmem:s25+$0x2710]  }
0x56: {  	v10 =	vld [tilespmem:s25+$0x4710]  }
0x57: {  	v11 =	vld [tilespmem:s25+$0x6700]  }
0x58: {  	v12 =	vld [tilespmem:s25+$0x6710]  }
0x59: {  	v13 =	vld [tilespmem:s25+$0x8700]  }
0x5a: {  	v14 =	vld [tilespmem:s25+$0x8710]  }
0x5b: {  	v7 =	vadd.f32 v8, v7;
	v8 =	vadd.f32 v10, v9;
	v9 =	vld [tilespmem:s25+$0x6730]  }
0x5c: {  	v5 =	vadd.f32 v6, v5;
	v6 =	vld [tilespmem:s25+$0xA710];
	v3 =	vadd.f32 v4, v3  }
0x5d: {  	v4 =	vld [tilespmem:s25+$0xA720];
	v7 =	vadd.f32 v11, v7;
	v8 =	vadd.f32 v12, v8  }
0x5e: {  	v10 =	vld [tilespmem:s25+$0x8730];
	v2 =	vadd.f32 v2, v5  }
0x5f: {  	v5 =	vadd.f32 v13, v7;
	v7 =	vadd.f32 v14, v8  }
0x60: {  	s26 =	simm.s32 $0x40;
	v2 =	vadd.f32 v1, v2;
	v8 =	vld [tilespmem:s25+$0xA730];
	v3 =	vadd.f32 v9, v3  }
0x61: {  	v15 =	vld [tilespmem:s26+$0x2710];
	v0 =	vadd.f32 v0, v5;
	v1 =	vadd.f32 v6, v7  }
0x62: {  	v16 =	vld [tilespmem:s26+$0x4710];
	v2 =	vadd.f32 v4, v2  }
0x63: {  	v17 =	vld [tilespmem:s26+$0x6700];
	v3 =	vadd.f32 v10, v3;
	v5 =	vmul.f32 v0, v0;
	v6 =	vmul.f32 v1, v1  }
0x64: {  	v18 =	vld [tilespmem:s26+$0x6710]  }
0x65: {  	v19 =	vld [tilespmem:s26+$0x8700];
	v9 =	vmul.f32 v2, v2;
	v5 =	vadd.f32 v6, v5;
	v6 =	vadd.f32 v8, v3  }
0x66: {  	v20 =	vld [tilespmem:s26+$0x8710]  }
0x67: {  	v30 =	vld [tilespmem:s26+$0x700];
	v5 =	vadd.f32 v9, v5;
	v9 =	vmul.f32 v6, v6  }
0x68: {  	v31 =	vld [tilespmem:s26+$0x710]  }
0x69: {  	v13 =	vld [tilespmem:s26+$0x2720];
	v5 =	vadd.f32 v9, v5  }
0x6a: {  	v14 =	vld [tilespmem:s26+$0x2700]  }
0x6b: {  	v10 =	vld [tilespmem:s26+$0x4730];
	(xrf2) =	vadd.scan.msk.f32 $0xffff, v5  }
0x6c: {  	v9 =	vld [tilespmem:s26+$0x4720]  }
0x6d: {  	v5 =	vld [tilespmem:s26+$0x4700]  }
0x6e: {  	v3 =	vld [tilespmem:s26+$0x6720]  }
0x6f: {  	v8 =	vld [tilespmem:s26+$0x2730]  }
0x70: {  	v7 =	vld [tilespmem:s26+$0x8720]  }
0x71: {  	v9 =	vadd.f32 v9, v13;
	v13 =	vadd.f32 v16, v15;
	v15 =	vld [tilespmem:s26+$0xA710]  }
0x72: {  	v5 =	vadd.f32 v5, v14;
	v14 =	vld [tilespmem:s26+$0x6730]  }
0x73: {  	v4 =	vld [tilespmem:s26+$0xA700];
	v3 =	vadd.f32 v3, v9;
	v9 =	vadd.f32 v18, v13  }
0x74: {  	v8 =	vadd.f32 v10, v8;
	v10 =	vld [tilespmem:s26+$0xA720];
	v5 =	vadd.f32 v17, v5  }
0x75: {  	s28 =	simm.s32 $0x80;
	v13 =	vld [tilespmem:s26+$0x8730];
	v9 =	vadd.f32 v20, v9;
	v7 =	vadd.f32 v7, v3;
	v16, _, _ =	vpop (xrf2)  }
0x76: {  	v21 =	vld [tilespmem:s28+$0x2710];
	v5 =	vadd.f32 v19, v5;
	(v2sf) =	vpush v16, $0xF  }
0x77: {  	v3 =	vadd.f32 v15, v9;
	v8 =	vadd.f32 v14, v8;
	v14 =	vld [tilespmem:s26+$0xA730]  }
0x78: {  	v22 =	vld [tilespmem:s28+$0x4710];
	v4 =	vadd.f32 v4, v5  }
0x79: {  	v23 =	vld [tilespmem:s28+$0x6700];
	v15 =	vmul.f32 v3, v3  }
0x7a: {  	v24 =	vld [tilespmem:s28+$0x6710];
	v5 =	vadd.f32 v10, v7;
	v8 =	vadd.f32 v13, v8;
	v9 =	vmul.f32 v4, v4  }
0x7b: {  	v25 =	vld [tilespmem:s28+$0x8700]  }
0x7c: {  	v26 =	vld [tilespmem:s28+$0x8710];
	v9 =	vadd.f32 v15, v9;
	v15 =	vmul.f32 v5, v5;
	v7 =	vadd.f32 v14, v8  }
0x7d: {  	v27 =	vld [tilespmem:s28+$0x6730]  }
0x7e: {  	v28 =	vld [tilespmem:s28+$0xA710];
	v9 =	vadd.f32 v15, v9;
	v15 =	vmul.f32 v7, v7  }
0x7f: {  	v32 =	vld [tilespmem:s28+$0xA720]  }
0x80: {  	v33 =	vld [tilespmem:s28+$0x700];
	v9 =	vadd.f32 v15, v9  }
0x81: {  	v34 =	vld [tilespmem:s28+$0x710]  }
0x82: {  	v20 =	vld [tilespmem:s28+$0x2700];
	(xrf2) =	vadd.scan.msk.f32 $0xffff, v9  }
0x83: {  	v19 =	vld [tilespmem:s28+$0x2720]  }
0x84: {  	v15 =	vld [tilespmem:s28+$0x4720]  }
0x85: {  	v9 =	vld [tilespmem:s28+$0x4700];
	s22 =	spop (v2sf)  }
0x86: {  	v35 =	vld [tilespmem:s28+$0x720];
	s0 =	smax.f32 s22, $1.000000020e-24  }
0x87: {  	v8 =	vld [tilespmem:s28+$0x6720];
	s1 =	sshra.s32 s0, $0x1;
	s0 =	smul.f32 $5.000000000e-01, s0  }
0x88: {  	v18 =	vld [tilespmem:s28+$0x4730];
	s1 =	ssub.s32 $0x5F3759DF, s1  }
0x89: {  	v21 =	vadd.f32 v22, v21;
	v14 =	vld [tilespmem:s28+$0x2730];
	s29 =	smul.f32 s1, s0  }
0x8a: {  	v17 =	vld [tilespmem:s28+$0x8720];
	v15 =	vadd.f32 v15, v19;
	v9 =	vadd.f32 v9, v20  }
0x8b: {  	v10 =	vld [tilespmem:s28+$0xA700];
	v19 =	vadd.f32 v24, v21;
	s29 =	smul.f32 s1, s29  }
0x8c: {  	v12 =	vld [tilespmem:s25+$0x700];
	v8 =	vadd.f32 v8, v15;
	v9 =	vadd.f32 v23, v9;
	v29, _, _ =	vpop (xrf2)  }
0x8d: {  	v20 =	vld [tilespmem:s28+$0x8730];
	v15 =	vadd.f32 v26, v19;
	(v2sf) =	vpush v29, $0xF;
	s29 =	ssub.f32 $1.500000000e+00, s29  }
0x8e: {  	v11 =	vld [tilespmem:s25+$0x710];
	v14 =	vadd.f32 v18, v14;
	v9 =	vadd.f32 v25, v9  }
0x8f: {  	v17 =	vadd.f32 v17, v8;
	v8 =	vadd.f32 v28, v15;
	v29 =	vld [tilespmem:s28+$0xA730];
	s1 =	smul.f32 s1, s29  }
0x90: {  	v16 =	vld [tilespmem:s25+$0x720];
	v14 =	vadd.f32 v27, v14;
	v9 =	vadd.f32 v10, v9  }
0x91: {  	v13 =	vld [tilespmem:s26+$0x720];
	v18 =	vmul.f32 v8, v8;
	s30 =	smul.f32 s1, s0  }
0x92: {  	v21 =	vld [tilespmem:s25+$0x730];
	v14 =	vadd.f32 v20, v14;
	v10 =	vadd.f32 v32, v17;
	v15 =	vmul.f32 v9, v9;
	s29 =	simm.s32 $0xC0  }
0x93: {  	v22 =	vld [tilespmem:s29+$0xA700];
	s30 =	smul.f32 s30, s1  }
0x94: {  	v15 =	vadd.f32 v18, v15;
	v18 =	vmul.f32 v10, v10;
	v23 =	vld [tilespmem:s29+$0x8720];
	v20 =	vadd.f32 v29, v14  }
0x95: {  	v24 =	vld [tilespmem:s29+$0x6720];
	s30 =	ssub.f32 $1.500000000e+00, s30  }
0x96: {  	v17 =	vmul.f32 $5.000000000e-01, v12;
	v25 =	vld [tilespmem:s29+$0x2730];
	v12 =	vadd.f32 v18, v15;
	v14 =	vmul.f32 v20, v20  }
0x97: {  	v26 =	vld [tilespmem:s29+$0x4730];
	s31 =	smul.f32 s30, s1  }
0x98: {  	v27 =	vld [tilespmem:s29+$0x2720];
	v63 =	vadd.f32 v14, v12  }
0x99: {  	v28 =	vld [tilespmem:s29+$0x4720];
	s0 =	smul.f32 s31, s0  }
0x9a: {  	v19 =	vmul.f32 $5.000000000e-01, v16;
	v16 =	vmul.f32 $5.000000000e-01, v31;
	v29 =	vld [tilespmem:s29+$0x2700];
	(xrf2) =	vadd.scan.msk.f32 $0xffff, v63  }
0x9b: {  	v31 =	vld [tilespmem:s29+$0x2710];
	v18 =	vmul.f32 $5.000000000e-01, v11;
	v15 =	vmul.f32 $5.000000000e-01, v30;
	s1 =	smul.f32 s0, s31  }
0x9c: {  	v32 =	vld [tilespmem:s29+$0x4710];
	v11 =	vmul.f32 $5.000000000e-01, v35;
	v14 =	vmul.f32 $5.000000000e-01, v13;
	s23 =	spop (v2sf)  }
0x9d: {  	v30 =	vld [tilespmem:s29+$0x4700];
	v13 =	vmul.f32 $5.000000000e-01, v33;
	v12 =	vmul.f32 $5.000000000e-01, v34;
	s30 =	simm.s32 $0x400;
	s0 =	smax.f32 s23, $1.000000020e-24;
	s1 =	ssub.f32 $1.500000000e+00, s1  }
.LBB2_2:
0x9e: {  	p0 =	sne.s32 s30, $0x7F00;
	v33 =	vld [tilespmem:s29+$0x6700];
	s22 =	sshra.s32 s0, $0x1;
	s0 =	smul.f32 $5.000000000e-01, s0  }
0x9f: {  	v34 =	vld [tilespmem:s29+$0x6710];
	s22 =	ssub.s32 $0x5F3759DF, s22;
	s1 =	smul.f32 s1, s31  }
0xa0: {  	v35 =	vld [tilespmem:s29+$0x8700];
	s31 =	smul.f32 s22, s0  }
0xa1: {  	v27 =	vadd.f32 v28, v27;
	v36 =	vld [tilespmem:s29+$0x8710];
	s1 =	smul.f32 $5.000000000e-01, s1  }
0xa2: {  	v21 =	vmul.f32 $5.000000000e-01, v21;
	v28 =	vadd.f32 v30, v29;
	v32 =	vadd.f32 v32, v31;
	v30 =	vld [tilespmem:s29+$0x6730]  }
0xa3: {  	v25 =	vadd.f32 v26, v25;
	v24 =	vadd.f32 v24, v27;
	s31 =	smul.f32 s22, s31;
	v31 =	vld [tilespmem:s29+$0xA710];
	v26 =	vmul.f32 s1, v6;
	v6 =	vmovc v7;
	v7 =	vmovc v20  }
0xa4: {  	v20 =	vadd.f32 v33, v28;
	v27 =	vadd.f32 v34, v32;
	v28 =	vld [tilespmem:s29+$0x8730];
	v29, _, _ =	vpop (xrf2);
	v32 =	vmul.f32 s1, v0  }
0xa5: {  	s31 =	ssub.f32 $1.500000000e+00, s31;
	v0 =	vmovc v4;
	v4 =	vmovc v9;
	v33 =	vld [tilespmem:s29+$0xA720];
	(v2sf) =	vpush v29, $0xF;
	v29 =	vmul.f32 s1, v1;
	v21 =	vadd.f32 v26, v21  }
0xa6: {  	v9 =	vadd.f32 v35, v20;
	v1 =	vmovc v3;
	v3 =	vmovc v8;
	v20 =	vadd.f32 v36, v27;
	v26 =	vld [tilespmem:s29+$0x700];
	v27 =	vmul.f32 s1, v2  }
0xa7: {  	v23 =	vadd.f32 v23, v24;
	s1 =	smul.f32 s22, s31;
	v2 =	vmovc v5;
	v5 =	vmov v10;
	v24 =	vadd.f32 v30, v25;
	v25 =	vld [tilespmem:s29+$0xA730];
	[tilespmem:s25+$0xC730] =	vst v21  }
0xa8: {  	v9 =	vadd.f32 v22, v9;
	v8 =	vadd.f32 v31, v20;
	v30 =	vld [tilespmem:s29+$0x710]  }
0xa9: {  	s22 =	smul.f32 s1, s0;
	v20 =	vadd.f32 v28, v24;
	v28 =	vld [tilespmem:s29+$0x720];
	v24 =	vadd.f32 v32, v17;
	v17 =	vmovc v15;
	v15 =	vmov v13  }
0xaa: {  	s23 =	sshra.s32 s30, $0x2;
	v31 =	vmul.f32 v9, v9;
	v32 =	vmul.f32 v8, v8;
	v10 =	vadd.f32 v33, v23;
	v21 =	vld [tilespmem:s26+$0x730]  }
0xab: {  	v27 =	vadd.f32 v27, v19;
	s22 =	smul.f32 s22, s1;
	v22 =	vld [tilespmem:s23+$0xA700];
	v13 =	vmul.f32 $5.000000000e-01, v26;
	[tilespmem:s25+$0xC700] =	vst v24;
	v26 =	vadd.f32 v29, v18;
	v18 =	vmovc v16  }
0xac: {  	v16 =	vmovc v12;
	v23 =	vld [tilespmem:s23+$0x8720];
	v29 =	vadd.f32 v32, v31;
	v31 =	vmul.f32 v10, v10;
	v20 =	vadd.f32 v25, v20  }
0xad: {  	v19 =	vmov v14;
	v14 =	vmov v11;
	s22 =	ssub.f32 $1.500000000e+00, s22;
	v24 =	vld [tilespmem:s23+$0x6720];
	v12 =	vmul.f32 $5.000000000e-01, v30;
	[tilespmem:s25+$0xC710] =	vst v26  }
0xae: {  	v25 =	vld [tilespmem:s23+$0x2730];
	[tilespmem:s25+$0xC720] =	vst v27;
	s25 =	smov.u32 s26  }
0xaf: {  	v29 =	vadd.f32 v31, v29;
	v30 =	vmul.f32 v20, v20;
	v11 =	vmul.f32 $5.000000000e-01, v28;
	s26 =	smov.u32 s28;
	s28 =	smov.u32 s29;
	s31 =	smul.f32 s22, s1  }
0xb0: {  	s29 =	smov.u32 s23;
	v26 =	vld [tilespmem:s23+$0x4730]  }
0xb1: {  	v27 =	vld [tilespmem:s29+$0x2720];
	v30 =	vadd.f32 v30, v29;
	s0 =	smul.f32 s31, s0  }
.Ltmp0:
0xb2: {  	v28 =	vld [tilespmem:s29+$0x4720];
	(pc) =	sbr.rel @p0 .LBB2_2-.Ltmp0, $4  }
0xb3: {  	v29 =	vld [tilespmem:s29+$0x2700];
	(xrf2) =	vadd.scan.msk.f32 $0xffff, v30  }
0xb4: {  	s1 =	smul.f32 s0, s31;
	v30 =	vld [tilespmem:s29+$0x4700]  }
0xb5: {  	v31 =	vld [tilespmem:s29+$0x2710];
	s0 =	spop (v2sf)  }
0xb6: {  	s30 =	sadd.s32 $0x100, s30;
	s1 =	ssub.f32 $1.500000000e+00, s1;
	v32 =	vld [tilespmem:s29+$0x4710];
	s0 =	smax.f32 s0, $1.000000020e-24  }
0xb7: {  	v33 =	vld [tilespmem:s29+$0x6700]  }
0xb8: {  	v34 =	vld [tilespmem:s29+$0x6710]  }
0xb9: {  	v35 =	vld [tilespmem:s29+$0x8700]  }
0xba: {  	v36 =	vld [tilespmem:s29+$0x8710]  }
0xbb: {  	v29 =	vadd.f32 v30, v29;
	v30 =	vadd.f32 v32, v31;
	v31 =	vld [tilespmem:s29+$0x6730]  }
0xbc: {  	v27 =	vadd.f32 v28, v27;
	v28 =	vld [tilespmem:s29+$0xA710];
	v25 =	vadd.f32 v26, v25  }
0xbd: {  	v26 =	vld [tilespmem:s29+$0xA720];
	v29 =	vadd.f32 v33, v29;
	v30 =	vadd.f32 v34, v30  }
0xbe: {  	v58 =	vld [tilespmem:s29+$0x8730];
	v24 =	vadd.f32 v24, v27  }
0xbf: {  	v27 =	vadd.f32 v35, v29;
	v29 =	vadd.f32 v36, v30  }
0xc0: {  	v23 =	vadd.f32 v23, v24;
	v24 =	vadd.f32 v31, v25;
	v25 =	vld [tilespmem:s29+$0xA730]  }
0xc1: {  	v22 =	vadd.f32 v22, v27;
	v27 =	vadd.f32 v28, v29  }
0xc2: {  	v23 =	vadd.f32 v26, v23  }
0xc3: {  	v24 =	vadd.f32 v58, v24;
	v28 =	vmul.f32 v22, v22;
	v29 =	vmul.f32 v27, v27;
	_ =	sdelay $0x1  }
0xc4: {  	v26 =	vadd.f32 v29, v28;
	v28 =	vmul.f32 v23, v23;
	v24 =	vadd.f32 v25, v24;
	_ =	sdelay $0x1  }
0xc5: {  	v25 =	vadd.f32 v28, v26;
	v26 =	vmul.f32 v24, v24;
	_ =	sdelay $0x2  }
0xc6: {  	v25 =	vadd.f32 v26, v25  }
0xc7: {  	v26, _, _ =	vpop (xrf2)  }
0xc8: {  	(xrf2) =	vadd.scan.msk.f32 $0xffff, v25;
	(v2sf) =	vpush v26, $0xF;
	_ =	sdelay $0x5  }
0xc9: {  	s22 =	sshra.s32 s0, $0x1;
	s9 =	smul.f32 $5.000000000e-01, s0  }
0xca: {  	s22 =	ssub.s32 $0x5F3759DF, s22  }
0xcb: {  	s23 =	smul.f32 s22, s9;
	_ =	sdelay $0x1  }
0xcc: {  	s23 =	smul.f32 s22, s23;
	v25, _, _ =	vpop (xrf2)  }
0xcd: {  	(v2sf) =	vpush v25, $0xF  }
0xce: {  	s23 =	ssub.f32 $1.500000000e+00, s23;
	_ =	sdelay $0x1  }
0xcf: {  	s22 =	smul.f32 s22, s23  }
0xd0: {  	s8 =	spop (v2sf)  }
0xd1: {  	s30 =	smul.f32 s22, s9;
	s23 =	smax.f32 s8, $1.000000020e-24  }
0xd2: {  	s7 =	sshra.s32 s23, $0x1;
	s23 =	smul.f32 $5.000000000e-01, s23  }
0xd3: {  	s30 =	smul.f32 s30, s22;
	s7 =	ssub.s32 $0x5F3759DF, s7  }
0xd4: {  	s8 =	smul.f32 s7, s23  }
0xd5: {  	s1 =	smul.f32 s1, s31;
	s30 =	ssub.f32 $1.500000000e+00, s30  }
0xd6: {  	s8 =	smul.f32 s7, s8  }
0xd7: {  	s22 =	smul.f32 s30, s22  }
0xd8: {  	s1 =	smul.f32 $5.000000000e-01, s1;
	s8 =	ssub.f32 $1.500000000e+00, s8  }
0xd9: {  	s0 =	smul.f32 s22, s9  }
0xda: {  	s7 =	smul.f32 s7, s8  }
0xdb: {  	v21 =	vmul.f32 $5.000000000e-01, v21;
	v6 =	vmul.f32 s1, v6;
	s0 =	smul.f32 s0, s22;
	s9 =	spop (v2sf)  }
0xdc: {  	s8 =	smax.f32 s9, $1.000000020e-24;
	s30 =	smul.f32 s7, s23  }
0xdd: {  	v6 =	vadd.f32 v6, v21;
	s31 =	sshra.s32 s8, $0x1;
	s8 =	smul.f32 $5.000000000e-01, s8  }
0xde: {  	s0 =	ssub.f32 $1.500000000e+00, s0;
	s31 =	ssub.s32 $0x5F3759DF, s31;
	s30 =	smul.f32 s30, s7  }
0xdf: {  	v21 =	vld [tilespmem:s29+$0x700];
	[tilespmem:s25+$0xC730] =	vst v6;
	s9 =	smul.f32 s31, s8  }
0xe0: {  	v6 =	vld [tilespmem:s26+$0x730];
	s0 =	smul.f32 s0, s22;
	s22 =	ssub.f32 $1.500000000e+00, s30  }
0xe1: {  	s9 =	smul.f32 s31, s9  }
0xe2: {  	v0 =	vmul.f32 s1, v0;
	s7 =	smul.f32 s22, s7  }
0xe3: {  	v1 =	vmul.f32 s1, v1;
	s0 =	smul.f32 $5.000000000e-01, s0;
	s9 =	ssub.f32 $1.500000000e+00, s9  }
0xe4: {  	v2 =	vmul.f32 s1, v2;
	v0 =	vadd.f32 v0, v17;
	s22 =	smul.f32 s7, s23  }
0xe5: {  	v1 =	vadd.f32 v1, v18;
	v17 =	vld [tilespmem:s29+$0x720];
	v6 =	vmul.f32 $5.000000000e-01, v6;
	v7 =	vmul.f32 s0, v7;
	s9 =	smul.f32 s31, s9  }
0xe6: {  	v25 =	vld [tilespmem:s29+$0x710];
	[tilespmem:s25+$0xC700] =	vst v0;
	v0 =	vadd.f32 v2, v19;
	s1 =	smul.f32 s22, s7  }
0xe7: {  	[tilespmem:s25+$0xC710] =	vst v1;
	v1 =	vadd.f32 v7, v6;
	s23 =	smul.f32 s9, s8  }
0xe8: {  	[tilespmem:s25+$0xC720] =	vst v0;
	s1 =	ssub.f32 $1.500000000e+00, s1  }
0xe9: {  	[tilespmem:s26+$0xC730] =	vst v1;
	s22 =	smul.f32 s23, s9  }
0xea: {  	v0 =	vld [tilespmem:s28+$0x730];
	s1 =	smul.f32 s1, s7  }
0xeb: {  	s23 =	ssub.f32 $1.500000000e+00, s22  }
0xec: {  	v1 =	vmul.f32 s0, v4;
	s1 =	smul.f32 $5.000000000e-01, s1  }
0xed: {  	v2 =	vmul.f32 s0, v3;
	s7 =	smul.f32 s23, s9  }
0xee: {  	v3 =	vmul.f32 s0, v5;
	v1 =	vadd.f32 v1, v15  }
0xef: {  	v2 =	vadd.f32 v2, v16;
	v0 =	vmul.f32 $5.000000000e-01, v0;
	v4 =	vmul.f32 s1, v20;
	s25 =	smul.f32 s7, s8  }
0xf0: {  	[tilespmem:s26+$0xC700] =	vst v1;
	v1 =	vadd.f32 v3, v14  }
0xf1: {  	[tilespmem:s26+$0xC710] =	vst v2;
	v0 =	vadd.f32 v4, v0;
	s0 =	smul.f32 s25, s7  }
0xf2: {  	[tilespmem:s26+$0xC720] =	vst v1  }
0xf3: {  	[tilespmem:s28+$0xC730] =	vst v0;
	s0 =	ssub.f32 $1.500000000e+00, s0  }
0xf4: {  	v0 =	vld [tilespmem:s29+$0x730]  }
0xf5: {  	s0 =	smul.f32 s0, s7  }
0xf6: {  	v1 =	vmul.f32 s1, v9  }
0xf7: {  	v2 =	vmul.f32 s1, v8;
	s0 =	smul.f32 $5.000000000e-01, s0  }
0xf8: {  	v3 =	vmul.f32 s1, v10;
	v1 =	vadd.f32 v1, v13  }
0xf9: {  	v2 =	vadd.f32 v2, v12;
	v0 =	vmul.f32 $5.000000000e-01, v0;
	v4 =	vmul.f32 s0, v24  }
0xfa: {  	v5 =	vmul.f32 $5.000000000e-01, v21;
	[tilespmem:s28+$0xC700] =	vst v1;
	v1 =	vadd.f32 v3, v11;
	v3 =	vmul.f32 s0, v22  }
0xfb: {  	v6 =	vmul.f32 $5.000000000e-01, v25;
	[tilespmem:s28+$0xC710] =	vst v2;
	v2 =	vmul.f32 s0, v27;
	v0 =	vadd.f32 v4, v0  }
0xfc: {  	[tilespmem:s28+$0xC720] =	vst v1;
	v1 =	vmul.f32 s0, v23;
	v4 =	vmul.f32 $5.000000000e-01, v17;
	v3 =	vadd.f32 v3, v5  }
0xfd: {  	[tilespmem:s29+$0xC730] =	vst v0;
	v0 =	vadd.f32 v2, v6  }
0xfe: {  	[tilespmem:s29+$0xC700] =	vst v3;
	v1 =	vadd.f32 v1, v4  }
0xff: {  	[tilespmem:s29+$0xC710] =	vst v0  }
0x100: {  	s7 =	simm.s32 $0x0;
	[tilespmem:s29+$0xC720] =	vst v1  }
0x101: {  	[hbm4b:s6+s7] =	stream.linear.scatter [tilespmem:s21], [sflag:$0x3], $0x2000, $0x38;
	[tilespmem:$0xE700] =	vst v63  }
0x102: {  	_ =	swait.ge [sflag:s12], $0x2000  }
0x103: {  	[sflag:s12] =	ssyncset.done $0x0  }
0x104: {  	[sflag:s12] =	ssyncadd.s32 $0xFFFFE000  }
0x105: {  	[tilespmem:s14], [sflag:$0x1] =	stream.indirect.gather [hbm4b:s4+s13], $0x40, s13, s13, $0xb8;
	[tilespmem:$0xE700] =	vst v63  }
0x106: {  	v0 =	vld [tilespmem:$0x80];
	_ =	sdelay $0x3  }
0x107: {  	v1 =	vld [tilespmem:$0x90]  }
0x108: {  	v0 =	vmul.u32 $0x5, v0;
	_ =	sdelay $0x1  }
0x109: {  	[tilespmem:$0x200] =	vst v0;
	v2 =	vadd.s32 $0x1, v0  }
0x10a: {  	[tilespmem:$0x280] =	vst v2;
	v2 =	vadd.s32 $0x2, v0  }
0x10b: {  	v1 =	vmul.u32 $0x5, v1;
	[tilespmem:$0x300] =	vst v2;
	v2 =	vadd.s32 $0x3, v0  }
0x10c: {  	[tilespmem:$0x380] =	vst v2;
	v2 =	vld [tilespmem:$0xA0]  }
0x10d: {  	[tilespmem:$0x210] =	vst v1;
	v0 =	vadd.s32 $0x4, v0  }
0x10e: {  	[tilespmem:$0x400] =	vst v0;
	v0 =	vadd.s32 $0x1, v1  }
0x10f: {  	[tilespmem:$0x290] =	vst v0;
	v0 =	vadd.s32 $0x2, v1  }
0x110: {  	[tilespmem:$0x310] =	vst v0;
	v0 =	vadd.s32 $0x3, v1  }
0x111: {  	[tilespmem:$0x390] =	vst v0;
	v0 =	vadd.s32 $0x4, v1;
	v1 =	vmul.u32 $0x5, v2;
	v2 =	vld [tilespmem:$0xB0]  }
0x112: {  	[tilespmem:$0x410] =	vst v0  }
0x113: {  	[tilespmem:$0x220] =	vst v1;
	v0 =	vadd.s32 $0x1, v1  }
0x114: {  	[tilespmem:$0x2A0] =	vst v0;
	v0 =	vadd.s32 $0x2, v1  }
0x115: {  	[tilespmem:$0x320] =	vst v0;
	v0 =	vadd.s32 $0x3, v1  }
0x116: {  	[tilespmem:$0x3A0] =	vst v0;
	v0 =	vadd.s32 $0x4, v1;
	v1 =	vmul.u32 $0x5, v2;
	v2 =	vld [tilespmem:$0xC0]  }
0x117: {  	[tilespmem:$0x420] =	vst v0  }
0x118: {  	[tilespmem:$0x230] =	vst v1;
	v0 =	vadd.s32 $0x1, v1  }
0x119: {  	[tilespmem:$0x2B0] =	vst v0;
	v0 =	vadd.s32 $0x2, v1  }
0x11a: {  	[tilespmem:$0x330] =	vst v0;
	v0 =	vadd.s32 $0x3, v1  }
0x11b: {  	[tilespmem:$0x3B0] =	vst v0;
	v0 =	vadd.s32 $0x4, v1;
	v1 =	vmul.u32 $0x5, v2;
	v2 =	vld [tilespmem:$0xD0]  }
0x11c: {  	[tilespmem:$0x430] =	vst v0  }
0x11d: {  	[tilespmem:$0x240] =	vst v1;
	v0 =	vadd.s32 $0x1, v1  }
0x11e: {  	[tilespmem:$0x2C0] =	vst v0;
	v0 =	vadd.s32 $0x2, v1  }
0x11f: {  	[tilespmem:$0x340] =	vst v0;
	v0 =	vadd.s32 $0x3, v1  }
0x120: {  	[tilespmem:$0x3C0] =	vst v0;
	v0 =	vadd.s32 $0x4, v1;
	v1 =	vmul.u32 $0x5, v2;
	v2 =	vld [tilespmem:$0xE0]  }
0x121: {  	[tilespmem:$0x440] =	vst v0  }
0x122: {  	[tilespmem:$0x250] =	vst v1;
	v0 =	vadd.s32 $0x1, v1  }
0x123: {  	[tilespmem:$0x2D0] =	vst v0;
	v0 =	vadd.s32 $0x2, v1  }
0x124: {  	[tilespmem:$0x350] =	vst v0;
	v0 =	vadd.s32 $0x3, v1  }
0x125: {  	[tilespmem:$0x3D0] =	vst v0;
	v0 =	vadd.s32 $0x4, v1;
	v1 =	vmul.u32 $0x5, v2;
	v2 =	vld [tilespmem:$0xF0]  }
0x126: {  	[tilespmem:$0x450] =	vst v0  }
0x127: {  	[tilespmem:$0x260] =	vst v1;
	v0 =	vadd.s32 $0x1, v1  }
0x128: {  	[tilespmem:$0x2E0] =	vst v0;
	v0 =	vadd.s32 $0x2, v1  }
0x129: {  	[tilespmem:$0x360] =	vst v0;
	v0 =	vadd.s32 $0x3, v1  }
0x12a: {  	[tilespmem:$0x3E0] =	vst v0;
	v0 =	vadd.s32 $0x4, v1;
	v1 =	vmul.u32 $0x5, v2  }
0x12b: {  	[tilespmem:$0x460] =	vst v0  }
0x12c: {  	[tilespmem:$0x270] =	vst v1;
	v0 =	vadd.s32 $0x1, v1  }
0x12d: {  	[tilespmem:$0x2F0] =	vst v0;
	v0 =	vadd.s32 $0x2, v1  }
0x12e: {  	[tilespmem:$0x370] =	vst v0;
	v0 =	vadd.s32 $0x3, v1  }
0x12f: {  	[tilespmem:$0x3F0] =	vst v0;
	v0 =	vadd.s32 $0x4, v1  }
0x130: {  	[tilespmem:$0x470] =	vst v0  }
0x131: {  	[tilespmem:s17], [sflag:$0x2] =	stream.indirect.gather [hbm4b:s3+s15], $0x1, s16, s15, $0xb8;
	[tilespmem:$0xE700] =	vst v63  }
0x132: {  	_ =	swait.ge [sflag:s18], $0x280  }
0x133: {  	[sflag:s18] =	ssyncset.done $0x0  }
0x134: {  	[sflag:s18] =	ssyncadd.s32 $0xFFFFFD80  }
0x135: {  	[tilespmem:s19], [sflag:$0x2] =	stream.indirect.gather [hbm4b:s5+s15], $0x40, s17, s15, $0xb8;
	[tilespmem:$0xE700] =	vst v63  }
0x136: {  	_ =	swait.ge [sflag:s18], $0xA000  }
0x137: {  	[sflag:s18] =	ssyncset.done $0x0  }
0x138: {  	[sflag:s18] =	ssyncadd.s32 $0xFFFF6000  }
0x139: {  	_ =	swait.ge [sflag:s20], $0x2000  }
0x13a: {  	[sflag:s20] =	ssyncset.done $0x0  }
0x13b: {  	s25 =	simm.s32 $0x0;
	[sflag:s20] =	ssyncadd.s32 $0xFFFFE000  }
0x13c: {  	v0 =	vld [tilespmem:s25+$0xA700]  }
0x13d: {  	v1 =	vld [tilespmem:s25+$0x8720]  }
0x13e: {  	v2 =	vld [tilespmem:s25+$0x6720]  }
0x13f: {  	v3 =	vld [tilespmem:s25+$0x2730]  }
0x140: {  	v4 =	vld [tilespmem:s25+$0x4730]  }
0x141: {  	v5 =	vld [tilespmem:s25+$0x2720]  }
0x142: {  	v6 =	vld [tilespmem:s25+$0x4720]  }
0x143: {  	v7 =	vld [tilespmem:s25+$0x2700]  }
0x144: {  	v8 =	vld [tilespmem:s25+$0x4700]  }
0x145: {  	v9 =	vld [tilespmem:s25+$0x2710]  }
0x146: {  	v10 =	vld [tilespmem:s25+$0x4710]  }
0x147: {  	v11 =	vld [tilespmem:s25+$0x6700]  }
0x148: {  	v12 =	vld [tilespmem:s25+$0x6710]  }
0x149: {  	v13 =	vld [tilespmem:s25+$0x8700]  }
0x14a: {  	v14 =	vld [tilespmem:s25+$0x8710]  }
0x14b: {  	v7 =	vadd.f32 v8, v7;
	v8 =	vadd.f32 v10, v9;
	v9 =	vld [tilespmem:s25+$0x6730]  }
0x14c: {  	v5 =	vadd.f32 v6, v5;
	v6 =	vld [tilespmem:s25+$0xA710];
	v3 =	vadd.f32 v4, v3  }
0x14d: {  	v4 =	vld [tilespmem:s25+$0xA720];
	v7 =	vadd.f32 v11, v7;
	v8 =	vadd.f32 v12, v8  }
0x14e: {  	v10 =	vld [tilespmem:s25+$0x8730];
	v2 =	vadd.f32 v2, v5  }
0x14f: {  	v5 =	vadd.f32 v13, v7;
	v7 =	vadd.f32 v14, v8  }
0x150: {  	s26 =	simm.s32 $0x40;
	v2 =	vadd.f32 v1, v2;
	v8 =	vld [tilespmem:s25+$0xA730];
	v3 =	vadd.f32 v9, v3  }
0x151: {  	v15 =	vld [tilespmem:s26+$0x2710];
	v0 =	vadd.f32 v0, v5;
	v1 =	vadd.f32 v6, v7  }
0x152: {  	v16 =	vld [tilespmem:s26+$0x4710];
	v2 =	vadd.f32 v4, v2  }
0x153: {  	v17 =	vld [tilespmem:s26+$0x6700];
	v3 =	vadd.f32 v10, v3;
	v5 =	vmul.f32 v0, v0;
	v6 =	vmul.f32 v1, v1  }
0x154: {  	v18 =	vld [tilespmem:s26+$0x6710]  }
0x155: {  	v19 =	vld [tilespmem:s26+$0x8700];
	v9 =	vmul.f32 v2, v2;
	v5 =	vadd.f32 v6, v5;
	v6 =	vadd.f32 v8, v3  }
0x156: {  	v20 =	vld [tilespmem:s26+$0x8710]  }
0x157: {  	v30 =	vld [tilespmem:s26+$0x700];
	v5 =	vadd.f32 v9, v5;
	v9 =	vmul.f32 v6, v6  }
0x158: {  	v31 =	vld [tilespmem:s26+$0x710]  }
0x159: {  	v13 =	vld [tilespmem:s26+$0x2720];
	v5 =	vadd.f32 v9, v5  }
0x15a: {  	v14 =	vld [tilespmem:s26+$0x2700]  }
0x15b: {  	v10 =	vld [tilespmem:s26+$0x4730];
	(xrf2) =	vadd.scan.msk.f32 $0xffff, v5  }
0x15c: {  	v9 =	vld [tilespmem:s26+$0x4720]  }
0x15d: {  	v5 =	vld [tilespmem:s26+$0x4700]  }
0x15e: {  	v3 =	vld [tilespmem:s26+$0x6720]  }
0x15f: {  	v8 =	vld [tilespmem:s26+$0x2730]  }
0x160: {  	v7 =	vld [tilespmem:s26+$0x8720]  }
0x161: {  	v9 =	vadd.f32 v9, v13;
	v13 =	vadd.f32 v16, v15;
	v15 =	vld [tilespmem:s26+$0xA710]  }
0x162: {  	v5 =	vadd.f32 v5, v14;
	v14 =	vld [tilespmem:s26+$0x6730]  }
0x163: {  	v4 =	vld [tilespmem:s26+$0xA700];
	v3 =	vadd.f32 v3, v9;
	v9 =	vadd.f32 v18, v13  }
0x164: {  	v8 =	vadd.f32 v10, v8;
	v10 =	vld [tilespmem:s26+$0xA720];
	v5 =	vadd.f32 v17, v5  }
0x165: {  	s28 =	simm.s32 $0x80;
	v13 =	vld [tilespmem:s26+$0x8730];
	v9 =	vadd.f32 v20, v9;
	v7 =	vadd.f32 v7, v3;
	v16, _, _ =	vpop (xrf2)  }
0x166: {  	v21 =	vld [tilespmem:s28+$0x2710];
	v5 =	vadd.f32 v19, v5;
	(v2sf) =	vpush v16, $0xF  }
0x167: {  	v3 =	vadd.f32 v15, v9;
	v8 =	vadd.f32 v14, v8;
	v14 =	vld [tilespmem:s26+$0xA730]  }
0x168: {  	v22 =	vld [tilespmem:s28+$0x4710];
	v4 =	vadd.f32 v4, v5  }
0x169: {  	v23 =	vld [tilespmem:s28+$0x6700];
	v15 =	vmul.f32 v3, v3  }
0x16a: {  	v24 =	vld [tilespmem:s28+$0x6710];
	v5 =	vadd.f32 v10, v7;
	v8 =	vadd.f32 v13, v8;
	v9 =	vmul.f32 v4, v4  }
0x16b: {  	v25 =	vld [tilespmem:s28+$0x8700]  }
0x16c: {  	v26 =	vld [tilespmem:s28+$0x8710];
	v9 =	vadd.f32 v15, v9;
	v15 =	vmul.f32 v5, v5;
	v7 =	vadd.f32 v14, v8  }
0x16d: {  	v27 =	vld [tilespmem:s28+$0x6730]  }
0x16e: {  	v28 =	vld [tilespmem:s28+$0xA710];
	v9 =	vadd.f32 v15, v9;
	v15 =	vmul.f32 v7, v7  }
0x16f: {  	v59 =	vld [tilespmem:s28+$0xA720]  }
0x170: {  	v60 =	vld [tilespmem:s28+$0x700];
	v9 =	vadd.f32 v15, v9  }
0x171: {  	v61 =	vld [tilespmem:s28+$0x710]  }
0x172: {  	v20 =	vld [tilespmem:s28+$0x2700];
	(xrf2) =	vadd.scan.msk.f32 $0xffff, v9  }
0x173: {  	v19 =	vld [tilespmem:s28+$0x2720]  }
0x174: {  	v15 =	vld [tilespmem:s28+$0x4720]  }
0x175: {  	v9 =	vld [tilespmem:s28+$0x4700];
	s8 =	spop (v2sf)  }
0x176: {  	v62 =	vld [tilespmem:s28+$0x720];
	s0 =	smax.f32 s8, $1.000000020e-24  }
0x177: {  	v8 =	vld [tilespmem:s28+$0x6720];
	s9 =	sshra.s32 s0, $0x1;
	s0 =	smul.f32 $5.000000000e-01, s0  }
0x178: {  	v18 =	vld [tilespmem:s28+$0x4730];
	s1 =	ssub.s32 $0x5F3759DF, s9  }
0x179: {  	v21 =	vadd.f32 v22, v21;
	v14 =	vld [tilespmem:s28+$0x2730];
	s22 =	smul.f32 s1, s0  }
0x17a: {  	v17 =	vld [tilespmem:s28+$0x8720];
	v15 =	vadd.f32 v15, v19;
	v9 =	vadd.f32 v9, v20  }
0x17b: {  	s29 =	simm.s32 $0xC0;
	v10 =	vld [tilespmem:s28+$0xA700];
	v19 =	vadd.f32 v24, v21;
	s7 =	smul.f32 s1, s22  }
0x17c: {  	v32 =	vld [tilespmem:s29+$0x4710];
	v8 =	vadd.f32 v8, v15;
	v9 =	vadd.f32 v23, v9;
	v29, _, _ =	vpop (xrf2)  }
0x17d: {  	v20 =	vld [tilespmem:s28+$0x8730];
	v15 =	vadd.f32 v26, v19;
	(v2sf) =	vpush v29, $0xF;
	s7 =	ssub.f32 $1.500000000e+00, s7  }
0x17e: {  	v22 =	vld [tilespmem:s29+$0xA700];
	v14 =	vadd.f32 v18, v14;
	v9 =	vadd.f32 v25, v9  }
0x17f: {  	v17 =	vadd.f32 v17, v8;
	v8 =	vadd.f32 v28, v15;
	v29 =	vld [tilespmem:s28+$0xA730];
	s1 =	smul.f32 s1, s7  }
0x180: {  	v12 =	vld [tilespmem:s25+$0x700];
	v14 =	vadd.f32 v27, v14;
	v9 =	vadd.f32 v10, v9  }
0x181: {  	v11 =	vld [tilespmem:s25+$0x710];
	v18 =	vmul.f32 v8, v8;
	s7 =	smul.f32 s1, s0  }
0x182: {  	v16 =	vld [tilespmem:s25+$0x720];
	v14 =	vadd.f32 v20, v14;
	v10 =	vadd.f32 v59, v17;
	v15 =	vmul.f32 v9, v9  }
0x183: {  	v13 =	vld [tilespmem:s26+$0x720];
	s7 =	smul.f32 s7, s1  }
0x184: {  	v27 =	vld [tilespmem:s29+$0x2720];
	v15 =	vadd.f32 v18, v15;
	v18 =	vmul.f32 v10, v10;
	v20 =	vadd.f32 v29, v14  }
0x185: {  	v21 =	vld [tilespmem:s25+$0x730];
	s7 =	ssub.f32 $1.500000000e+00, s7  }
0x186: {  	v24 =	vld [tilespmem:s29+$0x6720];
	v17 =	vmul.f32 $5.000000000e-01, v12;
	v12 =	vadd.f32 v18, v15;
	v14 =	vmul.f32 v20, v20  }
0x187: {  	v26 =	vld [tilespmem:s29+$0x4730];
	s31 =	smul.f32 s7, s1  }
0x188: {  	v19 =	vmul.f32 $5.000000000e-01, v16;
	v16 =	vmul.f32 $5.000000000e-01, v31;
	v31 =	vld [tilespmem:s29+$0x2710];
	v63 =	vadd.f32 v14, v12  }
0x189: {  	v23 =	vld [tilespmem:s29+$0x8720];
	s0 =	smul.f32 s31, s0  }
0x18a: {  	v28 =	vld [tilespmem:s29+$0x4720];
	(xrf2) =	vadd.scan.msk.f32 $0xffff, v63  }
0x18b: {  	v25 =	vld [tilespmem:s29+$0x2730];
	v18 =	vmul.f32 $5.000000000e-01, v11;
	v15 =	vmul.f32 $5.000000000e-01, v30;
	s1 =	smul.f32 s0, s31  }
0x18c: {  	v29 =	vld [tilespmem:s29+$0x2700];
	v11 =	vmul.f32 $5.000000000e-01, v62;
	v14 =	vmul.f32 $5.000000000e-01, v13;
	s23 =	spop (v2sf)  }
0x18d: {  	s30 =	simm.s32 $0x400;
	v30 =	vld [tilespmem:s29+$0x4700];
	v13 =	vmul.f32 $5.000000000e-01, v60;
	v12 =	vmul.f32 $5.000000000e-01, v61;
	s0 =	smax.f32 s23, $1.000000020e-24;
	s1 =	ssub.f32 $1.500000000e+00, s1  }
.LBB2_4:
0x18e: {  	p0 =	sne.s32 s30, $0x7F00;
	v33 =	vld [tilespmem:s29+$0x6700];
	s7 =	sshra.s32 s0, $0x1;
	s0 =	smul.f32 $5.000000000e-01, s0  }
0x18f: {  	v34 =	vld [tilespmem:s29+$0x6710];
	s7 =	ssub.s32 $0x5F3759DF, s7;
	s1 =	smul.f32 s1, s31  }
0x190: {  	v35 =	vld [tilespmem:s29+$0x8700];
	s8 =	smul.f32 s7, s0  }
0x191: {  	v27 =	vadd.f32 v28, v27;
	v36 =	vld [tilespmem:s29+$0x8710];
	s1 =	smul.f32 $5.000000000e-01, s1  }
0x192: {  	v21 =	vmul.f32 $5.000000000e-01, v21;
	v28 =	vadd.f32 v30, v29;
	v32 =	vadd.f32 v32, v31;
	v30 =	vld [tilespmem:s29+$0x6730]  }
0x193: {  	v25 =	vadd.f32 v26, v25;
	v24 =	vadd.f32 v24, v27;
	s8 =	smul.f32 s7, s8;
	v31 =	vld [tilespmem:s29+$0xA710];
	v26 =	vmul.f32 s1, v6;
	v6 =	vmovc v7;
	v7 =	vmovc v20  }
0x194: {  	v20 =	vadd.f32 v33, v28;
	v27 =	vadd.f32 v34, v32;
	v28 =	vld [tilespmem:s29+$0x8730];
	v29, _, _ =	vpop (xrf2);
	v32 =	vmul.f32 s1, v0  }
0x195: {  	s8 =	ssub.f32 $1.500000000e+00, s8;
	v0 =	vmovc v4;
	v4 =	vmovc v9;
	v33 =	vld [tilespmem:s29+$0xA720];
	(v2sf) =	vpush v29, $0xF;
	v29 =	vmul.f32 s1, v1;
	v21 =	vadd.f32 v26, v21  }
0x196: {  	v9 =	vadd.f32 v35, v20;
	v1 =	vmovc v3;
	v3 =	vmovc v8;
	v20 =	vadd.f32 v36, v27;
	v26 =	vld [tilespmem:s29+$0x700];
	v27 =	vmul.f32 s1, v2  }
0x197: {  	v23 =	vadd.f32 v23, v24;
	s1 =	smul.f32 s7, s8;
	v2 =	vmovc v5;
	v5 =	vmov v10;
	v24 =	vadd.f32 v30, v25;
	v25 =	vld [tilespmem:s29+$0xA730];
	[tilespmem:s25+$0xC730] =	vst v21  }
0x198: {  	v9 =	vadd.f32 v22, v9;
	v8 =	vadd.f32 v31, v20;
	v30 =	vld [tilespmem:s29+$0x710]  }
0x199: {  	s7 =	smul.f32 s1, s0;
	v20 =	vadd.f32 v28, v24;
	v28 =	vld [tilespmem:s29+$0x720];
	v24 =	vadd.f32 v32, v17;
	v17 =	vmovc v15;
	v15 =	vmov v13  }
0x19a: {  	s8 =	sshra.s32 s30, $0x2;
	v31 =	vmul.f32 v9, v9;
	v32 =	vmul.f32 v8, v8;
	v10 =	vadd.f32 v33, v23;
	v21 =	vld [tilespmem:s26+$0x730]  }
0x19b: {  	v27 =	vadd.f32 v27, v19;
	s7 =	smul.f32 s7, s1;
	v22 =	vld [tilespmem:s8+$0xA700];
	v13 =	vmul.f32 $5.000000000e-01, v26;
	[tilespmem:s25+$0xC700] =	vst v24;
	v26 =	vadd.f32 v29, v18;
	v18 =	vmovc v16  }
0x19c: {  	v16 =	vmovc v12;
	v23 =	vld [tilespmem:s8+$0x8720];
	v29 =	vadd.f32 v32, v31;
	v31 =	vmul.f32 v10, v10;
	v20 =	vadd.f32 v25, v20  }
0x19d: {  	v19 =	vmov v14;
	v14 =	vmov v11;
	s7 =	ssub.f32 $1.500000000e+00, s7;
	v24 =	vld [tilespmem:s8+$0x6720];
	v12 =	vmul.f32 $5.000000000e-01, v30;
	[tilespmem:s25+$0xC710] =	vst v26  }
0x19e: {  	v25 =	vld [tilespmem:s8+$0x2730];
	[tilespmem:s25+$0xC720] =	vst v27;
	s25 =	smov.u32 s26  }
0x19f: {  	v29 =	vadd.f32 v31, v29;
	v30 =	vmul.f32 v20, v20;
	v11 =	vmul.f32 $5.000000000e-01, v28;
	s26 =	smov.u32 s28;
	s28 =	smov.u32 s29;
	s31 =	smul.f32 s7, s1  }
0x1a0: {  	s29 =	smov.u32 s8;
	v26 =	vld [tilespmem:s8+$0x4730]  }
0x1a1: {  	v27 =	vld [tilespmem:s29+$0x2720];
	v30 =	vadd.f32 v30, v29;
	s0 =	smul.f32 s31, s0  }
.Ltmp1:
0x1a2: {  	v28 =	vld [tilespmem:s29+$0x4720];
	(pc) =	sbr.rel @p0 .LBB2_4-.Ltmp1, $4  }
0x1a3: {  	v29 =	vld [tilespmem:s29+$0x2700];
	(xrf2) =	vadd.scan.msk.f32 $0xffff, v30  }
0x1a4: {  	s1 =	smul.f32 s0, s31;
	v30 =	vld [tilespmem:s29+$0x4700]  }
0x1a5: {  	v31 =	vld [tilespmem:s29+$0x2710];
	s0 =	spop (v2sf)  }
0x1a6: {  	s30 =	sadd.s32 $0x100, s30;
	s1 =	ssub.f32 $1.500000000e+00, s1;
	v32 =	vld [tilespmem:s29+$0x4710];
	s0 =	smax.f32 s0, $1.000000020e-24  }
0x1a7: {  	v33 =	vld [tilespmem:s29+$0x6700]  }
0x1a8: {  	v34 =	vld [tilespmem:s29+$0x6710]  }
0x1a9: {  	v35 =	vld [tilespmem:s29+$0x8700]  }
0x1aa: {  	v36 =	vld [tilespmem:s29+$0x8710]  }
0x1ab: {  	v29 =	vadd.f32 v30, v29;
	v30 =	vadd.f32 v32, v31;
	v31 =	vld [tilespmem:s29+$0x6730]  }
0x1ac: {  	v27 =	vadd.f32 v28, v27;
	v28 =	vld [tilespmem:s29+$0xA710];
	v25 =	vadd.f32 v26, v25  }
0x1ad: {  	v26 =	vld [tilespmem:s29+$0xA720];
	v29 =	vadd.f32 v33, v29;
	v30 =	vadd.f32 v34, v30  }
0x1ae: {  	v58 =	vld [tilespmem:s29+$0x8730];
	v24 =	vadd.f32 v24, v27  }
0x1af: {  	v27 =	vadd.f32 v35, v29;
	v29 =	vadd.f32 v36, v30  }
0x1b0: {  	v23 =	vadd.f32 v23, v24;
	v24 =	vadd.f32 v31, v25;
	v25 =	vld [tilespmem:s29+$0xA730]  }
0x1b1: {  	v22 =	vadd.f32 v22, v27;
	v27 =	vadd.f32 v28, v29  }
0x1b2: {  	v23 =	vadd.f32 v26, v23  }
0x1b3: {  	v24 =	vadd.f32 v58, v24;
	v28 =	vmul.f32 v22, v22;
	v29 =	vmul.f32 v27, v27;
	_ =	sdelay $0x1  }
0x1b4: {  	v26 =	vadd.f32 v29, v28;
	v28 =	vmul.f32 v23, v23;
	v24 =	vadd.f32 v25, v24;
	_ =	sdelay $0x1  }
0x1b5: {  	v25 =	vadd.f32 v28, v26;
	v26 =	vmul.f32 v24, v24;
	_ =	sdelay $0x2  }
0x1b6: {  	v25 =	vadd.f32 v26, v25  }
0x1b7: {  	v26, _, _ =	vpop (xrf2)  }
0x1b8: {  	(xrf2) =	vadd.scan.msk.f32 $0xffff, v25;
	(v2sf) =	vpush v26, $0xF;
	_ =	sdelay $0x5  }
0x1b9: {  	s7 =	sshra.s32 s0, $0x1;
	s0 =	smul.f32 $5.000000000e-01, s0  }
0x1ba: {  	s7 =	ssub.s32 $0x5F3759DF, s7  }
0x1bb: {  	s8 =	smul.f32 s7, s0;
	_ =	sdelay $0x1  }
0x1bc: {  	s8 =	smul.f32 s7, s8;
	v25, _, _ =	vpop (xrf2)  }
0x1bd: {  	(v2sf) =	vpush v25, $0xF  }
0x1be: {  	s8 =	ssub.f32 $1.500000000e+00, s8;
	_ =	sdelay $0x1  }
0x1bf: {  	s7 =	smul.f32 s7, s8  }
0x1c0: {  	s22 =	spop (v2sf)  }
0x1c1: {  	s9 =	smul.f32 s7, s0;
	s8 =	smax.f32 s22, $1.000000020e-24  }
0x1c2: {  	s22 =	sshra.s32 s8, $0x1;
	s8 =	smul.f32 $5.000000000e-01, s8  }
0x1c3: {  	s9 =	smul.f32 s9, s7;
	s22 =	ssub.s32 $0x5F3759DF, s22  }
0x1c4: {  	s23 =	smul.f32 s22, s8  }
0x1c5: {  	s1 =	smul.f32 s1, s31;
	s9 =	ssub.f32 $1.500000000e+00, s9  }
0x1c6: {  	s23 =	smul.f32 s22, s23  }
0x1c7: {  	s7 =	smul.f32 s9, s7  }
0x1c8: {  	s1 =	smul.f32 $5.000000000e-01, s1;
	s23 =	ssub.f32 $1.500000000e+00, s23  }
0x1c9: {  	s0 =	smul.f32 s7, s0  }
0x1ca: {  	s9 =	smul.f32 s22, s23  }
0x1cb: {  	v21 =	vmul.f32 $5.000000000e-01, v21;
	v6 =	vmul.f32 s1, v6;
	s0 =	smul.f32 s0, s7;
	s22 =	spop (v2sf)  }
0x1cc: {  	s22 =	smax.f32 s22, $1.000000020e-24;
	s23 =	smul.f32 s9, s8  }
0x1cd: {  	v6 =	vadd.f32 v6, v21;
	s30 =	sshra.s32 s22, $0x1;
	s22 =	smul.f32 $5.000000000e-01, s22  }
0x1ce: {  	s0 =	ssub.f32 $1.500000000e+00, s0;
	s30 =	ssub.s32 $0x5F3759DF, s30;
	s23 =	smul.f32 s23, s9  }
0x1cf: {  	v21 =	vld [tilespmem:s29+$0x700];
	[tilespmem:s25+$0xC730] =	vst v6;
	s31 =	smul.f32 s30, s22  }
0x1d0: {  	v6 =	vld [tilespmem:s26+$0x730];
	s0 =	smul.f32 s0, s7;
	s7 =	ssub.f32 $1.500000000e+00, s23  }
0x1d1: {  	s23 =	smul.f32 s30, s31  }
0x1d2: {  	v0 =	vmul.f32 s1, v0;
	s7 =	smul.f32 s7, s9  }
0x1d3: {  	v1 =	vmul.f32 s1, v1;
	s0 =	smul.f32 $5.000000000e-01, s0;
	s23 =	ssub.f32 $1.500000000e+00, s23  }
0x1d4: {  	v2 =	vmul.f32 s1, v2;
	v0 =	vadd.f32 v0, v17;
	s8 =	smul.f32 s7, s8  }
0x1d5: {  	v1 =	vadd.f32 v1, v18;
	v17 =	vld [tilespmem:s29+$0x720];
	v6 =	vmul.f32 $5.000000000e-01, v6;
	v7 =	vmul.f32 s0, v7;
	s23 =	smul.f32 s30, s23  }
0x1d6: {  	v25 =	vld [tilespmem:s29+$0x710];
	[tilespmem:s25+$0xC700] =	vst v0;
	v0 =	vadd.f32 v2, v19;
	s1 =	smul.f32 s8, s7  }
0x1d7: {  	[tilespmem:s25+$0xC710] =	vst v1;
	v1 =	vadd.f32 v7, v6;
	s9 =	smul.f32 s23, s22  }
0x1d8: {  	[tilespmem:s25+$0xC720] =	vst v0;
	s1 =	ssub.f32 $1.500000000e+00, s1  }
0x1d9: {  	[tilespmem:s26+$0xC730] =	vst v1;
	s9 =	smul.f32 s9, s23  }
0x1da: {  	v0 =	vld [tilespmem:s28+$0x730];
	s1 =	smul.f32 s1, s7  }
0x1db: {  	s9 =	ssub.f32 $1.500000000e+00, s9  }
0x1dc: {  	v1 =	vmul.f32 s0, v4;
	s1 =	smul.f32 $5.000000000e-01, s1  }
0x1dd: {  	v2 =	vmul.f32 s0, v3;
	s7 =	smul.f32 s9, s23  }
0x1de: {  	v3 =	vmul.f32 s0, v5;
	v1 =	vadd.f32 v1, v15  }
0x1df: {  	v2 =	vadd.f32 v2, v16;
	v0 =	vmul.f32 $5.000000000e-01, v0;
	v4 =	vmul.f32 s1, v20;
	s23 =	smul.f32 s7, s22  }
0x1e0: {  	[tilespmem:s26+$0xC700] =	vst v1;
	v1 =	vadd.f32 v3, v14  }
0x1e1: {  	[tilespmem:s26+$0xC710] =	vst v2;
	v0 =	vadd.f32 v4, v0;
	s0 =	smul.f32 s23, s7  }
0x1e2: {  	[tilespmem:s26+$0xC720] =	vst v1  }
0x1e3: {  	[tilespmem:s28+$0xC730] =	vst v0;
	s0 =	ssub.f32 $1.500000000e+00, s0  }
0x1e4: {  	v0 =	vld [tilespmem:s29+$0x730]  }
0x1e5: {  	s0 =	smul.f32 s0, s7  }
0x1e6: {  	v1 =	vmul.f32 s1, v9  }
0x1e7: {  	v2 =	vmul.f32 s1, v8;
	s0 =	smul.f32 $5.000000000e-01, s0  }
0x1e8: {  	v3 =	vmul.f32 s1, v10;
	v1 =	vadd.f32 v1, v13  }
0x1e9: {  	v2 =	vadd.f32 v2, v12;
	v0 =	vmul.f32 $5.000000000e-01, v0;
	v4 =	vmul.f32 s0, v24  }
0x1ea: {  	v5 =	vmul.f32 $5.000000000e-01, v21;
	[tilespmem:s28+$0xC700] =	vst v1;
	v1 =	vadd.f32 v3, v11;
	v3 =	vmul.f32 s0, v22  }
0x1eb: {  	v6 =	vmul.f32 $5.000000000e-01, v25;
	[tilespmem:s28+$0xC710] =	vst v2;
	v2 =	vmul.f32 s0, v27;
	v0 =	vadd.f32 v4, v0  }
0x1ec: {  	[tilespmem:s28+$0xC720] =	vst v1;
	v1 =	vmul.f32 s0, v23;
	v4 =	vmul.f32 $5.000000000e-01, v17;
	v3 =	vadd.f32 v3, v5  }
0x1ed: {  	[tilespmem:s29+$0xC730] =	vst v0;
	v0 =	vadd.f32 v2, v6  }
0x1ee: {  	[tilespmem:s29+$0xC700] =	vst v3;
	v1 =	vadd.f32 v1, v4  }
0x1ef: {  	[tilespmem:s29+$0xC710] =	vst v0  }
0x1f0: {  	s25 =	simm.s32 $0x0;
	s26 =	rddreg [dreg:$0x5];
	[tilespmem:s29+$0xC720] =	vst v1  }
0x1f1: {  	[hbm4b:s26+s25] =	stream.linear.scatter [tilespmem:s21], [sflag:$0x3], $0x2000, $0x38;
	[tilespmem:$0xE700] =	vst v63  }
0x1f2: {  	_ =	swait.ge [sflag:s12], $0x2000  }
0x1f3: {  	[sflag:s12] =	ssyncset.done $0x0  }
0x1f4: {  	s7 =	simm.s32 $0x100;
	[sflag:s12] =	ssyncadd.s32 $0xFFFFE000  }
0x1f5: {  	[tilespmem:s14], [sflag:$0x1] =	stream.indirect.gather [hbm4b:s4+s13], $0x40, s7, s13, $0xb8;
	[tilespmem:$0xE700] =	vst v63  }
0x1f6: {  	v0 =	vld [tilespmem:$0x100];
	_ =	sdelay $0x3  }
0x1f7: {  	v1 =	vld [tilespmem:$0x110]  }
0x1f8: {  	v0 =	vmul.u32 $0x5, v0;
	_ =	sdelay $0x1  }
0x1f9: {  	[tilespmem:$0x200] =	vst v0;
	v2 =	vadd.s32 $0x1, v0  }
0x1fa: {  	[tilespmem:$0x280] =	vst v2;
	v2 =	vadd.s32 $0x2, v0  }
0x1fb: {  	v1 =	vmul.u32 $0x5, v1;
	[tilespmem:$0x300] =	vst v2;
	v2 =	vadd.s32 $0x3, v0  }
0x1fc: {  	[tilespmem:$0x380] =	vst v2;
	v2 =	vld [tilespmem:$0x120]  }
0x1fd: {  	[tilespmem:$0x210] =	vst v1;
	v0 =	vadd.s32 $0x4, v0  }
0x1fe: {  	[tilespmem:$0x400] =	vst v0;
	v0 =	vadd.s32 $0x1, v1  }
0x1ff: {  	[tilespmem:$0x290] =	vst v0;
	v0 =	vadd.s32 $0x2, v1  }
0x200: {  	[tilespmem:$0x310] =	vst v0;
	v0 =	vadd.s32 $0x3, v1  }
0x201: {  	[tilespmem:$0x390] =	vst v0;
	v0 =	vadd.s32 $0x4, v1;
	v1 =	vmul.u32 $0x5, v2;
	v2 =	vld [tilespmem:$0x130]  }
0x202: {  	[tilespmem:$0x410] =	vst v0  }
0x203: {  	[tilespmem:$0x220] =	vst v1;
	v0 =	vadd.s32 $0x1, v1  }
0x204: {  	[tilespmem:$0x2A0] =	vst v0;
	v0 =	vadd.s32 $0x2, v1  }
0x205: {  	[tilespmem:$0x320] =	vst v0;
	v0 =	vadd.s32 $0x3, v1  }
0x206: {  	[tilespmem:$0x3A0] =	vst v0;
	v0 =	vadd.s32 $0x4, v1;
	v1 =	vmul.u32 $0x5, v2;
	v2 =	vld [tilespmem:$0x140]  }
0x207: {  	[tilespmem:$0x420] =	vst v0  }
0x208: {  	[tilespmem:$0x230] =	vst v1;
	v0 =	vadd.s32 $0x1, v1  }
0x209: {  	[tilespmem:$0x2B0] =	vst v0;
	v0 =	vadd.s32 $0x2, v1  }
0x20a: {  	[tilespmem:$0x330] =	vst v0;
	v0 =	vadd.s32 $0x3, v1  }
0x20b: {  	[tilespmem:$0x3B0] =	vst v0;
	v0 =	vadd.s32 $0x4, v1;
	v1 =	vmul.u32 $0x5, v2;
	v2 =	vld [tilespmem:$0x150]  }
0x20c: {  	[tilespmem:$0x430] =	vst v0  }
0x20d: {  	[tilespmem:$0x240] =	vst v1;
	v0 =	vadd.s32 $0x1, v1  }
0x20e: {  	[tilespmem:$0x2C0] =	vst v0;
	v0 =	vadd.s32 $0x2, v1  }
0x20f: {  	[tilespmem:$0x340] =	vst v0;
	v0 =	vadd.s32 $0x3, v1  }
0x210: {  	[tilespmem:$0x3C0] =	vst v0;
	v0 =	vadd.s32 $0x4, v1;
	v1 =	vmul.u32 $0x5, v2;
	v2 =	vld [tilespmem:$0x160]  }
0x211: {  	[tilespmem:$0x440] =	vst v0  }
0x212: {  	[tilespmem:$0x250] =	vst v1;
	v0 =	vadd.s32 $0x1, v1  }
0x213: {  	[tilespmem:$0x2D0] =	vst v0;
	v0 =	vadd.s32 $0x2, v1  }
0x214: {  	[tilespmem:$0x350] =	vst v0;
	v0 =	vadd.s32 $0x3, v1  }
0x215: {  	[tilespmem:$0x3D0] =	vst v0;
	v0 =	vadd.s32 $0x4, v1;
	v1 =	vmul.u32 $0x5, v2;
	v2 =	vld [tilespmem:$0x170]  }
0x216: {  	[tilespmem:$0x450] =	vst v0  }
0x217: {  	[tilespmem:$0x260] =	vst v1;
	v0 =	vadd.s32 $0x1, v1  }
0x218: {  	[tilespmem:$0x2E0] =	vst v0;
	v0 =	vadd.s32 $0x2, v1  }
0x219: {  	[tilespmem:$0x360] =	vst v0;
	v0 =	vadd.s32 $0x3, v1  }
0x21a: {  	[tilespmem:$0x3E0] =	vst v0;
	v0 =	vadd.s32 $0x4, v1;
	v1 =	vmul.u32 $0x5, v2  }
0x21b: {  	[tilespmem:$0x460] =	vst v0  }
0x21c: {  	[tilespmem:$0x270] =	vst v1;
	v0 =	vadd.s32 $0x1, v1  }
0x21d: {  	[tilespmem:$0x2F0] =	vst v0;
	v0 =	vadd.s32 $0x2, v1  }
0x21e: {  	[tilespmem:$0x370] =	vst v0;
	v0 =	vadd.s32 $0x3, v1  }
0x21f: {  	[tilespmem:$0x3F0] =	vst v0;
	v0 =	vadd.s32 $0x4, v1  }
0x220: {  	[tilespmem:$0x470] =	vst v0  }
0x221: {  	[tilespmem:s17], [sflag:$0x2] =	stream.indirect.gather [hbm4b:s3+s15], $0x1, s16, s15, $0xb8;
	[tilespmem:$0xE700] =	vst v63  }
0x222: {  	_ =	swait.ge [sflag:s18], $0x280  }
0x223: {  	[sflag:s18] =	ssyncset.done $0x0  }
0x224: {  	[sflag:s18] =	ssyncadd.s32 $0xFFFFFD80  }
0x225: {  	[tilespmem:s19], [sflag:$0x2] =	stream.indirect.gather [hbm4b:s5+s15], $0x40, s17, s15, $0xb8;
	[tilespmem:$0xE700] =	vst v63  }
0x226: {  	_ =	swait.ge [sflag:s18], $0xA000  }
0x227: {  	[sflag:s18] =	ssyncset.done $0x0  }
0x228: {  	[sflag:s18] =	ssyncadd.s32 $0xFFFF6000  }
0x229: {  	_ =	swait.ge [sflag:s20], $0x2000  }
0x22a: {  	[sflag:s20] =	ssyncset.done $0x0  }
0x22b: {  	s25 =	simm.s32 $0x0;
	[sflag:s20] =	ssyncadd.s32 $0xFFFFE000  }
0x22c: {  	v0 =	vld [tilespmem:s25+$0xA700]  }
0x22d: {  	v1 =	vld [tilespmem:s25+$0x8720]  }
0x22e: {  	v2 =	vld [tilespmem:s25+$0x6720]  }
0x22f: {  	v3 =	vld [tilespmem:s25+$0x2730]  }
0x230: {  	v4 =	vld [tilespmem:s25+$0x4730]  }
0x231: {  	v5 =	vld [tilespmem:s25+$0x2720]  }
0x232: {  	v6 =	vld [tilespmem:s25+$0x4720]  }
0x233: {  	v7 =	vld [tilespmem:s25+$0x2700]  }
0x234: {  	v8 =	vld [tilespmem:s25+$0x4700]  }
0x235: {  	v9 =	vld [tilespmem:s25+$0x2710]  }
0x236: {  	v10 =	vld [tilespmem:s25+$0x4710]  }
0x237: {  	v11 =	vld [tilespmem:s25+$0x6700]  }
0x238: {  	v12 =	vld [tilespmem:s25+$0x6710]  }
0x239: {  	v13 =	vld [tilespmem:s25+$0x8700]  }
0x23a: {  	v14 =	vld [tilespmem:s25+$0x8710]  }
0x23b: {  	v7 =	vadd.f32 v8, v7;
	v8 =	vadd.f32 v10, v9;
	v9 =	vld [tilespmem:s25+$0x6730]  }
0x23c: {  	v5 =	vadd.f32 v6, v5;
	v6 =	vld [tilespmem:s25+$0xA710];
	v3 =	vadd.f32 v4, v3  }
0x23d: {  	v4 =	vld [tilespmem:s25+$0xA720];
	v7 =	vadd.f32 v11, v7;
	v8 =	vadd.f32 v12, v8  }
0x23e: {  	v10 =	vld [tilespmem:s25+$0x8730];
	v2 =	vadd.f32 v2, v5  }
0x23f: {  	v5 =	vadd.f32 v13, v7;
	v7 =	vadd.f32 v14, v8  }
0x240: {  	s26 =	simm.s32 $0x40;
	v2 =	vadd.f32 v1, v2;
	v8 =	vld [tilespmem:s25+$0xA730];
	v3 =	vadd.f32 v9, v3  }
0x241: {  	v15 =	vld [tilespmem:s26+$0x2710];
	v0 =	vadd.f32 v0, v5;
	v1 =	vadd.f32 v6, v7  }
0x242: {  	v16 =	vld [tilespmem:s26+$0x4710];
	v2 =	vadd.f32 v4, v2  }
0x243: {  	v17 =	vld [tilespmem:s26+$0x6700];
	v3 =	vadd.f32 v10, v3;
	v5 =	vmul.f32 v0, v0;
	v6 =	vmul.f32 v1, v1  }
0x244: {  	v18 =	vld [tilespmem:s26+$0x6710]  }
0x245: {  	v19 =	vld [tilespmem:s26+$0x8700];
	v9 =	vmul.f32 v2, v2;
	v5 =	vadd.f32 v6, v5;
	v6 =	vadd.f32 v8, v3  }
0x246: {  	v20 =	vld [tilespmem:s26+$0x8710]  }
0x247: {  	v30 =	vld [tilespmem:s26+$0x700];
	v5 =	vadd.f32 v9, v5;
	v9 =	vmul.f32 v6, v6  }
0x248: {  	v31 =	vld [tilespmem:s26+$0x710]  }
0x249: {  	v13 =	vld [tilespmem:s26+$0x2720];
	v5 =	vadd.f32 v9, v5  }
0x24a: {  	v14 =	vld [tilespmem:s26+$0x2700]  }
0x24b: {  	v10 =	vld [tilespmem:s26+$0x4730];
	(xrf2) =	vadd.scan.msk.f32 $0xffff, v5  }
0x24c: {  	v9 =	vld [tilespmem:s26+$0x4720]  }
0x24d: {  	v5 =	vld [tilespmem:s26+$0x4700]  }
0x24e: {  	v3 =	vld [tilespmem:s26+$0x6720]  }
0x24f: {  	v8 =	vld [tilespmem:s26+$0x2730]  }
0x250: {  	v7 =	vld [tilespmem:s26+$0x8720]  }
0x251: {  	v9 =	vadd.f32 v9, v13;
	v13 =	vadd.f32 v16, v15;
	v15 =	vld [tilespmem:s26+$0xA710]  }
0x252: {  	v5 =	vadd.f32 v5, v14;
	v14 =	vld [tilespmem:s26+$0x6730]  }
0x253: {  	v4 =	vld [tilespmem:s26+$0xA700];
	v3 =	vadd.f32 v3, v9;
	v9 =	vadd.f32 v18, v13  }
0x254: {  	v8 =	vadd.f32 v10, v8;
	v10 =	vld [tilespmem:s26+$0xA720];
	v5 =	vadd.f32 v17, v5  }
0x255: {  	s28 =	simm.s32 $0x80;
	v13 =	vld [tilespmem:s26+$0x8730];
	v9 =	vadd.f32 v20, v9;
	v7 =	vadd.f32 v7, v3;
	v16, _, _ =	vpop (xrf2)  }
0x256: {  	v21 =	vld [tilespmem:s28+$0x2710];
	v5 =	vadd.f32 v19, v5;
	(v2sf) =	vpush v16, $0xF  }
0x257: {  	v3 =	vadd.f32 v15, v9;
	v8 =	vadd.f32 v14, v8;
	v14 =	vld [tilespmem:s26+$0xA730]  }
0x258: {  	v22 =	vld [tilespmem:s28+$0x4710];
	v4 =	vadd.f32 v4, v5  }
0x259: {  	v23 =	vld [tilespmem:s28+$0x6700];
	v15 =	vmul.f32 v3, v3  }
0x25a: {  	v24 =	vld [tilespmem:s28+$0x6710];
	v5 =	vadd.f32 v10, v7;
	v8 =	vadd.f32 v13, v8;
	v9 =	vmul.f32 v4, v4  }
0x25b: {  	v25 =	vld [tilespmem:s28+$0x8700]  }
0x25c: {  	v26 =	vld [tilespmem:s28+$0x8710];
	v9 =	vadd.f32 v15, v9;
	v15 =	vmul.f32 v5, v5;
	v7 =	vadd.f32 v14, v8  }
0x25d: {  	v27 =	vld [tilespmem:s28+$0x6730]  }
0x25e: {  	v28 =	vld [tilespmem:s28+$0xA710];
	v9 =	vadd.f32 v15, v9;
	v15 =	vmul.f32 v7, v7  }
0x25f: {  	v59 =	vld [tilespmem:s28+$0xA720]  }
0x260: {  	v60 =	vld [tilespmem:s28+$0x700];
	v9 =	vadd.f32 v15, v9  }
0x261: {  	v61 =	vld [tilespmem:s28+$0x710]  }
0x262: {  	v20 =	vld [tilespmem:s28+$0x2700];
	(xrf2) =	vadd.scan.msk.f32 $0xffff, v9  }
0x263: {  	v19 =	vld [tilespmem:s28+$0x2720]  }
0x264: {  	v15 =	vld [tilespmem:s28+$0x4720]  }
0x265: {  	v9 =	vld [tilespmem:s28+$0x4700];
	s8 =	spop (v2sf)  }
0x266: {  	v62 =	vld [tilespmem:s28+$0x720];
	s0 =	smax.f32 s8, $1.000000020e-24  }
0x267: {  	v8 =	vld [tilespmem:s28+$0x6720];
	s9 =	sshra.s32 s0, $0x1;
	s0 =	smul.f32 $5.000000000e-01, s0  }
0x268: {  	v18 =	vld [tilespmem:s28+$0x4730];
	s1 =	ssub.s32 $0x5F3759DF, s9  }
0x269: {  	v21 =	vadd.f32 v22, v21;
	v14 =	vld [tilespmem:s28+$0x2730];
	s22 =	smul.f32 s1, s0  }
0x26a: {  	v17 =	vld [tilespmem:s28+$0x8720];
	v15 =	vadd.f32 v15, v19;
	v9 =	vadd.f32 v9, v20  }
0x26b: {  	s29 =	simm.s32 $0xC0;
	v10 =	vld [tilespmem:s28+$0xA700];
	v19 =	vadd.f32 v24, v21;
	s7 =	smul.f32 s1, s22  }
0x26c: {  	v32 =	vld [tilespmem:s29+$0x4710];
	v8 =	vadd.f32 v8, v15;
	v9 =	vadd.f32 v23, v9;
	v29, _, _ =	vpop (xrf2)  }
0x26d: {  	v20 =	vld [tilespmem:s28+$0x8730];
	v15 =	vadd.f32 v26, v19;
	(v2sf) =	vpush v29, $0xF;
	s7 =	ssub.f32 $1.500000000e+00, s7  }
0x26e: {  	v22 =	vld [tilespmem:s29+$0xA700];
	v14 =	vadd.f32 v18, v14;
	v9 =	vadd.f32 v25, v9  }
0x26f: {  	v17 =	vadd.f32 v17, v8;
	v8 =	vadd.f32 v28, v15;
	v29 =	vld [tilespmem:s28+$0xA730];
	s1 =	smul.f32 s1, s7  }
0x270: {  	v12 =	vld [tilespmem:s25+$0x700];
	v14 =	vadd.f32 v27, v14;
	v9 =	vadd.f32 v10, v9  }
0x271: {  	v11 =	vld [tilespmem:s25+$0x710];
	v18 =	vmul.f32 v8, v8;
	s7 =	smul.f32 s1, s0  }
0x272: {  	v16 =	vld [tilespmem:s25+$0x720];
	v14 =	vadd.f32 v20, v14;
	v10 =	vadd.f32 v59, v17;
	v15 =	vmul.f32 v9, v9  }
0x273: {  	v13 =	vld [tilespmem:s26+$0x720];
	s7 =	smul.f32 s7, s1  }
0x274: {  	v27 =	vld [tilespmem:s29+$0x2720];
	v15 =	vadd.f32 v18, v15;
	v18 =	vmul.f32 v10, v10;
	v20 =	vadd.f32 v29, v14  }
0x275: {  	v21 =	vld [tilespmem:s25+$0x730];
	s7 =	ssub.f32 $1.500000000e+00, s7  }
0x276: {  	v24 =	vld [tilespmem:s29+$0x6720];
	v17 =	vmul.f32 $5.000000000e-01, v12;
	v12 =	vadd.f32 v18, v15;
	v14 =	vmul.f32 v20, v20  }
0x277: {  	v26 =	vld [tilespmem:s29+$0x4730];
	s31 =	smul.f32 s7, s1  }
0x278: {  	v19 =	vmul.f32 $5.000000000e-01, v16;
	v16 =	vmul.f32 $5.000000000e-01, v31;
	v31 =	vld [tilespmem:s29+$0x2710];
	v63 =	vadd.f32 v14, v12  }
0x279: {  	v23 =	vld [tilespmem:s29+$0x8720];
	s0 =	smul.f32 s31, s0  }
0x27a: {  	v28 =	vld [tilespmem:s29+$0x4720];
	(xrf2) =	vadd.scan.msk.f32 $0xffff, v63  }
0x27b: {  	v25 =	vld [tilespmem:s29+$0x2730];
	v18 =	vmul.f32 $5.000000000e-01, v11;
	v15 =	vmul.f32 $5.000000000e-01, v30;
	s1 =	smul.f32 s0, s31  }
0x27c: {  	v29 =	vld [tilespmem:s29+$0x2700];
	v11 =	vmul.f32 $5.000000000e-01, v62;
	v14 =	vmul.f32 $5.000000000e-01, v13;
	s23 =	spop (v2sf)  }
0x27d: {  	s30 =	simm.s32 $0x400;
	v30 =	vld [tilespmem:s29+$0x4700];
	v13 =	vmul.f32 $5.000000000e-01, v60;
	v12 =	vmul.f32 $5.000000000e-01, v61;
	s0 =	smax.f32 s23, $1.000000020e-24;
	s1 =	ssub.f32 $1.500000000e+00, s1  }
.LBB2_6:
0x27e: {  	p0 =	sne.s32 s30, $0x7F00;
	v33 =	vld [tilespmem:s29+$0x6700];
	s7 =	sshra.s32 s0, $0x1;
	s0 =	smul.f32 $5.000000000e-01, s0  }
0x27f: {  	v34 =	vld [tilespmem:s29+$0x6710];
	s7 =	ssub.s32 $0x5F3759DF, s7;
	s1 =	smul.f32 s1, s31  }
0x280: {  	v35 =	vld [tilespmem:s29+$0x8700];
	s8 =	smul.f32 s7, s0  }
0x281: {  	v27 =	vadd.f32 v28, v27;
	v36 =	vld [tilespmem:s29+$0x8710];
	s1 =	smul.f32 $5.000000000e-01, s1  }
0x282: {  	v21 =	vmul.f32 $5.000000000e-01, v21;
	v28 =	vadd.f32 v30, v29;
	v32 =	vadd.f32 v32, v31;
	v30 =	vld [tilespmem:s29+$0x6730]  }
0x283: {  	v25 =	vadd.f32 v26, v25;
	v24 =	vadd.f32 v24, v27;
	s8 =	smul.f32 s7, s8;
	v31 =	vld [tilespmem:s29+$0xA710];
	v26 =	vmul.f32 s1, v6;
	v6 =	vmovc v7;
	v7 =	vmovc v20  }
0x284: {  	v20 =	vadd.f32 v33, v28;
	v27 =	vadd.f32 v34, v32;
	v28 =	vld [tilespmem:s29+$0x8730];
	v29, _, _ =	vpop (xrf2);
	v32 =	vmul.f32 s1, v0  }
0x285: {  	s8 =	ssub.f32 $1.500000000e+00, s8;
	v0 =	vmovc v4;
	v4 =	vmovc v9;
	v33 =	vld [tilespmem:s29+$0xA720];
	(v2sf) =	vpush v29, $0xF;
	v29 =	vmul.f32 s1, v1;
	v21 =	vadd.f32 v26, v21  }
0x286: {  	v9 =	vadd.f32 v35, v20;
	v1 =	vmovc v3;
	v3 =	vmovc v8;
	v20 =	vadd.f32 v36, v27;
	v26 =	vld [tilespmem:s29+$0x700];
	v27 =	vmul.f32 s1, v2  }
0x287: {  	v23 =	vadd.f32 v23, v24;
	s1 =	smul.f32 s7, s8;
	v2 =	vmovc v5;
	v5 =	vmov v10;
	v24 =	vadd.f32 v30, v25;
	v25 =	vld [tilespmem:s29+$0xA730];
	[tilespmem:s25+$0xC730] =	vst v21  }
0x288: {  	v9 =	vadd.f32 v22, v9;
	v8 =	vadd.f32 v31, v20;
	v30 =	vld [tilespmem:s29+$0x710]  }
0x289: {  	s7 =	smul.f32 s1, s0;
	v20 =	vadd.f32 v28, v24;
	v28 =	vld [tilespmem:s29+$0x720];
	v24 =	vadd.f32 v32, v17;
	v17 =	vmovc v15;
	v15 =	vmov v13  }
0x28a: {  	s8 =	sshra.s32 s30, $0x2;
	v31 =	vmul.f32 v9, v9;
	v32 =	vmul.f32 v8, v8;
	v10 =	vadd.f32 v33, v23;
	v21 =	vld [tilespmem:s26+$0x730]  }
0x28b: {  	v27 =	vadd.f32 v27, v19;
	s7 =	smul.f32 s7, s1;
	v22 =	vld [tilespmem:s8+$0xA700];
	v13 =	vmul.f32 $5.000000000e-01, v26;
	[tilespmem:s25+$0xC700] =	vst v24;
	v26 =	vadd.f32 v29, v18;
	v18 =	vmovc v16  }
0x28c: {  	v16 =	vmovc v12;
	v23 =	vld [tilespmem:s8+$0x8720];
	v29 =	vadd.f32 v32, v31;
	v31 =	vmul.f32 v10, v10;
	v20 =	vadd.f32 v25, v20  }
0x28d: {  	v19 =	vmov v14;
	v14 =	vmov v11;
	s7 =	ssub.f32 $1.500000000e+00, s7;
	v24 =	vld [tilespmem:s8+$0x6720];
	v12 =	vmul.f32 $5.000000000e-01, v30;
	[tilespmem:s25+$0xC710] =	vst v26  }
0x28e: {  	v25 =	vld [tilespmem:s8+$0x2730];
	[tilespmem:s25+$0xC720] =	vst v27;
	s25 =	smov.u32 s26  }
0x28f: {  	v29 =	vadd.f32 v31, v29;
	v30 =	vmul.f32 v20, v20;
	v11 =	vmul.f32 $5.000000000e-01, v28;
	s26 =	smov.u32 s28;
	s28 =	smov.u32 s29;
	s31 =	smul.f32 s7, s1  }
0x290: {  	s29 =	smov.u32 s8;
	v26 =	vld [tilespmem:s8+$0x4730]  }
0x291: {  	v27 =	vld [tilespmem:s29+$0x2720];
	v30 =	vadd.f32 v30, v29;
	s0 =	smul.f32 s31, s0  }
.Ltmp2:
0x292: {  	v28 =	vld [tilespmem:s29+$0x4720];
	(pc) =	sbr.rel @p0 .LBB2_6-.Ltmp2, $4  }
0x293: {  	v29 =	vld [tilespmem:s29+$0x2700];
	(xrf2) =	vadd.scan.msk.f32 $0xffff, v30  }
0x294: {  	s1 =	smul.f32 s0, s31;
	v30 =	vld [tilespmem:s29+$0x4700]  }
0x295: {  	v31 =	vld [tilespmem:s29+$0x2710];
	s0 =	spop (v2sf)  }
0x296: {  	s30 =	sadd.s32 $0x100, s30;
	s1 =	ssub.f32 $1.500000000e+00, s1;
	v32 =	vld [tilespmem:s29+$0x4710];
	s0 =	smax.f32 s0, $1.000000020e-24  }
0x297: {  	v33 =	vld [tilespmem:s29+$0x6700]  }
0x298: {  	v34 =	vld [tilespmem:s29+$0x6710]  }
0x299: {  	v35 =	vld [tilespmem:s29+$0x8700]  }
0x29a: {  	v36 =	vld [tilespmem:s29+$0x8710]  }
0x29b: {  	v29 =	vadd.f32 v30, v29;
	v30 =	vadd.f32 v32, v31;
	v31 =	vld [tilespmem:s29+$0x6730]  }
0x29c: {  	v27 =	vadd.f32 v28, v27;
	v28 =	vld [tilespmem:s29+$0xA710];
	v25 =	vadd.f32 v26, v25  }
0x29d: {  	v26 =	vld [tilespmem:s29+$0xA720];
	v29 =	vadd.f32 v33, v29;
	v30 =	vadd.f32 v34, v30  }
0x29e: {  	v58 =	vld [tilespmem:s29+$0x8730];
	v24 =	vadd.f32 v24, v27  }
0x29f: {  	v27 =	vadd.f32 v35, v29;
	v29 =	vadd.f32 v36, v30  }
0x2a0: {  	v23 =	vadd.f32 v23, v24;
	v24 =	vadd.f32 v31, v25;
	v25 =	vld [tilespmem:s29+$0xA730]  }
0x2a1: {  	v22 =	vadd.f32 v22, v27;
	v27 =	vadd.f32 v28, v29  }
0x2a2: {  	v23 =	vadd.f32 v26, v23  }
0x2a3: {  	v24 =	vadd.f32 v58, v24;
	v28 =	vmul.f32 v22, v22;
	v29 =	vmul.f32 v27, v27;
	_ =	sdelay $0x1  }
0x2a4: {  	v26 =	vadd.f32 v29, v28;
	v28 =	vmul.f32 v23, v23;
	v24 =	vadd.f32 v25, v24;
	_ =	sdelay $0x1  }
0x2a5: {  	v25 =	vadd.f32 v28, v26;
	v26 =	vmul.f32 v24, v24;
	_ =	sdelay $0x2  }
0x2a6: {  	v25 =	vadd.f32 v26, v25  }
0x2a7: {  	v26, _, _ =	vpop (xrf2)  }
0x2a8: {  	(xrf2) =	vadd.scan.msk.f32 $0xffff, v25;
	(v2sf) =	vpush v26, $0xF;
	_ =	sdelay $0x5  }
0x2a9: {  	s7 =	sshra.s32 s0, $0x1;
	s0 =	smul.f32 $5.000000000e-01, s0  }
0x2aa: {  	s7 =	ssub.s32 $0x5F3759DF, s7  }
0x2ab: {  	s8 =	smul.f32 s7, s0;
	_ =	sdelay $0x1  }
0x2ac: {  	s8 =	smul.f32 s7, s8;
	v25, _, _ =	vpop (xrf2)  }
0x2ad: {  	(v2sf) =	vpush v25, $0xF  }
0x2ae: {  	s8 =	ssub.f32 $1.500000000e+00, s8;
	_ =	sdelay $0x1  }
0x2af: {  	s7 =	smul.f32 s7, s8  }
0x2b0: {  	s22 =	spop (v2sf)  }
0x2b1: {  	s9 =	smul.f32 s7, s0;
	s8 =	smax.f32 s22, $1.000000020e-24  }
0x2b2: {  	s22 =	sshra.s32 s8, $0x1;
	s8 =	smul.f32 $5.000000000e-01, s8  }
0x2b3: {  	s9 =	smul.f32 s9, s7;
	s22 =	ssub.s32 $0x5F3759DF, s22  }
0x2b4: {  	s23 =	smul.f32 s22, s8  }
0x2b5: {  	s1 =	smul.f32 s1, s31;
	s9 =	ssub.f32 $1.500000000e+00, s9  }
0x2b6: {  	s23 =	smul.f32 s22, s23  }
0x2b7: {  	s7 =	smul.f32 s9, s7  }
0x2b8: {  	s1 =	smul.f32 $5.000000000e-01, s1;
	s23 =	ssub.f32 $1.500000000e+00, s23  }
0x2b9: {  	s0 =	smul.f32 s7, s0  }
0x2ba: {  	s9 =	smul.f32 s22, s23  }
0x2bb: {  	v21 =	vmul.f32 $5.000000000e-01, v21;
	v6 =	vmul.f32 s1, v6;
	s0 =	smul.f32 s0, s7;
	s22 =	spop (v2sf)  }
0x2bc: {  	s22 =	smax.f32 s22, $1.000000020e-24;
	s23 =	smul.f32 s9, s8  }
0x2bd: {  	v6 =	vadd.f32 v6, v21;
	s30 =	sshra.s32 s22, $0x1;
	s22 =	smul.f32 $5.000000000e-01, s22  }
0x2be: {  	s0 =	ssub.f32 $1.500000000e+00, s0;
	s30 =	ssub.s32 $0x5F3759DF, s30;
	s23 =	smul.f32 s23, s9  }
0x2bf: {  	v21 =	vld [tilespmem:s29+$0x700];
	[tilespmem:s25+$0xC730] =	vst v6;
	s31 =	smul.f32 s30, s22  }
0x2c0: {  	v6 =	vld [tilespmem:s26+$0x730];
	s0 =	smul.f32 s0, s7;
	s7 =	ssub.f32 $1.500000000e+00, s23  }
0x2c1: {  	s23 =	smul.f32 s30, s31  }
0x2c2: {  	v0 =	vmul.f32 s1, v0;
	s7 =	smul.f32 s7, s9  }
0x2c3: {  	v1 =	vmul.f32 s1, v1;
	s0 =	smul.f32 $5.000000000e-01, s0;
	s23 =	ssub.f32 $1.500000000e+00, s23  }
0x2c4: {  	v2 =	vmul.f32 s1, v2;
	v0 =	vadd.f32 v0, v17;
	s8 =	smul.f32 s7, s8  }
0x2c5: {  	v1 =	vadd.f32 v1, v18;
	v17 =	vld [tilespmem:s29+$0x720];
	v6 =	vmul.f32 $5.000000000e-01, v6;
	v7 =	vmul.f32 s0, v7;
	s23 =	smul.f32 s30, s23  }
0x2c6: {  	v25 =	vld [tilespmem:s29+$0x710];
	[tilespmem:s25+$0xC700] =	vst v0;
	v0 =	vadd.f32 v2, v19;
	s1 =	smul.f32 s8, s7  }
0x2c7: {  	[tilespmem:s25+$0xC710] =	vst v1;
	v1 =	vadd.f32 v7, v6;
	s9 =	smul.f32 s23, s22  }
0x2c8: {  	[tilespmem:s25+$0xC720] =	vst v0;
	s1 =	ssub.f32 $1.500000000e+00, s1  }
0x2c9: {  	[tilespmem:s26+$0xC730] =	vst v1;
	s9 =	smul.f32 s9, s23  }
0x2ca: {  	v0 =	vld [tilespmem:s28+$0x730];
	s1 =	smul.f32 s1, s7  }
0x2cb: {  	s9 =	ssub.f32 $1.500000000e+00, s9  }
0x2cc: {  	v1 =	vmul.f32 s0, v4;
	s1 =	smul.f32 $5.000000000e-01, s1  }
0x2cd: {  	v2 =	vmul.f32 s0, v3;
	s7 =	smul.f32 s9, s23  }
0x2ce: {  	v3 =	vmul.f32 s0, v5;
	v1 =	vadd.f32 v1, v15  }
0x2cf: {  	v2 =	vadd.f32 v2, v16;
	v0 =	vmul.f32 $5.000000000e-01, v0;
	v4 =	vmul.f32 s1, v20;
	s23 =	smul.f32 s7, s22  }
0x2d0: {  	[tilespmem:s26+$0xC700] =	vst v1;
	v1 =	vadd.f32 v3, v14  }
0x2d1: {  	[tilespmem:s26+$0xC710] =	vst v2;
	v0 =	vadd.f32 v4, v0;
	s0 =	smul.f32 s23, s7  }
0x2d2: {  	[tilespmem:s26+$0xC720] =	vst v1  }
0x2d3: {  	[tilespmem:s28+$0xC730] =	vst v0;
	s0 =	ssub.f32 $1.500000000e+00, s0  }
0x2d4: {  	v0 =	vld [tilespmem:s29+$0x730]  }
0x2d5: {  	s0 =	smul.f32 s0, s7  }
0x2d6: {  	v1 =	vmul.f32 s1, v9  }
0x2d7: {  	v2 =	vmul.f32 s1, v8;
	s0 =	smul.f32 $5.000000000e-01, s0  }
0x2d8: {  	v3 =	vmul.f32 s1, v10;
	v1 =	vadd.f32 v1, v13  }
0x2d9: {  	v2 =	vadd.f32 v2, v12;
	v0 =	vmul.f32 $5.000000000e-01, v0;
	v4 =	vmul.f32 s0, v24  }
0x2da: {  	v5 =	vmul.f32 $5.000000000e-01, v21;
	[tilespmem:s28+$0xC700] =	vst v1;
	v1 =	vadd.f32 v3, v11;
	v3 =	vmul.f32 s0, v22  }
0x2db: {  	v6 =	vmul.f32 $5.000000000e-01, v25;
	[tilespmem:s28+$0xC710] =	vst v2;
	v2 =	vmul.f32 s0, v27;
	v0 =	vadd.f32 v4, v0  }
0x2dc: {  	[tilespmem:s28+$0xC720] =	vst v1;
	v1 =	vmul.f32 s0, v23;
	v4 =	vmul.f32 $5.000000000e-01, v17;
	v3 =	vadd.f32 v3, v5  }
0x2dd: {  	[tilespmem:s29+$0xC730] =	vst v0;
	v0 =	vadd.f32 v2, v6  }
0x2de: {  	[tilespmem:s29+$0xC700] =	vst v3;
	v1 =	vadd.f32 v1, v4  }
0x2df: {  	[tilespmem:s29+$0xC710] =	vst v0  }
0x2e0: {  	s25 =	simm.s32 $0x0;
	s26 =	rddreg [dreg:$0x6];
	[tilespmem:s29+$0xC720] =	vst v1  }
0x2e1: {  	[hbm4b:s26+s25] =	stream.linear.scatter [tilespmem:s21], [sflag:$0x3], $0x2000, $0x38;
	[tilespmem:$0xE700] =	vst v63  }
0x2e2: {  	_ =	swait.ge [sflag:s12], $0x2000  }
0x2e3: {  	[sflag:s12] =	ssyncset.done $0x0  }
0x2e4: {  	s7 =	simm.s32 $0x180;
	[sflag:s12] =	ssyncadd.s32 $0xFFFFE000  }
0x2e5: {  	[tilespmem:s14], [sflag:$0x1] =	stream.indirect.gather [hbm4b:s4+s13], $0x40, s7, s13, $0xb8;
	[tilespmem:$0xE700] =	vst v63  }
0x2e6: {  	v0 =	vld [tilespmem:$0x180];
	_ =	sdelay $0x3  }
0x2e7: {  	v1 =	vld [tilespmem:$0x190]  }
0x2e8: {  	v0 =	vmul.u32 $0x5, v0;
	_ =	sdelay $0x1  }
0x2e9: {  	[tilespmem:$0x200] =	vst v0;
	v2 =	vadd.s32 $0x1, v0  }
0x2ea: {  	[tilespmem:$0x280] =	vst v2;
	v2 =	vadd.s32 $0x2, v0  }
0x2eb: {  	v1 =	vmul.u32 $0x5, v1;
	[tilespmem:$0x300] =	vst v2;
	v2 =	vadd.s32 $0x3, v0  }
0x2ec: {  	[tilespmem:$0x380] =	vst v2;
	v2 =	vld [tilespmem:$0x1A0]  }
0x2ed: {  	[tilespmem:$0x210] =	vst v1;
	v0 =	vadd.s32 $0x4, v0  }
0x2ee: {  	[tilespmem:$0x400] =	vst v0;
	v0 =	vadd.s32 $0x1, v1  }
0x2ef: {  	[tilespmem:$0x290] =	vst v0;
	v0 =	vadd.s32 $0x2, v1  }
0x2f0: {  	[tilespmem:$0x310] =	vst v0;
	v0 =	vadd.s32 $0x3, v1  }
0x2f1: {  	[tilespmem:$0x390] =	vst v0;
	v0 =	vadd.s32 $0x4, v1;
	v1 =	vmul.u32 $0x5, v2;
	v2 =	vld [tilespmem:$0x1B0]  }
0x2f2: {  	[tilespmem:$0x410] =	vst v0  }
0x2f3: {  	[tilespmem:$0x220] =	vst v1;
	v0 =	vadd.s32 $0x1, v1  }
0x2f4: {  	[tilespmem:$0x2A0] =	vst v0;
	v0 =	vadd.s32 $0x2, v1  }
0x2f5: {  	[tilespmem:$0x320] =	vst v0;
	v0 =	vadd.s32 $0x3, v1  }
0x2f6: {  	[tilespmem:$0x3A0] =	vst v0;
	v0 =	vadd.s32 $0x4, v1;
	v1 =	vmul.u32 $0x5, v2;
	v2 =	vld [tilespmem:$0x1C0]  }
0x2f7: {  	[tilespmem:$0x420] =	vst v0  }
0x2f8: {  	[tilespmem:$0x230] =	vst v1;
	v0 =	vadd.s32 $0x1, v1  }
0x2f9: {  	[tilespmem:$0x2B0] =	vst v0;
	v0 =	vadd.s32 $0x2, v1  }
0x2fa: {  	[tilespmem:$0x330] =	vst v0;
	v0 =	vadd.s32 $0x3, v1  }
0x2fb: {  	[tilespmem:$0x3B0] =	vst v0;
	v0 =	vadd.s32 $0x4, v1;
	v1 =	vmul.u32 $0x5, v2;
	v2 =	vld [tilespmem:$0x1D0]  }
0x2fc: {  	[tilespmem:$0x430] =	vst v0  }
0x2fd: {  	[tilespmem:$0x240] =	vst v1;
	v0 =	vadd.s32 $0x1, v1  }
0x2fe: {  	[tilespmem:$0x2C0] =	vst v0;
	v0 =	vadd.s32 $0x2, v1  }
0x2ff: {  	[tilespmem:$0x340] =	vst v0;
	v0 =	vadd.s32 $0x3, v1  }
0x300: {  	[tilespmem:$0x3C0] =	vst v0;
	v0 =	vadd.s32 $0x4, v1;
	v1 =	vmul.u32 $0x5, v2;
	v2 =	vld [tilespmem:$0x1E0]  }
0x301: {  	[tilespmem:$0x440] =	vst v0  }
0x302: {  	[tilespmem:$0x250] =	vst v1;
	v0 =	vadd.s32 $0x1, v1  }
0x303: {  	[tilespmem:$0x2D0] =	vst v0;
	v0 =	vadd.s32 $0x2, v1  }
0x304: {  	[tilespmem:$0x350] =	vst v0;
	v0 =	vadd.s32 $0x3, v1  }
0x305: {  	[tilespmem:$0x3D0] =	vst v0;
	v0 =	vadd.s32 $0x4, v1;
	v1 =	vmul.u32 $0x5, v2;
	v2 =	vld [tilespmem:$0x1F0]  }
0x306: {  	[tilespmem:$0x450] =	vst v0  }
0x307: {  	[tilespmem:$0x260] =	vst v1;
	v0 =	vadd.s32 $0x1, v1  }
0x308: {  	[tilespmem:$0x2E0] =	vst v0;
	v0 =	vadd.s32 $0x2, v1  }
0x309: {  	[tilespmem:$0x360] =	vst v0;
	v0 =	vadd.s32 $0x3, v1  }
0x30a: {  	[tilespmem:$0x3E0] =	vst v0;
	v0 =	vadd.s32 $0x4, v1;
	v1 =	vmul.u32 $0x5, v2  }
0x30b: {  	[tilespmem:$0x460] =	vst v0  }
0x30c: {  	[tilespmem:$0x270] =	vst v1;
	v0 =	vadd.s32 $0x1, v1  }
0x30d: {  	[tilespmem:$0x2F0] =	vst v0;
	v0 =	vadd.s32 $0x2, v1  }
0x30e: {  	[tilespmem:$0x370] =	vst v0;
	v0 =	vadd.s32 $0x3, v1  }
0x30f: {  	[tilespmem:$0x3F0] =	vst v0;
	v0 =	vadd.s32 $0x4, v1  }
0x310: {  	[tilespmem:$0x470] =	vst v0  }
0x311: {  	[tilespmem:s17], [sflag:$0x2] =	stream.indirect.gather [hbm4b:s3+s15], $0x1, s16, s15, $0xb8;
	[tilespmem:$0xE700] =	vst v63  }
0x312: {  	_ =	swait.ge [sflag:s18], $0x280  }
0x313: {  	[sflag:s18] =	ssyncset.done $0x0  }
0x314: {  	[sflag:s18] =	ssyncadd.s32 $0xFFFFFD80  }
0x315: {  	[tilespmem:s19], [sflag:$0x2] =	stream.indirect.gather [hbm4b:s5+s15], $0x40, s17, s15, $0xb8;
	[tilespmem:$0xE700] =	vst v63  }
0x316: {  	_ =	swait.ge [sflag:s18], $0xA000  }
0x317: {  	[sflag:s18] =	ssyncset.done $0x0  }
0x318: {  	[sflag:s18] =	ssyncadd.s32 $0xFFFF6000  }
0x319: {  	_ =	swait.ge [sflag:s20], $0x2000  }
0x31a: {  	[sflag:s20] =	ssyncset.done $0x0  }
0x31b: {  	s25 =	simm.s32 $0x0;
	[sflag:s20] =	ssyncadd.s32 $0xFFFFE000  }
0x31c: {  	v0 =	vld [tilespmem:s25+$0xA700]  }
0x31d: {  	v1 =	vld [tilespmem:s25+$0x8720]  }
0x31e: {  	v2 =	vld [tilespmem:s25+$0x6720]  }
0x31f: {  	v3 =	vld [tilespmem:s25+$0x2730]  }
0x320: {  	v4 =	vld [tilespmem:s25+$0x4730]  }
0x321: {  	v5 =	vld [tilespmem:s25+$0x2720]  }
0x322: {  	v6 =	vld [tilespmem:s25+$0x4720]  }
0x323: {  	v7 =	vld [tilespmem:s25+$0x2700]  }
0x324: {  	v8 =	vld [tilespmem:s25+$0x4700]  }
0x325: {  	v9 =	vld [tilespmem:s25+$0x2710]  }
0x326: {  	v10 =	vld [tilespmem:s25+$0x4710]  }
0x327: {  	v11 =	vld [tilespmem:s25+$0x6700]  }
0x328: {  	v12 =	vld [tilespmem:s25+$0x6710]  }
0x329: {  	v13 =	vld [tilespmem:s25+$0x8700]  }
0x32a: {  	v14 =	vld [tilespmem:s25+$0x8710]  }
0x32b: {  	v7 =	vadd.f32 v8, v7;
	v8 =	vadd.f32 v10, v9;
	v9 =	vld [tilespmem:s25+$0x6730]  }
0x32c: {  	v5 =	vadd.f32 v6, v5;
	v6 =	vld [tilespmem:s25+$0xA710];
	v3 =	vadd.f32 v4, v3  }
0x32d: {  	v4 =	vld [tilespmem:s25+$0xA720];
	v7 =	vadd.f32 v11, v7;
	v8 =	vadd.f32 v12, v8  }
0x32e: {  	v10 =	vld [tilespmem:s25+$0x8730];
	v2 =	vadd.f32 v2, v5  }
0x32f: {  	v5 =	vadd.f32 v13, v7;
	v7 =	vadd.f32 v14, v8  }
0x330: {  	s26 =	simm.s32 $0x40;
	v2 =	vadd.f32 v1, v2;
	v8 =	vld [tilespmem:s25+$0xA730];
	v3 =	vadd.f32 v9, v3  }
0x331: {  	v15 =	vld [tilespmem:s26+$0x2710];
	v0 =	vadd.f32 v0, v5;
	v1 =	vadd.f32 v6, v7  }
0x332: {  	v16 =	vld [tilespmem:s26+$0x4710];
	v2 =	vadd.f32 v4, v2  }
0x333: {  	v17 =	vld [tilespmem:s26+$0x6700];
	v3 =	vadd.f32 v10, v3;
	v5 =	vmul.f32 v0, v0;
	v6 =	vmul.f32 v1, v1  }
0x334: {  	v18 =	vld [tilespmem:s26+$0x6710]  }
0x335: {  	v19 =	vld [tilespmem:s26+$0x8700];
	v9 =	vmul.f32 v2, v2;
	v5 =	vadd.f32 v6, v5;
	v6 =	vadd.f32 v8, v3  }
0x336: {  	v20 =	vld [tilespmem:s26+$0x8710]  }
0x337: {  	v30 =	vld [tilespmem:s26+$0x700];
	v5 =	vadd.f32 v9, v5;
	v9 =	vmul.f32 v6, v6  }
0x338: {  	v31 =	vld [tilespmem:s26+$0x710]  }
0x339: {  	v13 =	vld [tilespmem:s26+$0x2720];
	v5 =	vadd.f32 v9, v5  }
0x33a: {  	v14 =	vld [tilespmem:s26+$0x2700]  }
0x33b: {  	v10 =	vld [tilespmem:s26+$0x4730];
	(xrf2) =	vadd.scan.msk.f32 $0xffff, v5  }
0x33c: {  	v9 =	vld [tilespmem:s26+$0x4720]  }
0x33d: {  	v5 =	vld [tilespmem:s26+$0x4700]  }
0x33e: {  	v3 =	vld [tilespmem:s26+$0x6720]  }
0x33f: {  	v8 =	vld [tilespmem:s26+$0x2730]  }
0x340: {  	v7 =	vld [tilespmem:s26+$0x8720]  }
0x341: {  	v9 =	vadd.f32 v9, v13;
	v13 =	vadd.f32 v16, v15;
	v15 =	vld [tilespmem:s26+$0xA710]  }
0x342: {  	v5 =	vadd.f32 v5, v14;
	v14 =	vld [tilespmem:s26+$0x6730]  }
0x343: {  	v4 =	vld [tilespmem:s26+$0xA700];
	v3 =	vadd.f32 v3, v9;
	v9 =	vadd.f32 v18, v13  }
0x344: {  	v8 =	vadd.f32 v10, v8;
	v10 =	vld [tilespmem:s26+$0xA720];
	v5 =	vadd.f32 v17, v5  }
0x345: {  	s28 =	simm.s32 $0x80;
	v13 =	vld [tilespmem:s26+$0x8730];
	v9 =	vadd.f32 v20, v9;
	v7 =	vadd.f32 v7, v3;
	v16, _, _ =	vpop (xrf2)  }
0x346: {  	v21 =	vld [tilespmem:s28+$0x2710];
	v5 =	vadd.f32 v19, v5;
	(v2sf) =	vpush v16, $0xF  }
0x347: {  	v3 =	vadd.f32 v15, v9;
	v8 =	vadd.f32 v14, v8;
	v14 =	vld [tilespmem:s26+$0xA730]  }
0x348: {  	v22 =	vld [tilespmem:s28+$0x4710];
	v4 =	vadd.f32 v4, v5  }
0x349: {  	v23 =	vld [tilespmem:s28+$0x6700];
	v15 =	vmul.f32 v3, v3  }
0x34a: {  	v24 =	vld [tilespmem:s28+$0x6710];
	v5 =	vadd.f32 v10, v7;
	v8 =	vadd.f32 v13, v8;
	v9 =	vmul.f32 v4, v4  }
0x34b: {  	v25 =	vld [tilespmem:s28+$0x8700]  }
0x34c: {  	v26 =	vld [tilespmem:s28+$0x8710];
	v9 =	vadd.f32 v15, v9;
	v15 =	vmul.f32 v5, v5;
	v7 =	vadd.f32 v14, v8  }
0x34d: {  	v27 =	vld [tilespmem:s28+$0x6730]  }
0x34e: {  	v28 =	vld [tilespmem:s28+$0xA710];
	v9 =	vadd.f32 v15, v9;
	v15 =	vmul.f32 v7, v7  }
0x34f: {  	v59 =	vld [tilespmem:s28+$0xA720]  }
0x350: {  	v60 =	vld [tilespmem:s28+$0x700];
	v9 =	vadd.f32 v15, v9  }
0x351: {  	v61 =	vld [tilespmem:s28+$0x710]  }
0x352: {  	v20 =	vld [tilespmem:s28+$0x2700];
	(xrf2) =	vadd.scan.msk.f32 $0xffff, v9  }
0x353: {  	v19 =	vld [tilespmem:s28+$0x2720]  }
0x354: {  	v15 =	vld [tilespmem:s28+$0x4720]  }
0x355: {  	v9 =	vld [tilespmem:s28+$0x4700];
	s8 =	spop (v2sf)  }
0x356: {  	v62 =	vld [tilespmem:s28+$0x720];
	s0 =	smax.f32 s8, $1.000000020e-24  }
0x357: {  	v8 =	vld [tilespmem:s28+$0x6720];
	s9 =	sshra.s32 s0, $0x1;
	s0 =	smul.f32 $5.000000000e-01, s0  }
0x358: {  	v18 =	vld [tilespmem:s28+$0x4730];
	s1 =	ssub.s32 $0x5F3759DF, s9  }
0x359: {  	v21 =	vadd.f32 v22, v21;
	v14 =	vld [tilespmem:s28+$0x2730];
	s22 =	smul.f32 s1, s0  }
0x35a: {  	v17 =	vld [tilespmem:s28+$0x8720];
	v15 =	vadd.f32 v15, v19;
	v9 =	vadd.f32 v9, v20  }
0x35b: {  	s29 =	simm.s32 $0xC0;
	v10 =	vld [tilespmem:s28+$0xA700];
	v19 =	vadd.f32 v24, v21;
	s7 =	smul.f32 s1, s22  }
0x35c: {  	v32 =	vld [tilespmem:s29+$0x4710];
	v8 =	vadd.f32 v8, v15;
	v9 =	vadd.f32 v23, v9;
	v29, _, _ =	vpop (xrf2)  }
0x35d: {  	v20 =	vld [tilespmem:s28+$0x8730];
	v15 =	vadd.f32 v26, v19;
	(v2sf) =	vpush v29, $0xF;
	s7 =	ssub.f32 $1.500000000e+00, s7  }
0x35e: {  	v22 =	vld [tilespmem:s29+$0xA700];
	v14 =	vadd.f32 v18, v14;
	v9 =	vadd.f32 v25, v9  }
0x35f: {  	v17 =	vadd.f32 v17, v8;
	v8 =	vadd.f32 v28, v15;
	v29 =	vld [tilespmem:s28+$0xA730];
	s1 =	smul.f32 s1, s7  }
0x360: {  	v12 =	vld [tilespmem:s25+$0x700];
	v14 =	vadd.f32 v27, v14;
	v9 =	vadd.f32 v10, v9  }
0x361: {  	v11 =	vld [tilespmem:s25+$0x710];
	v18 =	vmul.f32 v8, v8;
	s7 =	smul.f32 s1, s0  }
0x362: {  	v16 =	vld [tilespmem:s25+$0x720];
	v14 =	vadd.f32 v20, v14;
	v10 =	vadd.f32 v59, v17;
	v15 =	vmul.f32 v9, v9  }
0x363: {  	v13 =	vld [tilespmem:s26+$0x720];
	s7 =	smul.f32 s7, s1  }
0x364: {  	v27 =	vld [tilespmem:s29+$0x2720];
	v15 =	vadd.f32 v18, v15;
	v18 =	vmul.f32 v10, v10;
	v20 =	vadd.f32 v29, v14  }
0x365: {  	v21 =	vld [tilespmem:s25+$0x730];
	s7 =	ssub.f32 $1.500000000e+00, s7  }
0x366: {  	v24 =	vld [tilespmem:s29+$0x6720];
	v17 =	vmul.f32 $5.000000000e-01, v12;
	v12 =	vadd.f32 v18, v15;
	v14 =	vmul.f32 v20, v20  }
0x367: {  	v26 =	vld [tilespmem:s29+$0x4730];
	s31 =	smul.f32 s7, s1  }
0x368: {  	v19 =	vmul.f32 $5.000000000e-01, v16;
	v16 =	vmul.f32 $5.000000000e-01, v31;
	v31 =	vld [tilespmem:s29+$0x2710];
	v63 =	vadd.f32 v14, v12  }
0x369: {  	v23 =	vld [tilespmem:s29+$0x8720];
	s0 =	smul.f32 s31, s0  }
0x36a: {  	v28 =	vld [tilespmem:s29+$0x4720];
	(xrf2) =	vadd.scan.msk.f32 $0xffff, v63  }
0x36b: {  	v25 =	vld [tilespmem:s29+$0x2730];
	v18 =	vmul.f32 $5.000000000e-01, v11;
	v15 =	vmul.f32 $5.000000000e-01, v30;
	s1 =	smul.f32 s0, s31  }
0x36c: {  	v29 =	vld [tilespmem:s29+$0x2700];
	v11 =	vmul.f32 $5.000000000e-01, v62;
	v14 =	vmul.f32 $5.000000000e-01, v13;
	s23 =	spop (v2sf)  }
0x36d: {  	s30 =	simm.s32 $0x400;
	v30 =	vld [tilespmem:s29+$0x4700];
	v13 =	vmul.f32 $5.000000000e-01, v60;
	v12 =	vmul.f32 $5.000000000e-01, v61;
	s0 =	smax.f32 s23, $1.000000020e-24;
	s1 =	ssub.f32 $1.500000000e+00, s1  }
.LBB2_8:
0x36e: {  	p0 =	sne.s32 s30, $0x7F00;
	v33 =	vld [tilespmem:s29+$0x6700];
	s7 =	sshra.s32 s0, $0x1;
	s0 =	smul.f32 $5.000000000e-01, s0  }
0x36f: {  	v34 =	vld [tilespmem:s29+$0x6710];
	s7 =	ssub.s32 $0x5F3759DF, s7;
	s1 =	smul.f32 s1, s31  }
0x370: {  	v35 =	vld [tilespmem:s29+$0x8700];
	s8 =	smul.f32 s7, s0  }
0x371: {  	v27 =	vadd.f32 v28, v27;
	v36 =	vld [tilespmem:s29+$0x8710];
	s1 =	smul.f32 $5.000000000e-01, s1  }
0x372: {  	v21 =	vmul.f32 $5.000000000e-01, v21;
	v28 =	vadd.f32 v30, v29;
	v32 =	vadd.f32 v32, v31;
	v30 =	vld [tilespmem:s29+$0x6730]  }
0x373: {  	v25 =	vadd.f32 v26, v25;
	v24 =	vadd.f32 v24, v27;
	s8 =	smul.f32 s7, s8;
	v31 =	vld [tilespmem:s29+$0xA710];
	v26 =	vmul.f32 s1, v6;
	v6 =	vmovc v7;
	v7 =	vmovc v20  }
0x374: {  	v20 =	vadd.f32 v33, v28;
	v27 =	vadd.f32 v34, v32;
	v28 =	vld [tilespmem:s29+$0x8730];
	v29, _, _ =	vpop (xrf2);
	v32 =	vmul.f32 s1, v0  }
0x375: {  	s8 =	ssub.f32 $1.500000000e+00, s8;
	v0 =	vmovc v4;
	v4 =	vmovc v9;
	v33 =	vld [tilespmem:s29+$0xA720];
	(v2sf) =	vpush v29, $0xF;
	v29 =	vmul.f32 s1, v1;
	v21 =	vadd.f32 v26, v21  }
0x376: {  	v9 =	vadd.f32 v35, v20;
	v1 =	vmovc v3;
	v3 =	vmovc v8;
	v20 =	vadd.f32 v36, v27;
	v26 =	vld [tilespmem:s29+$0x700];
	v27 =	vmul.f32 s1, v2  }
0x377: {  	v23 =	vadd.f32 v23, v24;
	s1 =	smul.f32 s7, s8;
	v2 =	vmovc v5;
	v5 =	vmov v10;
	v24 =	vadd.f32 v30, v25;
	v25 =	vld [tilespmem:s29+$0xA730];
	[tilespmem:s25+$0xC730] =	vst v21  }
0x378: {  	v9 =	vadd.f32 v22, v9;
	v8 =	vadd.f32 v31, v20;
	v30 =	vld [tilespmem:s29+$0x710]  }
0x379: {  	s7 =	smul.f32 s1, s0;
	v20 =	vadd.f32 v28, v24;
	v28 =	vld [tilespmem:s29+$0x720];
	v24 =	vadd.f32 v32, v17;
	v17 =	vmovc v15;
	v15 =	vmov v13  }
0x37a: {  	s8 =	sshra.s32 s30, $0x2;
	v31 =	vmul.f32 v9, v9;
	v32 =	vmul.f32 v8, v8;
	v10 =	vadd.f32 v33, v23;
	v21 =	vld [tilespmem:s26+$0x730]  }
0x37b: {  	v27 =	vadd.f32 v27, v19;
	s7 =	smul.f32 s7, s1;
	v22 =	vld [tilespmem:s8+$0xA700];
	v13 =	vmul.f32 $5.000000000e-01, v26;
	[tilespmem:s25+$0xC700] =	vst v24;
	v26 =	vadd.f32 v29, v18;
	v18 =	vmovc v16  }
0x37c: {  	v16 =	vmovc v12;
	v23 =	vld [tilespmem:s8+$0x8720];
	v29 =	vadd.f32 v32, v31;
	v31 =	vmul.f32 v10, v10;
	v20 =	vadd.f32 v25, v20  }
0x37d: {  	v19 =	vmov v14;
	v14 =	vmov v11;
	s7 =	ssub.f32 $1.500000000e+00, s7;
	v24 =	vld [tilespmem:s8+$0x6720];
	v12 =	vmul.f32 $5.000000000e-01, v30;
	[tilespmem:s25+$0xC710] =	vst v26  }
0x37e: {  	v25 =	vld [tilespmem:s8+$0x2730];
	[tilespmem:s25+$0xC720] =	vst v27;
	s25 =	smov.u32 s26  }
0x37f: {  	v29 =	vadd.f32 v31, v29;
	v30 =	vmul.f32 v20, v20;
	v11 =	vmul.f32 $5.000000000e-01, v28;
	s26 =	smov.u32 s28;
	s28 =	smov.u32 s29;
	s31 =	smul.f32 s7, s1  }
0x380: {  	s29 =	smov.u32 s8;
	v26 =	vld [tilespmem:s8+$0x4730]  }
0x381: {  	v27 =	vld [tilespmem:s29+$0x2720];
	v30 =	vadd.f32 v30, v29;
	s0 =	smul.f32 s31, s0  }
.Ltmp3:
0x382: {  	v28 =	vld [tilespmem:s29+$0x4720];
	(pc) =	sbr.rel @p0 .LBB2_8-.Ltmp3, $4  }
0x383: {  	v29 =	vld [tilespmem:s29+$0x2700];
	(xrf2) =	vadd.scan.msk.f32 $0xffff, v30  }
0x384: {  	s1 =	smul.f32 s0, s31;
	v30 =	vld [tilespmem:s29+$0x4700]  }
0x385: {  	v31 =	vld [tilespmem:s29+$0x2710];
	s0 =	spop (v2sf)  }
0x386: {  	s30 =	sadd.s32 $0x100, s30;
	s1 =	ssub.f32 $1.500000000e+00, s1;
	v32 =	vld [tilespmem:s29+$0x4710];
	s0 =	smax.f32 s0, $1.000000020e-24  }
0x387: {  	v33 =	vld [tilespmem:s29+$0x6700]  }
0x388: {  	v34 =	vld [tilespmem:s29+$0x6710]  }
0x389: {  	v35 =	vld [tilespmem:s29+$0x8700]  }
0x38a: {  	v36 =	vld [tilespmem:s29+$0x8710]  }
0x38b: {  	v58 =	vld [tilespmem:s29+$0x6730];
	v29 =	vadd.f32 v30, v29;
	v57 =	vadd.f32 v32, v31  }
0x38c: {  	v27 =	vadd.f32 v28, v27;
	v59 =	vld [tilespmem:s29+$0xA710]  }
0x38d: {  	v61 =	vld [tilespmem:s29+$0xA720];
	v29 =	vadd.f32 v33, v29;
	v30 =	vadd.f32 v34, v57  }
0x38e: {  	v60 =	vld [tilespmem:s29+$0x8730];
	v25 =	vadd.f32 v26, v25;
	v24 =	vadd.f32 v24, v27  }
0x38f: {  	v62 =	vadd.f32 v35, v29;
	v63 =	vadd.f32 v36, v30  }
0x390: {  	v23 =	vadd.f32 v23, v24;
	v33 =	vadd.f32 v58, v25;
	v34 =	vld [tilespmem:s29+$0xA730]  }
0x391: {  	v22 =	vadd.f32 v22, v62;
	v35 =	vadd.f32 v59, v63  }
0x392: {  	v23 =	vadd.f32 v61, v23  }
0x393: {  	v24 =	vadd.f32 v60, v33;
	v36 =	vmul.f32 v22, v22;
	v29 =	vmul.f32 v35, v35;
	_ =	sdelay $0x1  }
0x394: {  	v38 =	vmul.f32 v23, v23;
	v24 =	vadd.f32 v34, v24;
	v37 =	vadd.f32 v29, v36;
	_ =	sdelay $0x1  }
0x395: {  	v40 =	vmul.f32 v24, v24;
	v39 =	vadd.f32 v38, v37;
	_ =	sdelay $0x1  }
0x396: {  	v25 =	vadd.f32 v40, v39  }
0x397: {  	v41, _, _ =	vpop (xrf2)  }
0x398: {  	(v2sf) =	vpush v41, $0xF;
	(xrf2) =	vadd.scan.msk.f32 $0xffff, v25;
	_ =	sdelay $0x5  }
0x399: {  	s7 =	sshra.s32 s0, $0x1;
	s30 =	smul.f32 $5.000000000e-01, s0  }
0x39a: {  	s7 =	ssub.s32 $0x5F3759DF, s7  }
0x39b: {  	s8 =	smul.f32 s7, s30;
	_ =	sdelay $0x1  }
0x39c: {  	s8 =	smul.f32 s7, s8;
	v25, _, _ =	vpop (xrf2)  }
0x39d: {  	(v2sf) =	vpush v25, $0xF  }
0x39e: {  	s8 =	ssub.f32 $1.500000000e+00, s8;
	_ =	sdelay $0x1  }
0x39f: {  	s7 =	smul.f32 s7, s8  }
0x3a0: {  	s22 =	spop (v2sf)  }
0x3a1: {  	s9 =	smul.f32 s7, s30;
	s8 =	smax.f32 s22, $1.000000020e-24  }
0x3a2: {  	s22 =	sshra.s32 s8, $0x1;
	s8 =	smul.f32 $5.000000000e-01, s8  }
0x3a3: {  	s9 =	smul.f32 s9, s7;
	s22 =	ssub.s32 $0x5F3759DF, s22  }
0x3a4: {  	s23 =	smul.f32 s22, s8  }
0x3a5: {  	s1 =	smul.f32 s1, s31;
	s9 =	ssub.f32 $1.500000000e+00, s9  }
0x3a6: {  	s23 =	smul.f32 s22, s23  }
0x3a7: {  	s7 =	smul.f32 s9, s7  }
0x3a8: {  	s1 =	smul.f32 $5.000000000e-01, s1;
	s23 =	ssub.f32 $1.500000000e+00, s23  }
0x3a9: {  	s0 =	smul.f32 s7, s30  }
0x3aa: {  	s9 =	smul.f32 s22, s23  }
0x3ab: {  	v21 =	vmul.f32 $5.000000000e-01, v21;
	v6 =	vmul.f32 s1, v6;
	s0 =	smul.f32 s0, s7;
	s30 =	spop (v2sf)  }
0x3ac: {  	s31 =	smul.f32 s9, s8;
	s22 =	smax.f32 s30, $1.000000020e-24  }
0x3ad: {  	v6 =	vadd.f32 v6, v21;
	s30 =	sshra.s32 s22, $0x1;
	s22 =	smul.f32 $5.000000000e-01, s22  }
0x3ae: {  	s0 =	ssub.f32 $1.500000000e+00, s0;
	s23 =	smul.f32 s31, s9;
	s30 =	ssub.s32 $0x5F3759DF, s30  }
0x3af: {  	v42 =	vld [tilespmem:s29+$0x700];
	[tilespmem:s25+$0xC730] =	vst v6;
	s31 =	smul.f32 s30, s22  }
0x3b0: {  	v6 =	vld [tilespmem:s26+$0x730];
	s0 =	smul.f32 s0, s7;
	s23 =	ssub.f32 $1.500000000e+00, s23  }
0x3b1: {  	s31 =	smul.f32 s30, s31  }
0x3b2: {  	v0 =	vmul.f32 s1, v0;
	s7 =	smul.f32 s23, s9  }
0x3b3: {  	v1 =	vmul.f32 s1, v1;
	s0 =	smul.f32 $5.000000000e-01, s0;
	s31 =	ssub.f32 $1.500000000e+00, s31  }
0x3b4: {  	v2 =	vmul.f32 s1, v2;
	v0 =	vadd.f32 v0, v17;
	s8 =	smul.f32 s7, s8  }
0x3b5: {  	v1 =	vadd.f32 v1, v18;
	v43 =	vld [tilespmem:s29+$0x710];
	v6 =	vmul.f32 $5.000000000e-01, v6;
	v7 =	vmul.f32 s0, v7;
	s23 =	smul.f32 s30, s31  }
0x3b6: {  	v45 =	vadd.f32 v2, v19;
	v44 =	vld [tilespmem:s29+$0x720];
	[tilespmem:s25+$0xC700] =	vst v0;
	s1 =	smul.f32 s8, s7  }
0x3b7: {  	[tilespmem:s25+$0xC710] =	vst v1;
	v46 =	vadd.f32 v7, v6;
	s9 =	smul.f32 s23, s22  }
0x3b8: {  	[tilespmem:s25+$0xC720] =	vst v45;
	s1 =	ssub.f32 $1.500000000e+00, s1  }
0x3b9: {  	[tilespmem:s26+$0xC730] =	vst v46;
	s9 =	smul.f32 s9, s23  }
0x3ba: {  	v0 =	vld [tilespmem:s28+$0x730];
	s1 =	smul.f32 s1, s7  }
0x3bb: {  	s30 =	ssub.f32 $1.500000000e+00, s9  }
0x3bc: {  	v47 =	vmul.f32 s0, v4;
	s1 =	smul.f32 $5.000000000e-01, s1  }
0x3bd: {  	v48 =	vmul.f32 s0, v3;
	s7 =	smul.f32 s30, s23  }
0x3be: {  	v49 =	vmul.f32 s0, v5;
	v1 =	vadd.f32 v47, v15  }
0x3bf: {  	v2 =	vadd.f32 v48, v16;
	v0 =	vmul.f32 $5.000000000e-01, v0;
	v50 =	vmul.f32 s1, v20;
	s31 =	smul.f32 s7, s22  }
0x3c0: {  	v51 =	vadd.f32 v49, v14;
	[tilespmem:s26+$0xC700] =	vst v1  }
0x3c1: {  	[tilespmem:s26+$0xC710] =	vst v2;
	v0 =	vadd.f32 v50, v0;
	s0 =	smul.f32 s31, s7  }
0x3c2: {  	[tilespmem:s26+$0xC720] =	vst v51  }
0x3c3: {  	[tilespmem:s28+$0xC730] =	vst v0;
	s0 =	ssub.f32 $1.500000000e+00, s0  }
0x3c4: {  	v0 =	vld [tilespmem:s29+$0x730]  }
0x3c5: {  	s0 =	smul.f32 s0, s7  }
0x3c6: {  	v52 =	vmul.f32 s1, v9  }
0x3c7: {  	v53 =	vmul.f32 s1, v8;
	s0 =	smul.f32 $5.000000000e-01, s0  }
0x3c8: {  	v54 =	vmul.f32 s1, v10;
	v1 =	vadd.f32 v52, v13  }
0x3c9: {  	v2 =	vadd.f32 v53, v12;
	v0 =	vmul.f32 $5.000000000e-01, v0;
	v55 =	vmul.f32 s0, v24  }
0x3ca: {  	v56 =	vmul.f32 $5.000000000e-01, v42;
	v57 =	vadd.f32 v54, v11;
	[tilespmem:s28+$0xC700] =	vst v1;
	v58 =	vmul.f32 s0, v22  }
0x3cb: {  	v59 =	vmul.f32 $5.000000000e-01, v43;
	[tilespmem:s28+$0xC710] =	vst v2;
	v60 =	vmul.f32 s0, v35;
	v0 =	vadd.f32 v55, v0  }
0x3cc: {  	v61 =	vmul.f32 $5.000000000e-01, v44;
	[tilespmem:s28+$0xC720] =	vst v57;
	v62 =	vmul.f32 s0, v23;
	v3 =	vadd.f32 v58, v56  }
0x3cd: {  	v63 =	vadd.f32 v60, v59;
	[tilespmem:s29+$0xC730] =	vst v0  }
0x3ce: {  	s24 =	sadd.s32 $0x1, s24;
	v1 =	vadd.f32 v62, v61;
	[tilespmem:s29+$0xC700] =	vst v3  }
0x3cf: {  	p0 =	sne.s32 s24, s11;
	[tilespmem:s29+$0xC710] =	vst v63  }
.Ltmp4:
0x3d0: {  	[tilespmem:s29+$0xC720] =	vst v1;
	(pc) =	sbr.rel @p0 .LBB2_1-.Ltmp4, $4  }
0x3d1: {  	[hbm4b:s10+s2] =	stream.linear.scatter [tilespmem:s21], [sflag:$0x3], $0x2000, $0x38;
	[tilespmem:$0xE700] =	vst v63  }
0x3d2: {  	_ =	swait.ge [sflag:s12], $0x2000  }
0x3d3: {  	[sflag:s12] =	ssyncset.done $0x0  }
0x3d4: {  	[sflag:s12] =	ssyncadd.s32 $0xFFFFE000  }
0x3d5: {  	_ =	sfence.sel $0x180000  }
0x3d6: {  	[bflag:$0x0] =	sbarrier.arrive $0xFFFF  }
0x3d7: {  	_ =	strace $0x90000047  }
0x3d8: {  	s0 =	stileid.u32;
	[bflag:$0x2] =	sbarrier.arrive $0xFFFF  }
0x3d9: {  	p0 =	sne.s32 s0, $0x0;
	s0 =	rddreg [dreg:$0x3]  }
0x3da: {  	s0 =	sadd.s32 @!p0 $0x100000, s0  }
0x3db: {  	[sflag:s0] =	ssyncadd.tile.s32 @!p0 $0x1;
	_ =	shalt  }
.Lfunc_end2:
_tile_overlayer_lowered:
.L_overlay_start_2:
0x3dc: {  	(tag) =	ssettag $0x2  }
0x3dd: {  	s0 =	rddreg [dreg:$0x0];
	s2 =	stileid.u32  }
0x3de: {  	s1 =	rddreg [dreg:$0x1];
	p0 =	sne.s32 s2, $0x0  }
0x3df: {  	s3 =	rddreg [dreg:$0x2];
	[bflag:$0x3] =	sbarrier.arrive $0xFFFF;
	s2 =	simm.s32 @!p0 $0x1C03  }
0x3e0: {  	[timem:s3], [sflag:s2] =	dma.local @!p0 [hbm:s0], s1  }
0x3e1: {  	s0 =	simm.s32 @!p0 $0x3  }
0x3e2: {  	_ =	swait.ge @!p0 [sflag:s0], s1  }
0x3e3: {  	s1 =	ssub.s32 @!p0 $0x0, s1;
	[sflag:s0] =	ssyncset.done @!p0 $0x0  }
0x3e4: {  	[sflag:s0] =	ssyncadd.s32 @!p0 s1  }
0x3e5: {  	[bflag:$0x3] =	sbarrier.arrive $0xFFFF  }
0x3e6: {  	_ =	shalt  }

</sc_bundles>
